<compile_context>
chip_gen: v7x
topology: tpu7x:2x2x1
jax: 0.10.2.dev20260603
libtpu: 0.0.44.dev20260713+nightly
codegen_flags: <defaults>
</compile_context>

<pallas_src>
import jax
import jax.numpy as jnp
from jax import lax
from jax.experimental import pallas as pl
from jax.experimental.pallas import tpu as pltpu
from jax.experimental.pallas import tpu_sc as plsc

N_CB = 256
D = 10000
B = 4096
L = 16
NC = 2
NS = 16
NW = NC * NS
BPW = B // NW
DPAD = 10112
NBUF = 2
UNROLL = 5


def _body(mem_hbm, item_hbm, pos_hbm, gate_hbm, codes_hbm, out_hbm,
          idx_v, gate_v, code_v, mem_v, item_v, out_v, c_sem, m_sem, i_sem, o_sem):
    wid = lax.axis_index("s") * NC + lax.axis_index("c")
    base = wid * BPW

    pltpu.sync_copy(pos_hbm.at[pl.ds(base * 8, BPW * 8)], idx_v)
    pltpu.sync_copy(gate_hbm.at[pl.ds(base * L, BPW * L)], gate_v)

    ncb = jnp.full((L,), N_CB, jnp.int32)
    for i in range(BPW * 8 // L):
        s = pl.ds(i * L, L)
        idx_v[s] = lax.rem(idx_v[s], ncb)

    def issue_in(r, b):
        pltpu.async_copy(
            codes_hbm.at[idx_v.at[pl.ds(pl.multiple_of(r * 8, 8), 1)]],
            code_v.at[b], c_sem.at[b])
        pltpu.async_copy(mem_hbm.at[pl.ds(base + r, 1)], mem_v.at[b], m_sem.at[b])
        pltpu.async_copy(item_hbm.at[pl.ds(base + r, 1)], item_v.at[b], i_sem.at[b])

    for b in range(NBUF):
        issue_in(b, b)

    def step(g, carry):
        for b in range(NBUF):
            r = g * NBUF + b
            pltpu.make_async_copy(codes_hbm.at[pl.ds(0, 1)], code_v.at[b], c_sem.at[b]).wait()
            pltpu.make_async_copy(mem_hbm.at[pl.ds(0, 1)], mem_v.at[b], m_sem.at[b]).wait()
            pltpu.make_async_copy(item_hbm.at[pl.ds(0, 1)], item_v.at[b], i_sem.at[b]).wait()

            @pl.when(g > 0)
            def _wait_out():
                pltpu.make_async_copy(out_v.at[b], out_hbm.at[pl.ds(0, 1)], o_sem.at[b]).wait()

            gv = gate_v[pl.ds(pl.multiple_of(r * L, L), L)]
            one_m_g = 1.0 - gv

            def col(j, c2):
                loaded = []
                for u in range(UNROLL):
                    cs = pl.ds(j * (L * UNROLL) + u * L, L)
                    loaded.append((mem_v.at[b][0, cs], item_v.at[b][0, cs],
                                   code_v.at[b][0, cs]))
                for u in range(UNROLL):
                    cs = pl.ds(j * (L * UNROLL) + u * L, L)
                    m, it, cd = loaded[u]
                    out_v.at[b][0, cs] = gv * m + one_m_g * (it * cd)
                return c2

            lax.fori_loop(0, D // L // UNROLL, col, 0)

            pltpu.async_copy(out_v.at[b], out_hbm.at[pl.ds(base + r, 1)], o_sem.at[b])

            @pl.when(r + NBUF < BPW)
            def _prefetch():
                issue_in(r + NBUF, b)
        return carry

    lax.fori_loop(0, BPW // NBUF, step, 0)

    for b in range(NBUF):
        pltpu.make_async_copy(out_v.at[b], out_hbm.at[pl.ds(0, 1)], o_sem.at[b]).wait()


@jax.jit
def kernel(memory, item, position, gate, position_codes):
    pos8 = jnp.repeat(position.astype(jnp.int32), 8)
    gate16 = jnp.repeat(gate.reshape(-1), L)
    codes_pad = jnp.pad(position_codes, ((0, 0), (0, DPAD - D)))
    f = pl.kernel(
        _body,
        out_type=jax.ShapeDtypeStruct((B, D), jnp.float32),
        mesh=plsc.VectorSubcoreMesh(core_axis_name="c", subcore_axis_name="s"),
        compiler_params=pltpu.CompilerParams(use_tc_tiling_on_sc=True),
        scratch_types=[
            pltpu.VMEM((BPW * 8,), jnp.int32),
            pltpu.VMEM((BPW * L,), jnp.float32),
            pltpu.VMEM((NBUF, 1, DPAD), jnp.float32),
            pltpu.VMEM((NBUF, 1, D), jnp.float32),
            pltpu.VMEM((NBUF, 1, D), jnp.float32),
            pltpu.VMEM((NBUF, 1, D), jnp.float32),
            pltpu.SemaphoreType.DMA((NBUF,)),
            pltpu.SemaphoreType.DMA((NBUF,)),
            pltpu.SemaphoreType.DMA((NBUF,)),
            pltpu.SemaphoreType.DMA((NBUF,)),
        ],
    )
    return f(memory, item, pos8, gate16, codes_pad)

# --- scband reference (transcript-rebuilt; emitter-appended) ---
"""Pipeline reference for scband-hdcmemory-4836133175695 (READ-ONLY COPY).

The authoritative reference and input builder live on the scoring server;
editing this copy changes nothing except your own understanding.
"""

import jax, jax.numpy as jnp
import numpy as np

N_CODEBOOK = 256
HDC_DIM = 10000
BATCH = 4096


def setup_inputs(seed: int = 0) -> dict:
    key = jax.random.key(seed)
    k_mem, k_item, k_pos, k_gate, k_cb = jax.random.split(key, 5)
    memory = jax.random.normal(k_mem, (BATCH, HDC_DIM), dtype=jnp.float32)
    item = jax.random.normal(k_item, (BATCH, HDC_DIM), dtype=jnp.float32)
    position = jax.random.randint(k_pos, (BATCH,), 0, N_CODEBOOK, dtype=jnp.int64)
    gate = jax.random.uniform(k_gate, (BATCH, 1), dtype=jnp.float32)
    # buffer: bipolar codebook, sign(randn) with zeros mapped to +1
    cb = jnp.sign(jax.random.normal(k_cb, (N_CODEBOOK, HDC_DIM), dtype=jnp.float32))
    position_codes = jnp.where(cb == 0, jnp.ones_like(cb), cb)
    return {
        "memory": memory,
        "item": item,
        "position": position,
        "gate": gate,
        "position_codes": position_codes,
    }


def reference(memory, item, position, gate, position_codes):
    # HDCMemory.write(memory, item, position, gate)
    # encode_position: embedding-style gather with modular indexing
    idx = position % position_codes.shape[0]
    pos_code = jnp.take(position_codes, idx, axis=0)  # (B, hdc_dim)
    # bind: element-wise multiply (bipolar XOR)
    bound = item * pos_code
    # gated write: gate * memory + (1 - gate) * bound
    out = gate * memory + (1.0 - gate) * bound
    return out

if __name__ == "__main__":
    import jax
    _d = setup_inputs()
    print(jax.jit(kernel)(*tuple(_d.values())))

</pallas_src>

<mosaic_0001>
#map = affine_map<(d0, d1) -> (0, 0)>
#map1 = affine_map<(d0, d1) -> (0)>
module attributes {stable_mosaic.version = 14 : i64} {
  func.func @_body(%arg0: i32, %arg1: i32, %arg2: memref<4096x10000xf32, #tpu.memory_space<hbm>>, %arg3: memref<4096x10000xf32, #tpu.memory_space<hbm>>, %arg4: memref<32768xi32, #tpu.memory_space<hbm>>, %arg5: memref<65536xf32, #tpu.memory_space<hbm>>, %arg6: memref<256x10112xf32, #tpu.memory_space<hbm>>, %arg7: memref<4096x10000xf32, #tpu.memory_space<hbm>>, %arg8: memref<1024xi32, #tpu.memory_space<vmem>>, %arg9: memref<2048xf32, #tpu.memory_space<vmem>>, %arg10: memref<2x1x10112xf32, #tpu.memory_space<vmem>>, %arg11: memref<2x1x10000xf32, #tpu.memory_space<vmem>>, %arg12: memref<2x1x10000xf32, #tpu.memory_space<vmem>>, %arg13: memref<2x1x10000xf32, #tpu.memory_space<vmem>>, %arg14: memref<2x!tpu.dma_semaphore, #tpu.memory_space<semaphore_mem>>, %arg15: memref<2x!tpu.dma_semaphore, #tpu.memory_space<semaphore_mem>>, %arg16: memref<2x!tpu.dma_semaphore, #tpu.memory_space<semaphore_mem>>, %arg17: memref<2x!tpu.dma_semaphore, #tpu.memory_space<semaphore_mem>>) attributes {dimension_semantics = [#tpu.dimension_semantics<core_parallel>, #tpu.dimension_semantics<subcore_parallel>], iteration_bounds = array<i64: 2, 16>, scalar_prefetch = 0 : i64, scratch_operands = 10 : i64, tpu.core_type = #tpu.core_type<sc_vector_subcore>, window_params = [{transform_indices = #map}, {transform_indices = #map}, {transform_indices = #map1}, {transform_indices = #map1}, {transform_indices = #map}, {transform_indices = #map}]} {
    %mul3A = arith.constant 2 : i32
    %mul3A_0 = arith.muli %arg1, %mul3A : i32
    %add3A = arith.addi %mul3A_0, %arg0 : i32
    %mul3A_1 = arith.constant 128 : i32
    %mul3A_2 = arith.muli %add3A, %mul3A_1 : i32
    %mul3A_3 = arith.constant 8 : i32
    %mul3A_4 = arith.muli %mul3A_2, %mul3A_3 : i32
    "tpu.region"() ({
      %run_scoped3A = tpu.sem_alloc : memref<!tpu.dma_semaphore, #tpu.memory_space<semaphore_mem>>
      %dma_start3A_655 = tpu.memref_slice %arg4[%mul3A_4] : memref<32768xi32, #tpu.memory_space<hbm>> -> memref<1024xi32, #tpu.memory_space<hbm>>
      %dma_start3A_656 = tpu.memref_slice %arg4[%mul3A_4] : memref<32768xi32, #tpu.memory_space<hbm>> -> memref<1024xi32, #tpu.memory_space<hbm>>
      tpu.enqueue_dma source(%dma_start3A_656 : memref<1024xi32, #tpu.memory_space<hbm>>) target(%arg8 : memref<1024xi32, #tpu.memory_space<vmem>>) target_semaphore(%run_scoped3A : memref<!tpu.dma_semaphore, #tpu.memory_space<semaphore_mem>>)
      %dma_wait3A_657 = tpu.memref_slice %arg4[%mul3A_4] : memref<32768xi32, #tpu.memory_space<hbm>> -> memref<1024xi32, #tpu.memory_space<hbm>>
      %dma_wait3A_658 = tpu.memref_slice %arg4[%mul3A_4] : memref<32768xi32, #tpu.memory_space<hbm>> -> memref<1024xi32, #tpu.memory_space<hbm>>
      tpu.wait_dma2 semaphore(%run_scoped3A : memref<!tpu.dma_semaphore, #tpu.memory_space<semaphore_mem>>) src(%dma_wait3A_658 : memref<1024xi32, #tpu.memory_space<hbm>>) dst(%arg8 : memref<1024xi32, #tpu.memory_space<vmem>>)
      tpu.yield
    }) : () -> ()
    %mul3A_5 = arith.constant 16 : i32
    %mul3A_6 = arith.muli %mul3A_2, %mul3A_5 : i32
    "tpu.region"() ({
      %run_scoped3A = tpu.sem_alloc : memref<!tpu.dma_semaphore, #tpu.memory_space<semaphore_mem>>
      %dma_start3A_655 = tpu.memref_slice %arg5[%mul3A_6] : memref<65536xf32, #tpu.memory_space<hbm>> -> memref<2048xf32, #tpu.memory_space<hbm>>
      %dma_start3A_656 = tpu.memref_slice %arg5[%mul3A_6] : memref<65536xf32, #tpu.memory_space<hbm>> -> memref<2048xf32, #tpu.memory_space<hbm>>
      tpu.enqueue_dma source(%dma_start3A_656 : memref<2048xf32, #tpu.memory_space<hbm>>) target(%arg9 : memref<2048xf32, #tpu.memory_space<vmem>>) target_semaphore(%run_scoped3A : memref<!tpu.dma_semaphore, #tpu.memory_space<semaphore_mem>>)
      %dma_wait3A_657 = tpu.memref_slice %arg5[%mul3A_6] : memref<65536xf32, #tpu.memory_space<hbm>> -> memref<2048xf32, #tpu.memory_space<hbm>>
      %dma_wait3A_658 = tpu.memref_slice %arg5[%mul3A_6] : memref<65536xf32, #tpu.memory_space<hbm>> -> memref<2048xf32, #tpu.memory_space<hbm>>
      tpu.wait_dma2 semaphore(%run_scoped3A : memref<!tpu.dma_semaphore, #tpu.memory_space<semaphore_mem>>) src(%dma_wait3A_658 : memref<2048xf32, #tpu.memory_space<hbm>>) dst(%arg9 : memref<2048xf32, #tpu.memory_space<vmem>>)
      tpu.yield
    }) : () -> ()
    %broadcast_in_dim3A = arith.constant 256 : i32
    %broadcast_in_dim3A_7 = vector.broadcast %broadcast_in_dim3A : i32 to vector<16xi32>
    %get3A = arith.constant 0 : index
    %get3A_8 = tpu.vector_load %arg8[%get3A] {strides = array<i32>} : memref<1024xi32, #tpu.memory_space<vmem>>, vector<16xi32>,
    %get3A_9 = vector.shape_cast %get3A_8 : vector<16xi32> to vector<16xi32>
    %rem3A = arith.remsi %get3A_9, %broadcast_in_dim3A_7 : vector<16xi32>
    %swap3A = arith.constant 0 : index
    %swap3A_10 = tpu.vector_load %arg8[%swap3A] {strides = array<i32>} : memref<1024xi32, #tpu.memory_space<vmem>>, vector<16xi32>,
    %swap3A_11 = vector.shape_cast %swap3A_10 : vector<16xi32> to vector<16xi32>
    %swap3A_12 = vector.shape_cast %rem3A : vector<16xi32> to vector<16xi32>
    tpu.vector_store %arg8[%swap3A], %swap3A_12 {strides = array<i32>} : memref<1024xi32, #tpu.memory_space<vmem>>, vector<16xi32>,
    %get3A_13 = arith.constant 16 : index
    %get3A_14 = tpu.vector_load %arg8[%get3A_13] {strides = array<i32>} : memref<1024xi32, #tpu.memory_space<vmem>>, vector<16xi32>,
    %get3A_15 = vector.shape_cast %get3A_14 : vector<16xi32> to vector<16xi32>
    %rem3A_16 = arith.remsi %get3A_15, %broadcast_in_dim3A_7 : vector<16xi32>
    %swap3A_17 = arith.constant 16 : index
    %swap3A_18 = tpu.vector_load %arg8[%swap3A_17] {strides = array<i32>} : memref<1024xi32, #tpu.memory_space<vmem>>, vector<16xi32>,
    %swap3A_19 = vector.shape_cast %swap3A_18 : vector<16xi32> to vector<16xi32>
    %swap3A_20 = vector.shape_cast %rem3A_16 : vector<16xi32> to vector<16xi32>
    tpu.vector_store %arg8[%swap3A_17], %swap3A_20 {strides = array<i32>} : memref<1024xi32, #tpu.memory_space<vmem>>, vector<16xi32>,
    %get3A_21 = arith.constant 32 : index
    %get3A_22 = tpu.vector_load %arg8[%get3A_21] {strides = array<i32>} : memref<1024xi32, #tpu.memory_space<vmem>>, vector<16xi32>,
    %get3A_23 = vector.shape_cast %get3A_22 : vector<16xi32> to vector<16xi32>
    %rem3A_24 = arith.remsi %get3A_23, %broadcast_in_dim3A_7 : vector<16xi32>
    %swap3A_25 = arith.constant 32 : index
    %swap3A_26 = tpu.vector_load %arg8[%swap3A_25] {strides = array<i32>} : memref<1024xi32, #tpu.memory_space<vmem>>, vector<16xi32>,
    %swap3A_27 = vector.shape_cast %swap3A_26 : vector<16xi32> to vector<16xi32>
    %swap3A_28 = vector.shape_cast %rem3A_24 : vector<16xi32> to vector<16xi32>
    tpu.vector_store %arg8[%swap3A_25], %swap3A_28 {strides = array<i32>} : memref<1024xi32, #tpu.memory_space<vmem>>, vector<16xi32>,
    %get3A_29 = arith.constant 48 : index
    %get3A_30 = tpu.vector_load %arg8[%get3A_29] {strides = array<i32>} : memref<1024xi32, #tpu.memory_space<vmem>>, vector<16xi32>,
    %get3A_31 = vector.shape_cast %get3A_30 : vector<16xi32> to vector<16xi32>
    %rem3A_32 = arith.remsi %get3A_31, %broadcast_in_dim3A_7 : vector<16xi32>
    %swap3A_33 = arith.constant 48 : index
    %swap3A_34 = tpu.vector_load %arg8[%swap3A_33] {strides = array<i32>} : memref<1024xi32, #tpu.memory_space<vmem>>, vector<16xi32>,
    %swap3A_35 = vector.shape_cast %swap3A_34 : vector<16xi32> to vector<16xi32>
    %swap3A_36 = vector.shape_cast %rem3A_32 : vector<16xi32> to vector<16xi32>
    tpu.vector_store %arg8[%swap3A_33], %swap3A_36 {strides = array<i32>} : memref<1024xi32, #tpu.memory_space<vmem>>, vector<16xi32>,
    %get3A_37 = arith.constant 64 : index
    %get3A_38 = tpu.vector_load %arg8[%get3A_37] {strides = array<i32>} : memref<1024xi32, #tpu.memory_space<vmem>>, vector<16xi32>,
    %get3A_39 = vector.shape_cast %get3A_38 : vector<16xi32> to vector<16xi32>
    %rem3A_40 = arith.remsi %get3A_39, %broadcast_in_dim3A_7 : vector<16xi32>
    %swap3A_41 = arith.constant 64 : index
    %swap3A_42 = tpu.vector_load %arg8[%swap3A_41] {strides = array<i32>} : memref<1024xi32, #tpu.memory_space<vmem>>, vector<16xi32>,
    %swap3A_43 = vector.shape_cast %swap3A_42 : vector<16xi32> to vector<16xi32>
    %swap3A_44 = vector.shape_cast %rem3A_40 : vector<16xi32> to vector<16xi32>
    tpu.vector_store %arg8[%swap3A_41], %swap3A_44 {strides = array<i32>} : memref<1024xi32, #tpu.memory_space<vmem>>, vector<16xi32>,
    %get3A_45 = arith.constant 80 : index
    %get3A_46 = tpu.vector_load %arg8[%get3A_45] {strides = array<i32>} : memref<1024xi32, #tpu.memory_space<vmem>>, vector<16xi32>,
    %get3A_47 = vector.shape_cast %get3A_46 : vector<16xi32> to vector<16xi32>
    %rem3A_48 = arith.remsi %get3A_47, %broadcast_in_dim3A_7 : vector<16xi32>
    %swap3A_49 = arith.constant 80 : index
    %swap3A_50 = tpu.vector_load %arg8[%swap3A_49] {strides = array<i32>} : memref<1024xi32, #tpu.memory_space<vmem>>, vector<16xi32>,
    %swap3A_51 = vector.shape_cast %swap3A_50 : vector<16xi32> to vector<16xi32>
    %swap3A_52 = vector.shape_cast %rem3A_48 : vector<16xi32> to vector<16xi32>
    tpu.vector_store %arg8[%swap3A_49], %swap3A_52 {strides = array<i32>} : memref<1024xi32, #tpu.memory_space<vmem>>, vector<16xi32>,
    %get3A_53 = arith.constant 96 : index
    %get3A_54 = tpu.vector_load %arg8[%get3A_53] {strides = array<i32>} : memref<1024xi32, #tpu.memory_space<vmem>>, vector<16xi32>,
    %get3A_55 = vector.shape_cast %get3A_54 : vector<16xi32> to vector<16xi32>
    %rem3A_56 = arith.remsi %get3A_55, %broadcast_in_dim3A_7 : vector<16xi32>
    %swap3A_57 = arith.constant 96 : index
    %swap3A_58 = tpu.vector_load %arg8[%swap3A_57] {strides = array<i32>} : memref<1024xi32, #tpu.memory_space<vmem>>, vector<16xi32>,
    %swap3A_59 = vector.shape_cast %swap3A_58 : vector<16xi32> to vector<16xi32>
    %swap3A_60 = vector.shape_cast %rem3A_56 : vector<16xi32> to vector<16xi32>
    tpu.vector_store %arg8[%swap3A_57], %swap3A_60 {strides = array<i32>} : memref<1024xi32, #tpu.memory_space<vmem>>, vector<16xi32>,
    %get3A_61 = arith.constant 112 : index
    %get3A_62 = tpu.vector_load %arg8[%get3A_61] {strides = array<i32>} : memref<1024xi32, #tpu.memory_space<vmem>>, vector<16xi32>,
    %get3A_63 = vector.shape_cast %get3A_62 : vector<16xi32> to vector<16xi32>
    %rem3A_64 = arith.remsi %get3A_63, %broadcast_in_dim3A_7 : vector<16xi32>
    %swap3A_65 = arith.constant 112 : index
    %swap3A_66 = tpu.vector_load %arg8[%swap3A_65] {strides = array<i32>} : memref<1024xi32, #tpu.memory_space<vmem>>, vector<16xi32>,
    %swap3A_67 = vector.shape_cast %swap3A_66 : vector<16xi32> to vector<16xi32>
    %swap3A_68 = vector.shape_cast %rem3A_64 : vector<16xi32> to vector<16xi32>
    tpu.vector_store %arg8[%swap3A_65], %swap3A_68 {strides = array<i32>} : memref<1024xi32, #tpu.memory_space<vmem>>, vector<16xi32>,
    %get3A_69 = arith.constant 128 : index
    %get3A_70 = tpu.vector_load %arg8[%get3A_69] {strides = array<i32>} : memref<1024xi32, #tpu.memory_space<vmem>>, vector<16xi32>,
    %get3A_71 = vector.shape_cast %get3A_70 : vector<16xi32> to vector<16xi32>
    %rem3A_72 = arith.remsi %get3A_71, %broadcast_in_dim3A_7 : vector<16xi32>
    %swap3A_73 = arith.constant 128 : index
    %swap3A_74 = tpu.vector_load %arg8[%swap3A_73] {strides = array<i32>} : memref<1024xi32, #tpu.memory_space<vmem>>, vector<16xi32>,
    %swap3A_75 = vector.shape_cast %swap3A_74 : vector<16xi32> to vector<16xi32>
    %swap3A_76 = vector.shape_cast %rem3A_72 : vector<16xi32> to vector<16xi32>
    tpu.vector_store %arg8[%swap3A_73], %swap3A_76 {strides = array<i32>} : memref<1024xi32, #tpu.memory_space<vmem>>, vector<16xi32>,
    %get3A_77 = arith.constant 144 : index
    %get3A_78 = tpu.vector_load %arg8[%get3A_77] {strides = array<i32>} : memref<1024xi32, #tpu.memory_space<vmem>>, vector<16xi32>,
    %get3A_79 = vector.shape_cast %get3A_78 : vector<16xi32> to vector<16xi32>
    %rem3A_80 = arith.remsi %get3A_79, %broadcast_in_dim3A_7 : vector<16xi32>
    %swap3A_81 = arith.constant 144 : index
    %swap3A_82 = tpu.vector_load %arg8[%swap3A_81] {strides = array<i32>} : memref<1024xi32, #tpu.memory_space<vmem>>, vector<16xi32>,
    %swap3A_83 = vector.shape_cast %swap3A_82 : vector<16xi32> to vector<16xi32>
    %swap3A_84 = vector.shape_cast %rem3A_80 : vector<16xi32> to vector<16xi32>
    tpu.vector_store %arg8[%swap3A_81], %swap3A_84 {strides = array<i32>} : memref<1024xi32, #tpu.memory_space<vmem>>, vector<16xi32>,
    %get3A_85 = arith.constant 160 : index
    %get3A_86 = tpu.vector_load %arg8[%get3A_85] {strides = array<i32>} : memref<1024xi32, #tpu.memory_space<vmem>>, vector<16xi32>,
    %get3A_87 = vector.shape_cast %get3A_86 : vector<16xi32> to vector<16xi32>
    %rem3A_88 = arith.remsi %get3A_87, %broadcast_in_dim3A_7 : vector<16xi32>
    %swap3A_89 = arith.constant 160 : index
    %swap3A_90 = tpu.vector_load %arg8[%swap3A_89] {strides = array<i32>} : memref<1024xi32, #tpu.memory_space<vmem>>, vector<16xi32>,
    %swap3A_91 = vector.shape_cast %swap3A_90 : vector<16xi32> to vector<16xi32>
    %swap3A_92 = vector.shape_cast %rem3A_88 : vector<16xi32> to vector<16xi32>
    tpu.vector_store %arg8[%swap3A_89], %swap3A_92 {strides = array<i32>} : memref<1024xi32, #tpu.memory_space<vmem>>, vector<16xi32>,
    %get3A_93 = arith.constant 176 : index
    %get3A_94 = tpu.vector_load %arg8[%get3A_93] {strides = array<i32>} : memref<1024xi32, #tpu.memory_space<vmem>>, vector<16xi32>,
    %get3A_95 = vector.shape_cast %get3A_94 : vector<16xi32> to vector<16xi32>
    %rem3A_96 = arith.remsi %get3A_95, %broadcast_in_dim3A_7 : vector<16xi32>
    %swap3A_97 = arith.constant 176 : index
    %swap3A_98 = tpu.vector_load %arg8[%swap3A_97] {strides = array<i32>} : memref<1024xi32, #tpu.memory_space<vmem>>, vector<16xi32>,
    %swap3A_99 = vector.shape_cast %swap3A_98 : vector<16xi32> to vector<16xi32>
    %swap3A_100 = vector.shape_cast %rem3A_96 : vector<16xi32> to vector<16xi32>
    tpu.vector_store %arg8[%swap3A_97], %swap3A_100 {strides = array<i32>} : memref<1024xi32, #tpu.memory_space<vmem>>, vector<16xi32>,
    %get3A_101 = arith.constant 192 : index
    %get3A_102 = tpu.vector_load %arg8[%get3A_101] {strides = array<i32>} : memref<1024xi32, #tpu.memory_space<vmem>>, vector<16xi32>,
    %get3A_103 = vector.shape_cast %get3A_102 : vector<16xi32> to vector<16xi32>
    %rem3A_104 = arith.remsi %get3A_103, %broadcast_in_dim3A_7 : vector<16xi32>
    %swap3A_105 = arith.constant 192 : index
    %swap3A_106 = tpu.vector_load %arg8[%swap3A_105] {strides = array<i32>} : memref<1024xi32, #tpu.memory_space<vmem>>, vector<16xi32>,
    %swap3A_107 = vector.shape_cast %swap3A_106 : vector<16xi32> to vector<16xi32>
    %swap3A_108 = vector.shape_cast %rem3A_104 : vector<16xi32> to vector<16xi32>
    tpu.vector_store %arg8[%swap3A_105], %swap3A_108 {strides = array<i32>} : memref<1024xi32, #tpu.memory_space<vmem>>, vector<16xi32>,
    %get3A_109 = arith.constant 208 : index
    %get3A_110 = tpu.vector_load %arg8[%get3A_109] {strides = array<i32>} : memref<1024xi32, #tpu.memory_space<vmem>>, vector<16xi32>,
    %get3A_111 = vector.shape_cast %get3A_110 : vector<16xi32> to vector<16xi32>
    %rem3A_112 = arith.remsi %get3A_111, %broadcast_in_dim3A_7 : vector<16xi32>
    %swap3A_113 = arith.constant 208 : index
    %swap3A_114 = tpu.vector_load %arg8[%swap3A_113] {strides = array<i32>} : memref<1024xi32, #tpu.memory_space<vmem>>, vector<16xi32>,
    %swap3A_115 = vector.shape_cast %swap3A_114 : vector<16xi32> to vector<16xi32>
    %swap3A_116 = vector.shape_cast %rem3A_112 : vector<16xi32> to vector<16xi32>
    tpu.vector_store %arg8[%swap3A_113], %swap3A_116 {strides = array<i32>} : memref<1024xi32, #tpu.memory_space<vmem>>, vector<16xi32>,
    %get3A_117 = arith.constant 224 : index
    %get3A_118 = tpu.vector_load %arg8[%get3A_117] {strides = array<i32>} : memref<1024xi32, #tpu.memory_space<vmem>>, vector<16xi32>,
    %get3A_119 = vector.shape_cast %get3A_118 : vector<16xi32> to vector<16xi32>
    %rem3A_120 = arith.remsi %get3A_119, %broadcast_in_dim3A_7 : vector<16xi32>
    %swap3A_121 = arith.constant 224 : index
    %swap3A_122 = tpu.vector_load %arg8[%swap3A_121] {strides = array<i32>} : memref<1024xi32, #tpu.memory_space<vmem>>, vector<16xi32>,
    %swap3A_123 = vector.shape_cast %swap3A_122 : vector<16xi32> to vector<16xi32>
    %swap3A_124 = vector.shape_cast %rem3A_120 : vector<16xi32> to vector<16xi32>
    tpu.vector_store %arg8[%swap3A_121], %swap3A_124 {strides = array<i32>} : memref<1024xi32, #tpu.memory_space<vmem>>, vector<16xi32>,
    %get3A_125 = arith.constant 240 : index
    %get3A_126 = tpu.vector_load %arg8[%get3A_125] {strides = array<i32>} : memref<1024xi32, #tpu.memory_space<vmem>>, vector<16xi32>,
    %get3A_127 = vector.shape_cast %get3A_126 : vector<16xi32> to vector<16xi32>
    %rem3A_128 = arith.remsi %get3A_127, %broadcast_in_dim3A_7 : vector<16xi32>
    %swap3A_129 = arith.constant 240 : index
    %swap3A_130 = tpu.vector_load %arg8[%swap3A_129] {strides = array<i32>} : memref<1024xi32, #tpu.memory_space<vmem>>, vector<16xi32>,
    %swap3A_131 = vector.shape_cast %swap3A_130 : vector<16xi32> to vector<16xi32>
    %swap3A_132 = vector.shape_cast %rem3A_128 : vector<16xi32> to vector<16xi32>
    tpu.vector_store %arg8[%swap3A_129], %swap3A_132 {strides = array<i32>} : memref<1024xi32, #tpu.memory_space<vmem>>, vector<16xi32>,
    %get3A_133 = arith.constant 256 : index
    %get3A_134 = tpu.vector_load %arg8[%get3A_133] {strides = array<i32>} : memref<1024xi32, #tpu.memory_space<vmem>>, vector<16xi32>,
    %get3A_135 = vector.shape_cast %get3A_134 : vector<16xi32> to vector<16xi32>
    %rem3A_136 = arith.remsi %get3A_135, %broadcast_in_dim3A_7 : vector<16xi32>
    %swap3A_137 = arith.constant 256 : index
    %swap3A_138 = tpu.vector_load %arg8[%swap3A_137] {strides = array<i32>} : memref<1024xi32, #tpu.memory_space<vmem>>, vector<16xi32>,
    %swap3A_139 = vector.shape_cast %swap3A_138 : vector<16xi32> to vector<16xi32>
    %swap3A_140 = vector.shape_cast %rem3A_136 : vector<16xi32> to vector<16xi32>
    tpu.vector_store %arg8[%swap3A_137], %swap3A_140 {strides = array<i32>} : memref<1024xi32, #tpu.memory_space<vmem>>, vector<16xi32>,
    %get3A_141 = arith.constant 272 : index
    %get3A_142 = tpu.vector_load %arg8[%get3A_141] {strides = array<i32>} : memref<1024xi32, #tpu.memory_space<vmem>>, vector<16xi32>,
    %get3A_143 = vector.shape_cast %get3A_142 : vector<16xi32> to vector<16xi32>
    %rem3A_144 = arith.remsi %get3A_143, %broadcast_in_dim3A_7 : vector<16xi32>
    %swap3A_145 = arith.constant 272 : index
    %swap3A_146 = tpu.vector_load %arg8[%swap3A_145] {strides = array<i32>} : memref<1024xi32, #tpu.memory_space<vmem>>, vector<16xi32>,
    %swap3A_147 = vector.shape_cast %swap3A_146 : vector<16xi32> to vector<16xi32>
    %swap3A_148 = vector.shape_cast %rem3A_144 : vector<16xi32> to vector<16xi32>
    tpu.vector_store %arg8[%swap3A_145], %swap3A_148 {strides = array<i32>} : memref<1024xi32, #tpu.memory_space<vmem>>, vector<16xi32>,
    %get3A_149 = arith.constant 288 : index
    %get3A_150 = tpu.vector_load %arg8[%get3A_149] {strides = array<i32>} : memref<1024xi32, #tpu.memory_space<vmem>>, vector<16xi32>,
    %get3A_151 = vector.shape_cast %get3A_150 : vector<16xi32> to vector<16xi32>
    %rem3A_152 = arith.remsi %get3A_151, %broadcast_in_dim3A_7 : vector<16xi32>
    %swap3A_153 = arith.constant 288 : index
    %swap3A_154 = tpu.vector_load %arg8[%swap3A_153] {strides = array<i32>} : memref<1024xi32, #tpu.memory_space<vmem>>, vector<16xi32>,
    %swap3A_155 = vector.shape_cast %swap3A_154 : vector<16xi32> to vector<16xi32>
    %swap3A_156 = vector.shape_cast %rem3A_152 : vector<16xi32> to vector<16xi32>
    tpu.vector_store %arg8[%swap3A_153], %swap3A_156 {strides = array<i32>} : memref<1024xi32, #tpu.memory_space<vmem>>, vector<16xi32>,
    %get3A_157 = arith.constant 304 : index
    %get3A_158 = tpu.vector_load %arg8[%get3A_157] {strides = array<i32>} : memref<1024xi32, #tpu.memory_space<vmem>>, vector<16xi32>,
    %get3A_159 = vector.shape_cast %get3A_158 : vector<16xi32> to vector<16xi32>
    %rem3A_160 = arith.remsi %get3A_159, %broadcast_in_dim3A_7 : vector<16xi32>
    %swap3A_161 = arith.constant 304 : index
    %swap3A_162 = tpu.vector_load %arg8[%swap3A_161] {strides = array<i32>} : memref<1024xi32, #tpu.memory_space<vmem>>, vector<16xi32>,
    %swap3A_163 = vector.shape_cast %swap3A_162 : vector<16xi32> to vector<16xi32>
    %swap3A_164 = vector.shape_cast %rem3A_160 : vector<16xi32> to vector<16xi32>
    tpu.vector_store %arg8[%swap3A_161], %swap3A_164 {strides = array<i32>} : memref<1024xi32, #tpu.memory_space<vmem>>, vector<16xi32>,
    %get3A_165 = arith.constant 320 : index
    %get3A_166 = tpu.vector_load %arg8[%get3A_165] {strides = array<i32>} : memref<1024xi32, #tpu.memory_space<vmem>>, vector<16xi32>,
    %get3A_167 = vector.shape_cast %get3A_166 : vector<16xi32> to vector<16xi32>
    %rem3A_168 = arith.remsi %get3A_167, %broadcast_in_dim3A_7 : vector<16xi32>
    %swap3A_169 = arith.constant 320 : index
    %swap3A_170 = tpu.vector_load %arg8[%swap3A_169] {strides = array<i32>} : memref<1024xi32, #tpu.memory_space<vmem>>, vector<16xi32>,
    %swap3A_171 = vector.shape_cast %swap3A_170 : vector<16xi32> to vector<16xi32>
    %swap3A_172 = vector.shape_cast %rem3A_168 : vector<16xi32> to vector<16xi32>
    tpu.vector_store %arg8[%swap3A_169], %swap3A_172 {strides = array<i32>} : memref<1024xi32, #tpu.memory_space<vmem>>, vector<16xi32>,
    %get3A_173 = arith.constant 336 : index
    %get3A_174 = tpu.vector_load %arg8[%get3A_173] {strides = array<i32>} : memref<1024xi32, #tpu.memory_space<vmem>>, vector<16xi32>,
    %get3A_175 = vector.shape_cast %get3A_174 : vector<16xi32> to vector<16xi32>
    %rem3A_176 = arith.remsi %get3A_175, %broadcast_in_dim3A_7 : vector<16xi32>
    %swap3A_177 = arith.constant 336 : index
    %swap3A_178 = tpu.vector_load %arg8[%swap3A_177] {strides = array<i32>} : memref<1024xi32, #tpu.memory_space<vmem>>, vector<16xi32>,
    %swap3A_179 = vector.shape_cast %swap3A_178 : vector<16xi32> to vector<16xi32>
    %swap3A_180 = vector.shape_cast %rem3A_176 : vector<16xi32> to vector<16xi32>
    tpu.vector_store %arg8[%swap3A_177], %swap3A_180 {strides = array<i32>} : memref<1024xi32, #tpu.memory_space<vmem>>, vector<16xi32>,
    %get3A_181 = arith.constant 352 : index
    %get3A_182 = tpu.vector_load %arg8[%get3A_181] {strides = array<i32>} : memref<1024xi32, #tpu.memory_space<vmem>>, vector<16xi32>,
    %get3A_183 = vector.shape_cast %get3A_182 : vector<16xi32> to vector<16xi32>
    %rem3A_184 = arith.remsi %get3A_183, %broadcast_in_dim3A_7 : vector<16xi32>
    %swap3A_185 = arith.constant 352 : index
    %swap3A_186 = tpu.vector_load %arg8[%swap3A_185] {strides = array<i32>} : memref<1024xi32, #tpu.memory_space<vmem>>, vector<16xi32>,
    %swap3A_187 = vector.shape_cast %swap3A_186 : vector<16xi32> to vector<16xi32>
    %swap3A_188 = vector.shape_cast %rem3A_184 : vector<16xi32> to vector<16xi32>
    tpu.vector_store %arg8[%swap3A_185], %swap3A_188 {strides = array<i32>} : memref<1024xi32, #tpu.memory_space<vmem>>, vector<16xi32>,
    %get3A_189 = arith.constant 368 : index
    %get3A_190 = tpu.vector_load %arg8[%get3A_189] {strides = array<i32>} : memref<1024xi32, #tpu.memory_space<vmem>>, vector<16xi32>,
    %get3A_191 = vector.shape_cast %get3A_190 : vector<16xi32> to vector<16xi32>
    %rem3A_192 = arith.remsi %get3A_191, %broadcast_in_dim3A_7 : vector<16xi32>
    %swap3A_193 = arith.constant 368 : index
    %swap3A_194 = tpu.vector_load %arg8[%swap3A_193] {strides = array<i32>} : memref<1024xi32, #tpu.memory_space<vmem>>, vector<16xi32>,
    %swap3A_195 = vector.shape_cast %swap3A_194 : vector<16xi32> to vector<16xi32>
    %swap3A_196 = vector.shape_cast %rem3A_192 : vector<16xi32> to vector<16xi32>
    tpu.vector_store %arg8[%swap3A_193], %swap3A_196 {strides = array<i32>} : memref<1024xi32, #tpu.memory_space<vmem>>, vector<16xi32>,
    %get3A_197 = arith.constant 384 : index
    %get3A_198 = tpu.vector_load %arg8[%get3A_197] {strides = array<i32>} : memref<1024xi32, #tpu.memory_space<vmem>>, vector<16xi32>,
    %get3A_199 = vector.shape_cast %get3A_198 : vector<16xi32> to vector<16xi32>
    %rem3A_200 = arith.remsi %get3A_199, %broadcast_in_dim3A_7 : vector<16xi32>
    %swap3A_201 = arith.constant 384 : index
    %swap3A_202 = tpu.vector_load %arg8[%swap3A_201] {strides = array<i32>} : memref<1024xi32, #tpu.memory_space<vmem>>, vector<16xi32>,
    %swap3A_203 = vector.shape_cast %swap3A_202 : vector<16xi32> to vector<16xi32>
    %swap3A_204 = vector.shape_cast %rem3A_200 : vector<16xi32> to vector<16xi32>
    tpu.vector_store %arg8[%swap3A_201], %swap3A_204 {strides = array<i32>} : memref<1024xi32, #tpu.memory_space<vmem>>, vector<16xi32>,
    %get3A_205 = arith.constant 400 : index
    %get3A_206 = tpu.vector_load %arg8[%get3A_205] {strides = array<i32>} : memref<1024xi32, #tpu.memory_space<vmem>>, vector<16xi32>,
    %get3A_207 = vector.shape_cast %get3A_206 : vector<16xi32> to vector<16xi32>
    %rem3A_208 = arith.remsi %get3A_207, %broadcast_in_dim3A_7 : vector<16xi32>
    %swap3A_209 = arith.constant 400 : index
    %swap3A_210 = tpu.vector_load %arg8[%swap3A_209] {strides = array<i32>} : memref<1024xi32, #tpu.memory_space<vmem>>, vector<16xi32>,
    %swap3A_211 = vector.shape_cast %swap3A_210 : vector<16xi32> to vector<16xi32>
    %swap3A_212 = vector.shape_cast %rem3A_208 : vector<16xi32> to vector<16xi32>
    tpu.vector_store %arg8[%swap3A_209], %swap3A_212 {strides = array<i32>} : memref<1024xi32, #tpu.memory_space<vmem>>, vector<16xi32>,
    %get3A_213 = arith.constant 416 : index
    %get3A_214 = tpu.vector_load %arg8[%get3A_213] {strides = array<i32>} : memref<1024xi32, #tpu.memory_space<vmem>>, vector<16xi32>,
    %get3A_215 = vector.shape_cast %get3A_214 : vector<16xi32> to vector<16xi32>
    %rem3A_216 = arith.remsi %get3A_215, %broadcast_in_dim3A_7 : vector<16xi32>
    %swap3A_217 = arith.constant 416 : index
    %swap3A_218 = tpu.vector_load %arg8[%swap3A_217] {strides = array<i32>} : memref<1024xi32, #tpu.memory_space<vmem>>, vector<16xi32>,
    %swap3A_219 = vector.shape_cast %swap3A_218 : vector<16xi32> to vector<16xi32>
    %swap3A_220 = vector.shape_cast %rem3A_216 : vector<16xi32> to vector<16xi32>
    tpu.vector_store %arg8[%swap3A_217], %swap3A_220 {strides = array<i32>} : memref<1024xi32, #tpu.memory_space<vmem>>, vector<16xi32>,
    %get3A_221 = arith.constant 432 : index
    %get3A_222 = tpu.vector_load %arg8[%get3A_221] {strides = array<i32>} : memref<1024xi32, #tpu.memory_space<vmem>>, vector<16xi32>,
    %get3A_223 = vector.shape_cast %get3A_222 : vector<16xi32> to vector<16xi32>
    %rem3A_224 = arith.remsi %get3A_223, %broadcast_in_dim3A_7 : vector<16xi32>
    %swap3A_225 = arith.constant 432 : index
    %swap3A_226 = tpu.vector_load %arg8[%swap3A_225] {strides = array<i32>} : memref<1024xi32, #tpu.memory_space<vmem>>, vector<16xi32>,
    %swap3A_227 = vector.shape_cast %swap3A_226 : vector<16xi32> to vector<16xi32>
    %swap3A_228 = vector.shape_cast %rem3A_224 : vector<16xi32> to vector<16xi32>
    tpu.vector_store %arg8[%swap3A_225], %swap3A_228 {strides = array<i32>} : memref<1024xi32, #tpu.memory_space<vmem>>, vector<16xi32>,
    %get3A_229 = arith.constant 448 : index
    %get3A_230 = tpu.vector_load %arg8[%get3A_229] {strides = array<i32>} : memref<1024xi32, #tpu.memory_space<vmem>>, vector<16xi32>,
    %get3A_231 = vector.shape_cast %get3A_230 : vector<16xi32> to vector<16xi32>
    %rem3A_232 = arith.remsi %get3A_231, %broadcast_in_dim3A_7 : vector<16xi32>
    %swap3A_233 = arith.constant 448 : index
    %swap3A_234 = tpu.vector_load %arg8[%swap3A_233] {strides = array<i32>} : memref<1024xi32, #tpu.memory_space<vmem>>, vector<16xi32>,
    %swap3A_235 = vector.shape_cast %swap3A_234 : vector<16xi32> to vector<16xi32>
    %swap3A_236 = vector.shape_cast %rem3A_232 : vector<16xi32> to vector<16xi32>
    tpu.vector_store %arg8[%swap3A_233], %swap3A_236 {strides = array<i32>} : memref<1024xi32, #tpu.memory_space<vmem>>, vector<16xi32>,
    %get3A_237 = arith.constant 464 : index
    %get3A_238 = tpu.vector_load %arg8[%get3A_237] {strides = array<i32>} : memref<1024xi32, #tpu.memory_space<vmem>>, vector<16xi32>,
    %get3A_239 = vector.shape_cast %get3A_238 : vector<16xi32> to vector<16xi32>
    %rem3A_240 = arith.remsi %get3A_239, %broadcast_in_dim3A_7 : vector<16xi32>
    %swap3A_241 = arith.constant 464 : index
    %swap3A_242 = tpu.vector_load %arg8[%swap3A_241] {strides = array<i32>} : memref<1024xi32, #tpu.memory_space<vmem>>, vector<16xi32>,
    %swap3A_243 = vector.shape_cast %swap3A_242 : vector<16xi32> to vector<16xi32>
    %swap3A_244 = vector.shape_cast %rem3A_240 : vector<16xi32> to vector<16xi32>
    tpu.vector_store %arg8[%swap3A_241], %swap3A_244 {strides = array<i32>} : memref<1024xi32, #tpu.memory_space<vmem>>, vector<16xi32>,
    %get3A_245 = arith.constant 480 : index
    %get3A_246 = tpu.vector_load %arg8[%get3A_245] {strides = array<i32>} : memref<1024xi32, #tpu.memory_space<vmem>>, vector<16xi32>,
    %get3A_247 = vector.shape_cast %get3A_246 : vector<16xi32> to vector<16xi32>
    %rem3A_248 = arith.remsi %get3A_247, %broadcast_in_dim3A_7 : vector<16xi32>
    %swap3A_249 = arith.constant 480 : index
    %swap3A_250 = tpu.vector_load %arg8[%swap3A_249] {strides = array<i32>} : memref<1024xi32, #tpu.memory_space<vmem>>, vector<16xi32>,
    %swap3A_251 = vector.shape_cast %swap3A_250 : vector<16xi32> to vector<16xi32>
    %swap3A_252 = vector.shape_cast %rem3A_248 : vector<16xi32> to vector<16xi32>
    tpu.vector_store %arg8[%swap3A_249], %swap3A_252 {strides = array<i32>} : memref<1024xi32, #tpu.memory_space<vmem>>, vector<16xi32>,
    %get3A_253 = arith.constant 496 : index
    %get3A_254 = tpu.vector_load %arg8[%get3A_253] {strides = array<i32>} : memref<1024xi32, #tpu.memory_space<vmem>>, vector<16xi32>,
    %get3A_255 = vector.shape_cast %get3A_254 : vector<16xi32> to vector<16xi32>
    %rem3A_256 = arith.remsi %get3A_255, %broadcast_in_dim3A_7 : vector<16xi32>
    %swap3A_257 = arith.constant 496 : index
    %swap3A_258 = tpu.vector_load %arg8[%swap3A_257] {strides = array<i32>} : memref<1024xi32, #tpu.memory_space<vmem>>, vector<16xi32>,
    %swap3A_259 = vector.shape_cast %swap3A_258 : vector<16xi32> to vector<16xi32>
    %swap3A_260 = vector.shape_cast %rem3A_256 : vector<16xi32> to vector<16xi32>
    tpu.vector_store %arg8[%swap3A_257], %swap3A_260 {strides = array<i32>} : memref<1024xi32, #tpu.memory_space<vmem>>, vector<16xi32>,
    %get3A_261 = arith.constant 512 : index
    %get3A_262 = tpu.vector_load %arg8[%get3A_261] {strides = array<i32>} : memref<1024xi32, #tpu.memory_space<vmem>>, vector<16xi32>,
    %get3A_263 = vector.shape_cast %get3A_262 : vector<16xi32> to vector<16xi32>
    %rem3A_264 = arith.remsi %get3A_263, %broadcast_in_dim3A_7 : vector<16xi32>
    %swap3A_265 = arith.constant 512 : index
    %swap3A_266 = tpu.vector_load %arg8[%swap3A_265] {strides = array<i32>} : memref<1024xi32, #tpu.memory_space<vmem>>, vector<16xi32>,
    %swap3A_267 = vector.shape_cast %swap3A_266 : vector<16xi32> to vector<16xi32>
    %swap3A_268 = vector.shape_cast %rem3A_264 : vector<16xi32> to vector<16xi32>
    tpu.vector_store %arg8[%swap3A_265], %swap3A_268 {strides = array<i32>} : memref<1024xi32, #tpu.memory_space<vmem>>, vector<16xi32>,
    %get3A_269 = arith.constant 528 : index
    %get3A_270 = tpu.vector_load %arg8[%get3A_269] {strides = array<i32>} : memref<1024xi32, #tpu.memory_space<vmem>>, vector<16xi32>,
    %get3A_271 = vector.shape_cast %get3A_270 : vector<16xi32> to vector<16xi32>
    %rem3A_272 = arith.remsi %get3A_271, %broadcast_in_dim3A_7 : vector<16xi32>
    %swap3A_273 = arith.constant 528 : index
    %swap3A_274 = tpu.vector_load %arg8[%swap3A_273] {strides = array<i32>} : memref<1024xi32, #tpu.memory_space<vmem>>, vector<16xi32>,
    %swap3A_275 = vector.shape_cast %swap3A_274 : vector<16xi32> to vector<16xi32>
    %swap3A_276 = vector.shape_cast %rem3A_272 : vector<16xi32> to vector<16xi32>
    tpu.vector_store %arg8[%swap3A_273], %swap3A_276 {strides = array<i32>} : memref<1024xi32, #tpu.memory_space<vmem>>, vector<16xi32>,
    %get3A_277 = arith.constant 544 : index
    %get3A_278 = tpu.vector_load %arg8[%get3A_277] {strides = array<i32>} : memref<1024xi32, #tpu.memory_space<vmem>>, vector<16xi32>,
    %get3A_279 = vector.shape_cast %get3A_278 : vector<16xi32> to vector<16xi32>
    %rem3A_280 = arith.remsi %get3A_279, %broadcast_in_dim3A_7 : vector<16xi32>
    %swap3A_281 = arith.constant 544 : index
    %swap3A_282 = tpu.vector_load %arg8[%swap3A_281] {strides = array<i32>} : memref<1024xi32, #tpu.memory_space<vmem>>, vector<16xi32>,
    %swap3A_283 = vector.shape_cast %swap3A_282 : vector<16xi32> to vector<16xi32>
    %swap3A_284 = vector.shape_cast %rem3A_280 : vector<16xi32> to vector<16xi32>
    tpu.vector_store %arg8[%swap3A_281], %swap3A_284 {strides = array<i32>} : memref<1024xi32, #tpu.memory_space<vmem>>, vector<16xi32>,
    %get3A_285 = arith.constant 560 : index
    %get3A_286 = tpu.vector_load %arg8[%get3A_285] {strides = array<i32>} : memref<1024xi32, #tpu.memory_space<vmem>>, vector<16xi32>,
    %get3A_287 = vector.shape_cast %get3A_286 : vector<16xi32> to vector<16xi32>
    %rem3A_288 = arith.remsi %get3A_287, %broadcast_in_dim3A_7 : vector<16xi32>
    %swap3A_289 = arith.constant 560 : index
    %swap3A_290 = tpu.vector_load %arg8[%swap3A_289] {strides = array<i32>} : memref<1024xi32, #tpu.memory_space<vmem>>, vector<16xi32>,
    %swap3A_291 = vector.shape_cast %swap3A_290 : vector<16xi32> to vector<16xi32>
    %swap3A_292 = vector.shape_cast %rem3A_288 : vector<16xi32> to vector<16xi32>
    tpu.vector_store %arg8[%swap3A_289], %swap3A_292 {strides = array<i32>} : memref<1024xi32, #tpu.memory_space<vmem>>, vector<16xi32>,
    %get3A_293 = arith.constant 576 : index
    %get3A_294 = tpu.vector_load %arg8[%get3A_293] {strides = array<i32>} : memref<1024xi32, #tpu.memory_space<vmem>>, vector<16xi32>,
    %get3A_295 = vector.shape_cast %get3A_294 : vector<16xi32> to vector<16xi32>
    %rem3A_296 = arith.remsi %get3A_295, %broadcast_in_dim3A_7 : vector<16xi32>
    %swap3A_297 = arith.constant 576 : index
    %swap3A_298 = tpu.vector_load %arg8[%swap3A_297] {strides = array<i32>} : memref<1024xi32, #tpu.memory_space<vmem>>, vector<16xi32>,
    %swap3A_299 = vector.shape_cast %swap3A_298 : vector<16xi32> to vector<16xi32>
    %swap3A_300 = vector.shape_cast %rem3A_296 : vector<16xi32> to vector<16xi32>
    tpu.vector_store %arg8[%swap3A_297], %swap3A_300 {strides = array<i32>} : memref<1024xi32, #tpu.memory_space<vmem>>, vector<16xi32>,
    %get3A_301 = arith.constant 592 : index
    %get3A_302 = tpu.vector_load %arg8[%get3A_301] {strides = array<i32>} : memref<1024xi32, #tpu.memory_space<vmem>>, vector<16xi32>,
    %get3A_303 = vector.shape_cast %get3A_302 : vector<16xi32> to vector<16xi32>
    %rem3A_304 = arith.remsi %get3A_303, %broadcast_in_dim3A_7 : vector<16xi32>
    %swap3A_305 = arith.constant 592 : index
    %swap3A_306 = tpu.vector_load %arg8[%swap3A_305] {strides = array<i32>} : memref<1024xi32, #tpu.memory_space<vmem>>, vector<16xi32>,
    %swap3A_307 = vector.shape_cast %swap3A_306 : vector<16xi32> to vector<16xi32>
    %swap3A_308 = vector.shape_cast %rem3A_304 : vector<16xi32> to vector<16xi32>
    tpu.vector_store %arg8[%swap3A_305], %swap3A_308 {strides = array<i32>} : memref<1024xi32, #tpu.memory_space<vmem>>, vector<16xi32>,
    %get3A_309 = arith.constant 608 : index
    %get3A_310 = tpu.vector_load %arg8[%get3A_309] {strides = array<i32>} : memref<1024xi32, #tpu.memory_space<vmem>>, vector<16xi32>,
    %get3A_311 = vector.shape_cast %get3A_310 : vector<16xi32> to vector<16xi32>
    %rem3A_312 = arith.remsi %get3A_311, %broadcast_in_dim3A_7 : vector<16xi32>
    %swap3A_313 = arith.constant 608 : index
    %swap3A_314 = tpu.vector_load %arg8[%swap3A_313] {strides = array<i32>} : memref<1024xi32, #tpu.memory_space<vmem>>, vector<16xi32>,
    %swap3A_315 = vector.shape_cast %swap3A_314 : vector<16xi32> to vector<16xi32>
    %swap3A_316 = vector.shape_cast %rem3A_312 : vector<16xi32> to vector<16xi32>
    tpu.vector_store %arg8[%swap3A_313], %swap3A_316 {strides = array<i32>} : memref<1024xi32, #tpu.memory_space<vmem>>, vector<16xi32>,
    %get3A_317 = arith.constant 624 : index
    %get3A_318 = tpu.vector_load %arg8[%get3A_317] {strides = array<i32>} : memref<1024xi32, #tpu.memory_space<vmem>>, vector<16xi32>,
    %get3A_319 = vector.shape_cast %get3A_318 : vector<16xi32> to vector<16xi32>
    %rem3A_320 = arith.remsi %get3A_319, %broadcast_in_dim3A_7 : vector<16xi32>
    %swap3A_321 = arith.constant 624 : index
    %swap3A_322 = tpu.vector_load %arg8[%swap3A_321] {strides = array<i32>} : memref<1024xi32, #tpu.memory_space<vmem>>, vector<16xi32>,
    %swap3A_323 = vector.shape_cast %swap3A_322 : vector<16xi32> to vector<16xi32>
    %swap3A_324 = vector.shape_cast %rem3A_320 : vector<16xi32> to vector<16xi32>
    tpu.vector_store %arg8[%swap3A_321], %swap3A_324 {strides = array<i32>} : memref<1024xi32, #tpu.memory_space<vmem>>, vector<16xi32>,
    %get3A_325 = arith.constant 640 : index
    %get3A_326 = tpu.vector_load %arg8[%get3A_325] {strides = array<i32>} : memref<1024xi32, #tpu.memory_space<vmem>>, vector<16xi32>,
    %get3A_327 = vector.shape_cast %get3A_326 : vector<16xi32> to vector<16xi32>
    %rem3A_328 = arith.remsi %get3A_327, %broadcast_in_dim3A_7 : vector<16xi32>
    %swap3A_329 = arith.constant 640 : index
    %swap3A_330 = tpu.vector_load %arg8[%swap3A_329] {strides = array<i32>} : memref<1024xi32, #tpu.memory_space<vmem>>, vector<16xi32>,
    %swap3A_331 = vector.shape_cast %swap3A_330 : vector<16xi32> to vector<16xi32>
    %swap3A_332 = vector.shape_cast %rem3A_328 : vector<16xi32> to vector<16xi32>
    tpu.vector_store %arg8[%swap3A_329], %swap3A_332 {strides = array<i32>} : memref<1024xi32, #tpu.memory_space<vmem>>, vector<16xi32>,
    %get3A_333 = arith.constant 656 : index
    %get3A_334 = tpu.vector_load %arg8[%get3A_333] {strides = array<i32>} : memref<1024xi32, #tpu.memory_space<vmem>>, vector<16xi32>,
    %get3A_335 = vector.shape_cast %get3A_334 : vector<16xi32> to vector<16xi32>
    %rem3A_336 = arith.remsi %get3A_335, %broadcast_in_dim3A_7 : vector<16xi32>
    %swap3A_337 = arith.constant 656 : index
    %swap3A_338 = tpu.vector_load %arg8[%swap3A_337] {strides = array<i32>} : memref<1024xi32, #tpu.memory_space<vmem>>, vector<16xi32>,
    %swap3A_339 = vector.shape_cast %swap3A_338 : vector<16xi32> to vector<16xi32>
    %swap3A_340 = vector.shape_cast %rem3A_336 : vector<16xi32> to vector<16xi32>
    tpu.vector_store %arg8[%swap3A_337], %swap3A_340 {strides = array<i32>} : memref<1024xi32, #tpu.memory_space<vmem>>, vector<16xi32>,
    %get3A_341 = arith.constant 672 : index
    %get3A_342 = tpu.vector_load %arg8[%get3A_341] {strides = array<i32>} : memref<1024xi32, #tpu.memory_space<vmem>>, vector<16xi32>,
    %get3A_343 = vector.shape_cast %get3A_342 : vector<16xi32> to vector<16xi32>
    %rem3A_344 = arith.remsi %get3A_343, %broadcast_in_dim3A_7 : vector<16xi32>
    %swap3A_345 = arith.constant 672 : index
    %swap3A_346 = tpu.vector_load %arg8[%swap3A_345] {strides = array<i32>} : memref<1024xi32, #tpu.memory_space<vmem>>, vector<16xi32>,
    %swap3A_347 = vector.shape_cast %swap3A_346 : vector<16xi32> to vector<16xi32>
    %swap3A_348 = vector.shape_cast %rem3A_344 : vector<16xi32> to vector<16xi32>
    tpu.vector_store %arg8[%swap3A_345], %swap3A_348 {strides = array<i32>} : memref<1024xi32, #tpu.memory_space<vmem>>, vector<16xi32>,
    %get3A_349 = arith.constant 688 : index
    %get3A_350 = tpu.vector_load %arg8[%get3A_349] {strides = array<i32>} : memref<1024xi32, #tpu.memory_space<vmem>>, vector<16xi32>,
    %get3A_351 = vector.shape_cast %get3A_350 : vector<16xi32> to vector<16xi32>
    %rem3A_352 = arith.remsi %get3A_351, %broadcast_in_dim3A_7 : vector<16xi32>
    %swap3A_353 = arith.constant 688 : index
    %swap3A_354 = tpu.vector_load %arg8[%swap3A_353] {strides = array<i32>} : memref<1024xi32, #tpu.memory_space<vmem>>, vector<16xi32>,
    %swap3A_355 = vector.shape_cast %swap3A_354 : vector<16xi32> to vector<16xi32>
    %swap3A_356 = vector.shape_cast %rem3A_352 : vector<16xi32> to vector<16xi32>
    tpu.vector_store %arg8[%swap3A_353], %swap3A_356 {strides = array<i32>} : memref<1024xi32, #tpu.memory_space<vmem>>, vector<16xi32>,
    %get3A_357 = arith.constant 704 : index
    %get3A_358 = tpu.vector_load %arg8[%get3A_357] {strides = array<i32>} : memref<1024xi32, #tpu.memory_space<vmem>>, vector<16xi32>,
    %get3A_359 = vector.shape_cast %get3A_358 : vector<16xi32> to vector<16xi32>
    %rem3A_360 = arith.remsi %get3A_359, %broadcast_in_dim3A_7 : vector<16xi32>
    %swap3A_361 = arith.constant 704 : index
    %swap3A_362 = tpu.vector_load %arg8[%swap3A_361] {strides = array<i32>} : memref<1024xi32, #tpu.memory_space<vmem>>, vector<16xi32>,
    %swap3A_363 = vector.shape_cast %swap3A_362 : vector<16xi32> to vector<16xi32>
    %swap3A_364 = vector.shape_cast %rem3A_360 : vector<16xi32> to vector<16xi32>
    tpu.vector_store %arg8[%swap3A_361], %swap3A_364 {strides = array<i32>} : memref<1024xi32, #tpu.memory_space<vmem>>, vector<16xi32>,
    %get3A_365 = arith.constant 720 : index
    %get3A_366 = tpu.vector_load %arg8[%get3A_365] {strides = array<i32>} : memref<1024xi32, #tpu.memory_space<vmem>>, vector<16xi32>,
    %get3A_367 = vector.shape_cast %get3A_366 : vector<16xi32> to vector<16xi32>
    %rem3A_368 = arith.remsi %get3A_367, %broadcast_in_dim3A_7 : vector<16xi32>
    %swap3A_369 = arith.constant 720 : index
    %swap3A_370 = tpu.vector_load %arg8[%swap3A_369] {strides = array<i32>} : memref<1024xi32, #tpu.memory_space<vmem>>, vector<16xi32>,
    %swap3A_371 = vector.shape_cast %swap3A_370 : vector<16xi32> to vector<16xi32>
    %swap3A_372 = vector.shape_cast %rem3A_368 : vector<16xi32> to vector<16xi32>
    tpu.vector_store %arg8[%swap3A_369], %swap3A_372 {strides = array<i32>} : memref<1024xi32, #tpu.memory_space<vmem>>, vector<16xi32>,
    %get3A_373 = arith.constant 736 : index
    %get3A_374 = tpu.vector_load %arg8[%get3A_373] {strides = array<i32>} : memref<1024xi32, #tpu.memory_space<vmem>>, vector<16xi32>,
    %get3A_375 = vector.shape_cast %get3A_374 : vector<16xi32> to vector<16xi32>
    %rem3A_376 = arith.remsi %get3A_375, %broadcast_in_dim3A_7 : vector<16xi32>
    %swap3A_377 = arith.constant 736 : index
    %swap3A_378 = tpu.vector_load %arg8[%swap3A_377] {strides = array<i32>} : memref<1024xi32, #tpu.memory_space<vmem>>, vector<16xi32>,
    %swap3A_379 = vector.shape_cast %swap3A_378 : vector<16xi32> to vector<16xi32>
    %swap3A_380 = vector.shape_cast %rem3A_376 : vector<16xi32> to vector<16xi32>
    tpu.vector_store %arg8[%swap3A_377], %swap3A_380 {strides = array<i32>} : memref<1024xi32, #tpu.memory_space<vmem>>, vector<16xi32>,
    %get3A_381 = arith.constant 752 : index
    %get3A_382 = tpu.vector_load %arg8[%get3A_381] {strides = array<i32>} : memref<1024xi32, #tpu.memory_space<vmem>>, vector<16xi32>,
    %get3A_383 = vector.shape_cast %get3A_382 : vector<16xi32> to vector<16xi32>
    %rem3A_384 = arith.remsi %get3A_383, %broadcast_in_dim3A_7 : vector<16xi32>
    %swap3A_385 = arith.constant 752 : index
    %swap3A_386 = tpu.vector_load %arg8[%swap3A_385] {strides = array<i32>} : memref<1024xi32, #tpu.memory_space<vmem>>, vector<16xi32>,
    %swap3A_387 = vector.shape_cast %swap3A_386 : vector<16xi32> to vector<16xi32>
    %swap3A_388 = vector.shape_cast %rem3A_384 : vector<16xi32> to vector<16xi32>
    tpu.vector_store %arg8[%swap3A_385], %swap3A_388 {strides = array<i32>} : memref<1024xi32, #tpu.memory_space<vmem>>, vector<16xi32>,
    %get3A_389 = arith.constant 768 : index
    %get3A_390 = tpu.vector_load %arg8[%get3A_389] {strides = array<i32>} : memref<1024xi32, #tpu.memory_space<vmem>>, vector<16xi32>,
    %get3A_391 = vector.shape_cast %get3A_390 : vector<16xi32> to vector<16xi32>
    %rem3A_392 = arith.remsi %get3A_391, %broadcast_in_dim3A_7 : vector<16xi32>
    %swap3A_393 = arith.constant 768 : index
    %swap3A_394 = tpu.vector_load %arg8[%swap3A_393] {strides = array<i32>} : memref<1024xi32, #tpu.memory_space<vmem>>, vector<16xi32>,
    %swap3A_395 = vector.shape_cast %swap3A_394 : vector<16xi32> to vector<16xi32>
    %swap3A_396 = vector.shape_cast %rem3A_392 : vector<16xi32> to vector<16xi32>
    tpu.vector_store %arg8[%swap3A_393], %swap3A_396 {strides = array<i32>} : memref<1024xi32, #tpu.memory_space<vmem>>, vector<16xi32>,
    %get3A_397 = arith.constant 784 : index
    %get3A_398 = tpu.vector_load %arg8[%get3A_397] {strides = array<i32>} : memref<1024xi32, #tpu.memory_space<vmem>>, vector<16xi32>,
    %get3A_399 = vector.shape_cast %get3A_398 : vector<16xi32> to vector<16xi32>
    %rem3A_400 = arith.remsi %get3A_399, %broadcast_in_dim3A_7 : vector<16xi32>
    %swap3A_401 = arith.constant 784 : index
    %swap3A_402 = tpu.vector_load %arg8[%swap3A_401] {strides = array<i32>} : memref<1024xi32, #tpu.memory_space<vmem>>, vector<16xi32>,
    %swap3A_403 = vector.shape_cast %swap3A_402 : vector<16xi32> to vector<16xi32>
    %swap3A_404 = vector.shape_cast %rem3A_400 : vector<16xi32> to vector<16xi32>
    tpu.vector_store %arg8[%swap3A_401], %swap3A_404 {strides = array<i32>} : memref<1024xi32, #tpu.memory_space<vmem>>, vector<16xi32>,
    %get3A_405 = arith.constant 800 : index
    %get3A_406 = tpu.vector_load %arg8[%get3A_405] {strides = array<i32>} : memref<1024xi32, #tpu.memory_space<vmem>>, vector<16xi32>,
    %get3A_407 = vector.shape_cast %get3A_406 : vector<16xi32> to vector<16xi32>
    %rem3A_408 = arith.remsi %get3A_407, %broadcast_in_dim3A_7 : vector<16xi32>
    %swap3A_409 = arith.constant 800 : index
    %swap3A_410 = tpu.vector_load %arg8[%swap3A_409] {strides = array<i32>} : memref<1024xi32, #tpu.memory_space<vmem>>, vector<16xi32>,
    %swap3A_411 = vector.shape_cast %swap3A_410 : vector<16xi32> to vector<16xi32>
    %swap3A_412 = vector.shape_cast %rem3A_408 : vector<16xi32> to vector<16xi32>
    tpu.vector_store %arg8[%swap3A_409], %swap3A_412 {strides = array<i32>} : memref<1024xi32, #tpu.memory_space<vmem>>, vector<16xi32>,
    %get3A_413 = arith.constant 816 : index
    %get3A_414 = tpu.vector_load %arg8[%get3A_413] {strides = array<i32>} : memref<1024xi32, #tpu.memory_space<vmem>>, vector<16xi32>,
    %get3A_415 = vector.shape_cast %get3A_414 : vector<16xi32> to vector<16xi32>
    %rem3A_416 = arith.remsi %get3A_415, %broadcast_in_dim3A_7 : vector<16xi32>
    %swap3A_417 = arith.constant 816 : index
    %swap3A_418 = tpu.vector_load %arg8[%swap3A_417] {strides = array<i32>} : memref<1024xi32, #tpu.memory_space<vmem>>, vector<16xi32>,
    %swap3A_419 = vector.shape_cast %swap3A_418 : vector<16xi32> to vector<16xi32>
    %swap3A_420 = vector.shape_cast %rem3A_416 : vector<16xi32> to vector<16xi32>
    tpu.vector_store %arg8[%swap3A_417], %swap3A_420 {strides = array<i32>} : memref<1024xi32, #tpu.memory_space<vmem>>, vector<16xi32>,
    %get3A_421 = arith.constant 832 : index
    %get3A_422 = tpu.vector_load %arg8[%get3A_421] {strides = array<i32>} : memref<1024xi32, #tpu.memory_space<vmem>>, vector<16xi32>,
    %get3A_423 = vector.shape_cast %get3A_422 : vector<16xi32> to vector<16xi32>
    %rem3A_424 = arith.remsi %get3A_423, %broadcast_in_dim3A_7 : vector<16xi32>
    %swap3A_425 = arith.constant 832 : index
    %swap3A_426 = tpu.vector_load %arg8[%swap3A_425] {strides = array<i32>} : memref<1024xi32, #tpu.memory_space<vmem>>, vector<16xi32>,
    %swap3A_427 = vector.shape_cast %swap3A_426 : vector<16xi32> to vector<16xi32>
    %swap3A_428 = vector.shape_cast %rem3A_424 : vector<16xi32> to vector<16xi32>
    tpu.vector_store %arg8[%swap3A_425], %swap3A_428 {strides = array<i32>} : memref<1024xi32, #tpu.memory_space<vmem>>, vector<16xi32>,
    %get3A_429 = arith.constant 848 : index
    %get3A_430 = tpu.vector_load %arg8[%get3A_429] {strides = array<i32>} : memref<1024xi32, #tpu.memory_space<vmem>>, vector<16xi32>,
    %get3A_431 = vector.shape_cast %get3A_430 : vector<16xi32> to vector<16xi32>
    %rem3A_432 = arith.remsi %get3A_431, %broadcast_in_dim3A_7 : vector<16xi32>
    %swap3A_433 = arith.constant 848 : index
    %swap3A_434 = tpu.vector_load %arg8[%swap3A_433] {strides = array<i32>} : memref<1024xi32, #tpu.memory_space<vmem>>, vector<16xi32>,
    %swap3A_435 = vector.shape_cast %swap3A_434 : vector<16xi32> to vector<16xi32>
    %swap3A_436 = vector.shape_cast %rem3A_432 : vector<16xi32> to vector<16xi32>
    tpu.vector_store %arg8[%swap3A_433], %swap3A_436 {strides = array<i32>} : memref<1024xi32, #tpu.memory_space<vmem>>, vector<16xi32>,
    %get3A_437 = arith.constant 864 : index
    %get3A_438 = tpu.vector_load %arg8[%get3A_437] {strides = array<i32>} : memref<1024xi32, #tpu.memory_space<vmem>>, vector<16xi32>,
    %get3A_439 = vector.shape_cast %get3A_438 : vector<16xi32> to vector<16xi32>
    %rem3A_440 = arith.remsi %get3A_439, %broadcast_in_dim3A_7 : vector<16xi32>
    %swap3A_441 = arith.constant 864 : index
    %swap3A_442 = tpu.vector_load %arg8[%swap3A_441] {strides = array<i32>} : memref<1024xi32, #tpu.memory_space<vmem>>, vector<16xi32>,
    %swap3A_443 = vector.shape_cast %swap3A_442 : vector<16xi32> to vector<16xi32>
    %swap3A_444 = vector.shape_cast %rem3A_440 : vector<16xi32> to vector<16xi32>
    tpu.vector_store %arg8[%swap3A_441], %swap3A_444 {strides = array<i32>} : memref<1024xi32, #tpu.memory_space<vmem>>, vector<16xi32>,
    %get3A_445 = arith.constant 880 : index
    %get3A_446 = tpu.vector_load %arg8[%get3A_445] {strides = array<i32>} : memref<1024xi32, #tpu.memory_space<vmem>>, vector<16xi32>,
    %get3A_447 = vector.shape_cast %get3A_446 : vector<16xi32> to vector<16xi32>
    %rem3A_448 = arith.remsi %get3A_447, %broadcast_in_dim3A_7 : vector<16xi32>
    %swap3A_449 = arith.constant 880 : index
    %swap3A_450 = tpu.vector_load %arg8[%swap3A_449] {strides = array<i32>} : memref<1024xi32, #tpu.memory_space<vmem>>, vector<16xi32>,
    %swap3A_451 = vector.shape_cast %swap3A_450 : vector<16xi32> to vector<16xi32>
    %swap3A_452 = vector.shape_cast %rem3A_448 : vector<16xi32> to vector<16xi32>
    tpu.vector_store %arg8[%swap3A_449], %swap3A_452 {strides = array<i32>} : memref<1024xi32, #tpu.memory_space<vmem>>, vector<16xi32>,
    %get3A_453 = arith.constant 896 : index
    %get3A_454 = tpu.vector_load %arg8[%get3A_453] {strides = array<i32>} : memref<1024xi32, #tpu.memory_space<vmem>>, vector<16xi32>,
    %get3A_455 = vector.shape_cast %get3A_454 : vector<16xi32> to vector<16xi32>
    %rem3A_456 = arith.remsi %get3A_455, %broadcast_in_dim3A_7 : vector<16xi32>
    %swap3A_457 = arith.constant 896 : index
    %swap3A_458 = tpu.vector_load %arg8[%swap3A_457] {strides = array<i32>} : memref<1024xi32, #tpu.memory_space<vmem>>, vector<16xi32>,
    %swap3A_459 = vector.shape_cast %swap3A_458 : vector<16xi32> to vector<16xi32>
    %swap3A_460 = vector.shape_cast %rem3A_456 : vector<16xi32> to vector<16xi32>
    tpu.vector_store %arg8[%swap3A_457], %swap3A_460 {strides = array<i32>} : memref<1024xi32, #tpu.memory_space<vmem>>, vector<16xi32>,
    %get3A_461 = arith.constant 912 : index
    %get3A_462 = tpu.vector_load %arg8[%get3A_461] {strides = array<i32>} : memref<1024xi32, #tpu.memory_space<vmem>>, vector<16xi32>,
    %get3A_463 = vector.shape_cast %get3A_462 : vector<16xi32> to vector<16xi32>
    %rem3A_464 = arith.remsi %get3A_463, %broadcast_in_dim3A_7 : vector<16xi32>
    %swap3A_465 = arith.constant 912 : index
    %swap3A_466 = tpu.vector_load %arg8[%swap3A_465] {strides = array<i32>} : memref<1024xi32, #tpu.memory_space<vmem>>, vector<16xi32>,
    %swap3A_467 = vector.shape_cast %swap3A_466 : vector<16xi32> to vector<16xi32>
    %swap3A_468 = vector.shape_cast %rem3A_464 : vector<16xi32> to vector<16xi32>
    tpu.vector_store %arg8[%swap3A_465], %swap3A_468 {strides = array<i32>} : memref<1024xi32, #tpu.memory_space<vmem>>, vector<16xi32>,
    %get3A_469 = arith.constant 928 : index
    %get3A_470 = tpu.vector_load %arg8[%get3A_469] {strides = array<i32>} : memref<1024xi32, #tpu.memory_space<vmem>>, vector<16xi32>,
    %get3A_471 = vector.shape_cast %get3A_470 : vector<16xi32> to vector<16xi32>
    %rem3A_472 = arith.remsi %get3A_471, %broadcast_in_dim3A_7 : vector<16xi32>
    %swap3A_473 = arith.constant 928 : index
    %swap3A_474 = tpu.vector_load %arg8[%swap3A_473] {strides = array<i32>} : memref<1024xi32, #tpu.memory_space<vmem>>, vector<16xi32>,
    %swap3A_475 = vector.shape_cast %swap3A_474 : vector<16xi32> to vector<16xi32>
    %swap3A_476 = vector.shape_cast %rem3A_472 : vector<16xi32> to vector<16xi32>
    tpu.vector_store %arg8[%swap3A_473], %swap3A_476 {strides = array<i32>} : memref<1024xi32, #tpu.memory_space<vmem>>, vector<16xi32>,
    %get3A_477 = arith.constant 944 : index
    %get3A_478 = tpu.vector_load %arg8[%get3A_477] {strides = array<i32>} : memref<1024xi32, #tpu.memory_space<vmem>>, vector<16xi32>,
    %get3A_479 = vector.shape_cast %get3A_478 : vector<16xi32> to vector<16xi32>
    %rem3A_480 = arith.remsi %get3A_479, %broadcast_in_dim3A_7 : vector<16xi32>
    %swap3A_481 = arith.constant 944 : index
    %swap3A_482 = tpu.vector_load %arg8[%swap3A_481] {strides = array<i32>} : memref<1024xi32, #tpu.memory_space<vmem>>, vector<16xi32>,
    %swap3A_483 = vector.shape_cast %swap3A_482 : vector<16xi32> to vector<16xi32>
    %swap3A_484 = vector.shape_cast %rem3A_480 : vector<16xi32> to vector<16xi32>
    tpu.vector_store %arg8[%swap3A_481], %swap3A_484 {strides = array<i32>} : memref<1024xi32, #tpu.memory_space<vmem>>, vector<16xi32>,
    %get3A_485 = arith.constant 960 : index
    %get3A_486 = tpu.vector_load %arg8[%get3A_485] {strides = array<i32>} : memref<1024xi32, #tpu.memory_space<vmem>>, vector<16xi32>,
    %get3A_487 = vector.shape_cast %get3A_486 : vector<16xi32> to vector<16xi32>
    %rem3A_488 = arith.remsi %get3A_487, %broadcast_in_dim3A_7 : vector<16xi32>
    %swap3A_489 = arith.constant 960 : index
    %swap3A_490 = tpu.vector_load %arg8[%swap3A_489] {strides = array<i32>} : memref<1024xi32, #tpu.memory_space<vmem>>, vector<16xi32>,
    %swap3A_491 = vector.shape_cast %swap3A_490 : vector<16xi32> to vector<16xi32>
    %swap3A_492 = vector.shape_cast %rem3A_488 : vector<16xi32> to vector<16xi32>
    tpu.vector_store %arg8[%swap3A_489], %swap3A_492 {strides = array<i32>} : memref<1024xi32, #tpu.memory_space<vmem>>, vector<16xi32>,
    %get3A_493 = arith.constant 976 : index
    %get3A_494 = tpu.vector_load %arg8[%get3A_493] {strides = array<i32>} : memref<1024xi32, #tpu.memory_space<vmem>>, vector<16xi32>,
    %get3A_495 = vector.shape_cast %get3A_494 : vector<16xi32> to vector<16xi32>
    %rem3A_496 = arith.remsi %get3A_495, %broadcast_in_dim3A_7 : vector<16xi32>
    %swap3A_497 = arith.constant 976 : index
    %swap3A_498 = tpu.vector_load %arg8[%swap3A_497] {strides = array<i32>} : memref<1024xi32, #tpu.memory_space<vmem>>, vector<16xi32>,
    %swap3A_499 = vector.shape_cast %swap3A_498 : vector<16xi32> to vector<16xi32>
    %swap3A_500 = vector.shape_cast %rem3A_496 : vector<16xi32> to vector<16xi32>
    tpu.vector_store %arg8[%swap3A_497], %swap3A_500 {strides = array<i32>} : memref<1024xi32, #tpu.memory_space<vmem>>, vector<16xi32>,
    %get3A_501 = arith.constant 992 : index
    %get3A_502 = tpu.vector_load %arg8[%get3A_501] {strides = array<i32>} : memref<1024xi32, #tpu.memory_space<vmem>>, vector<16xi32>,
    %get3A_503 = vector.shape_cast %get3A_502 : vector<16xi32> to vector<16xi32>
    %rem3A_504 = arith.remsi %get3A_503, %broadcast_in_dim3A_7 : vector<16xi32>
    %swap3A_505 = arith.constant 992 : index
    %swap3A_506 = tpu.vector_load %arg8[%swap3A_505] {strides = array<i32>} : memref<1024xi32, #tpu.memory_space<vmem>>, vector<16xi32>,
    %swap3A_507 = vector.shape_cast %swap3A_506 : vector<16xi32> to vector<16xi32>
    %swap3A_508 = vector.shape_cast %rem3A_504 : vector<16xi32> to vector<16xi32>
    tpu.vector_store %arg8[%swap3A_505], %swap3A_508 {strides = array<i32>} : memref<1024xi32, #tpu.memory_space<vmem>>, vector<16xi32>,
    %get3A_509 = arith.constant 1008 : index
    %get3A_510 = tpu.vector_load %arg8[%get3A_509] {strides = array<i32>} : memref<1024xi32, #tpu.memory_space<vmem>>, vector<16xi32>,
    %get3A_511 = vector.shape_cast %get3A_510 : vector<16xi32> to vector<16xi32>
    %rem3A_512 = arith.remsi %get3A_511, %broadcast_in_dim3A_7 : vector<16xi32>
    %swap3A_513 = arith.constant 1008 : index
    %swap3A_514 = tpu.vector_load %arg8[%swap3A_513] {strides = array<i32>} : memref<1024xi32, #tpu.memory_space<vmem>>, vector<16xi32>,
    %swap3A_515 = vector.shape_cast %swap3A_514 : vector<16xi32> to vector<16xi32>
    %swap3A_516 = vector.shape_cast %rem3A_512 : vector<16xi32> to vector<16xi32>
    tpu.vector_store %arg8[%swap3A_513], %swap3A_516 {strides = array<i32>} : memref<1024xi32, #tpu.memory_space<vmem>>, vector<16xi32>,
    %multiple_of3A = arith.constant 0 : i32
    %multiple_of3A_517 = tpu.assume_multiple %multiple_of3A, 8 : i32
    %dma_start3A = arith.constant 0 : i32
    %dma_start3A_518 = arith.constant 0 : i32
    %dma_start3A_519 = arith.constant 0 : i32
    %dma_start3A_520 = arith.constant 0 : i32
    %dma_start3A_521 = tpu.memref_slice %arg10[%dma_start3A, %dma_start3A_519, %dma_start3A_520] : memref<2x1x10112xf32, #tpu.memory_space<vmem>> -> memref<1x1x10112xf32, #tpu.memory_space<vmem>>
    %dma_start3A_522 = tpu.memref_squeeze %dma_start3A_521 : memref<1x1x10112xf32, #tpu.memory_space<vmem>> -> memref<1x10112xf32, #tpu.memory_space<vmem>>
    %dma_start3A_523 = tpu.memref_slice %arg8[%multiple_of3A_517] : memref<1024xi32, #tpu.memory_space<vmem>> -> memref<1xi32, #tpu.memory_space<vmem>>
    %dma_start3A_524 = arith.constant 0 : i32
    %dma_start3A_525 = arith.constant 0 : i32
    %dma_start3A_526 = tpu.memref_slice %arg6[%dma_start3A_524, %dma_start3A_525] : memref<256x10112xf32, #tpu.memory_space<hbm>> -> memref<256x10112xf32, #tpu.memory_space<hbm>>
    %dma_start3A_527 = tpu.memref_slice %arg14[%dma_start3A_518] : memref<2x!tpu.dma_semaphore, #tpu.memory_space<semaphore_mem>> -> memref<1x!tpu.dma_semaphore, #tpu.memory_space<semaphore_mem>>
    %dma_start3A_528 = tpu.memref_squeeze %dma_start3A_527 : memref<1x!tpu.dma_semaphore, #tpu.memory_space<semaphore_mem>> -> memref<!tpu.dma_semaphore, #tpu.memory_space<semaphore_mem>>
    tpu.enqueue_indirect_dma source(%dma_start3A_526 : memref<256x10112xf32, #tpu.memory_space<hbm>>) target(%dma_start3A_522 : memref<1x10112xf32, #tpu.memory_space<vmem>>) offsets(%dma_start3A_523 : memref<1xi32, #tpu.memory_space<vmem>>) semaphore(%dma_start3A_528 : memref<!tpu.dma_semaphore, #tpu.memory_space<semaphore_mem>>)
    %add3A_529 = arith.constant 0 : i32
    %add3A_530 = arith.addi %mul3A_2, %add3A_529 : i32
    %dma_start3A_531 = arith.constant 0 : i32
    %dma_start3A_532 = arith.constant 0 : i32
    %dma_start3A_533 = arith.constant 0 : i32
    %dma_start3A_534 = arith.constant 0 : i32
    %dma_start3A_535 = tpu.memref_slice %arg11[%dma_start3A_531, %dma_start3A_533, %dma_start3A_534] : memref<2x1x10000xf32, #tpu.memory_space<vmem>> -> memref<1x1x10000xf32, #tpu.memory_space<vmem>>
    %dma_start3A_536 = tpu.memref_squeeze %dma_start3A_535 : memref<1x1x10000xf32, #tpu.memory_space<vmem>> -> memref<1x10000xf32, #tpu.memory_space<vmem>>
    %dma_start3A_537 = arith.constant 0 : i32
    %dma_start3A_538 = tpu.memref_slice %arg2[%add3A_530, %dma_start3A_537] : memref<4096x10000xf32, #tpu.memory_space<hbm>> -> memref<1x10000xf32, #tpu.memory_space<hbm>>
    %dma_start3A_539 = tpu.memref_slice %arg15[%dma_start3A_532] : memref<2x!tpu.dma_semaphore, #tpu.memory_space<semaphore_mem>> -> memref<1x!tpu.dma_semaphore, #tpu.memory_space<semaphore_mem>>
    %dma_start3A_540 = tpu.memref_squeeze %dma_start3A_539 : memref<1x!tpu.dma_semaphore, #tpu.memory_space<semaphore_mem>> -> memref<!tpu.dma_semaphore, #tpu.memory_space<semaphore_mem>>
    %dma_start3A_541 = arith.constant 0 : i32
    %dma_start3A_542 = arith.constant 0 : i32
    %dma_start3A_543 = tpu.memref_slice %arg11[%dma_start3A_531, %dma_start3A_541, %dma_start3A_542] : memref<2x1x10000xf32, #tpu.memory_space<vmem>> -> memref<1x1x10000xf32, #tpu.memory_space<vmem>>
    %dma_start3A_544 = tpu.memref_squeeze %dma_start3A_543 : memref<1x1x10000xf32, #tpu.memory_space<vmem>> -> memref<1x10000xf32, #tpu.memory_space<vmem>>
    %dma_start3A_545 = arith.constant 0 : i32
    %dma_start3A_546 = tpu.memref_slice %arg2[%add3A_530, %dma_start3A_545] : memref<4096x10000xf32, #tpu.memory_space<hbm>> -> memref<1x10000xf32, #tpu.memory_space<hbm>>
    tpu.enqueue_dma source(%dma_start3A_546 : memref<1x10000xf32, #tpu.memory_space<hbm>>) target(%dma_start3A_544 : memref<1x10000xf32, #tpu.memory_space<vmem>>) target_semaphore(%dma_start3A_540 : memref<!tpu.dma_semaphore, #tpu.memory_space<semaphore_mem>>)
    %add3A_547 = arith.constant 0 : i32
    %add3A_548 = arith.addi %mul3A_2, %add3A_547 : i32
    %dma_start3A_549 = arith.constant 0 : i32
    %dma_start3A_550 = arith.constant 0 : i32
    %dma_start3A_551 = arith.constant 0 : i32
    %dma_start3A_552 = arith.constant 0 : i32
    %dma_start3A_553 = tpu.memref_slice %arg12[%dma_start3A_549, %dma_start3A_551, %dma_start3A_552] : memref<2x1x10000xf32, #tpu.memory_space<vmem>> -> memref<1x1x10000xf32, #tpu.memory_space<vmem>>
    %dma_start3A_554 = tpu.memref_squeeze %dma_start3A_553 : memref<1x1x10000xf32, #tpu.memory_space<vmem>> -> memref<1x10000xf32, #tpu.memory_space<vmem>>
    %dma_start3A_555 = arith.constant 0 : i32
    %dma_start3A_556 = tpu.memref_slice %arg3[%add3A_548, %dma_start3A_555] : memref<4096x10000xf32, #tpu.memory_space<hbm>> -> memref<1x10000xf32, #tpu.memory_space<hbm>>
    %dma_start3A_557 = tpu.memref_slice %arg16[%dma_start3A_550] : memref<2x!tpu.dma_semaphore, #tpu.memory_space<semaphore_mem>> -> memref<1x!tpu.dma_semaphore, #tpu.memory_space<semaphore_mem>>
    %dma_start3A_558 = tpu.memref_squeeze %dma_start3A_557 : memref<1x!tpu.dma_semaphore, #tpu.memory_space<semaphore_mem>> -> memref<!tpu.dma_semaphore, #tpu.memory_space<semaphore_mem>>
    %dma_start3A_559 = arith.constant 0 : i32
    %dma_start3A_560 = arith.constant 0 : i32
    %dma_start3A_561 = tpu.memref_slice %arg12[%dma_start3A_549, %dma_start3A_559, %dma_start3A_560] : memref<2x1x10000xf32, #tpu.memory_space<vmem>> -> memref<1x1x10000xf32, #tpu.memory_space<vmem>>
    %dma_start3A_562 = tpu.memref_squeeze %dma_start3A_561 : memref<1x1x10000xf32, #tpu.memory_space<vmem>> -> memref<1x10000xf32, #tpu.memory_space<vmem>>
    %dma_start3A_563 = arith.constant 0 : i32
    %dma_start3A_564 = tpu.memref_slice %arg3[%add3A_548, %dma_start3A_563] : memref<4096x10000xf32, #tpu.memory_space<hbm>> -> memref<1x10000xf32, #tpu.memory_space<hbm>>
    tpu.enqueue_dma source(%dma_start3A_564 : memref<1x10000xf32, #tpu.memory_space<hbm>>) target(%dma_start3A_562 : memref<1x10000xf32, #tpu.memory_space<vmem>>) target_semaphore(%dma_start3A_558 : memref<!tpu.dma_semaphore, #tpu.memory_space<semaphore_mem>>)
    %multiple_of3A_565 = arith.constant 8 : i32
    %multiple_of3A_566 = tpu.assume_multiple %multiple_of3A_565, 8 : i32
    %dma_start3A_567 = arith.constant 1 : i32
    %dma_start3A_568 = arith.constant 1 : i32
    %dma_start3A_569 = arith.constant 0 : i32
    %dma_start3A_570 = arith.constant 0 : i32
    %dma_start3A_571 = tpu.memref_slice %arg10[%dma_start3A_567, %dma_start3A_569, %dma_start3A_570] : memref<2x1x10112xf32, #tpu.memory_space<vmem>> -> memref<1x1x10112xf32, #tpu.memory_space<vmem>>
    %dma_start3A_572 = tpu.memref_squeeze %dma_start3A_571 : memref<1x1x10112xf32, #tpu.memory_space<vmem>> -> memref<1x10112xf32, #tpu.memory_space<vmem>>
    %dma_start3A_573 = tpu.memref_slice %arg8[%multiple_of3A_566] : memref<1024xi32, #tpu.memory_space<vmem>> -> memref<1xi32, #tpu.memory_space<vmem>>
    %dma_start3A_574 = arith.constant 0 : i32
    %dma_start3A_575 = arith.constant 0 : i32
    %dma_start3A_576 = tpu.memref_slice %arg6[%dma_start3A_574, %dma_start3A_575] : memref<256x10112xf32, #tpu.memory_space<hbm>> -> memref<256x10112xf32, #tpu.memory_space<hbm>>
    %dma_start3A_577 = tpu.memref_slice %arg14[%dma_start3A_568] : memref<2x!tpu.dma_semaphore, #tpu.memory_space<semaphore_mem>> -> memref<1x!tpu.dma_semaphore, #tpu.memory_space<semaphore_mem>>
    %dma_start3A_578 = tpu.memref_squeeze %dma_start3A_577 : memref<1x!tpu.dma_semaphore, #tpu.memory_space<semaphore_mem>> -> memref<!tpu.dma_semaphore, #tpu.memory_space<semaphore_mem>>
    tpu.enqueue_indirect_dma source(%dma_start3A_576 : memref<256x10112xf32, #tpu.memory_space<hbm>>) target(%dma_start3A_572 : memref<1x10112xf32, #tpu.memory_space<vmem>>) offsets(%dma_start3A_573 : memref<1xi32, #tpu.memory_space<vmem>>) semaphore(%dma_start3A_578 : memref<!tpu.dma_semaphore, #tpu.memory_space<semaphore_mem>>)
    %add3A_579 = arith.constant 1 : i32
    %add3A_580 = arith.addi %mul3A_2, %add3A_579 : i32
    %dma_start3A_581 = arith.constant 1 : i32
    %dma_start3A_582 = arith.constant 1 : i32
    %dma_start3A_583 = arith.constant 0 : i32
    %dma_start3A_584 = arith.constant 0 : i32
    %dma_start3A_585 = tpu.memref_slice %arg11[%dma_start3A_581, %dma_start3A_583, %dma_start3A_584] : memref<2x1x10000xf32, #tpu.memory_space<vmem>> -> memref<1x1x10000xf32, #tpu.memory_space<vmem>>
    %dma_start3A_586 = tpu.memref_squeeze %dma_start3A_585 : memref<1x1x10000xf32, #tpu.memory_space<vmem>> -> memref<1x10000xf32, #tpu.memory_space<vmem>>
    %dma_start3A_587 = arith.constant 0 : i32
    %dma_start3A_588 = tpu.memref_slice %arg2[%add3A_580, %dma_start3A_587] : memref<4096x10000xf32, #tpu.memory_space<hbm>> -> memref<1x10000xf32, #tpu.memory_space<hbm>>
    %dma_start3A_589 = tpu.memref_slice %arg15[%dma_start3A_582] : memref<2x!tpu.dma_semaphore, #tpu.memory_space<semaphore_mem>> -> memref<1x!tpu.dma_semaphore, #tpu.memory_space<semaphore_mem>>
    %dma_start3A_590 = tpu.memref_squeeze %dma_start3A_589 : memref<1x!tpu.dma_semaphore, #tpu.memory_space<semaphore_mem>> -> memref<!tpu.dma_semaphore, #tpu.memory_space<semaphore_mem>>
    %dma_start3A_591 = arith.constant 0 : i32
    %dma_start3A_592 = arith.constant 0 : i32
    %dma_start3A_593 = tpu.memref_slice %arg11[%dma_start3A_581, %dma_start3A_591, %dma_start3A_592] : memref<2x1x10000xf32, #tpu.memory_space<vmem>> -> memref<1x1x10000xf32, #tpu.memory_space<vmem>>
    %dma_start3A_594 = tpu.memref_squeeze %dma_start3A_593 : memref<1x1x10000xf32, #tpu.memory_space<vmem>> -> memref<1x10000xf32, #tpu.memory_space<vmem>>
    %dma_start3A_595 = arith.constant 0 : i32
    %dma_start3A_596 = tpu.memref_slice %arg2[%add3A_580, %dma_start3A_595] : memref<4096x10000xf32, #tpu.memory_space<hbm>> -> memref<1x10000xf32, #tpu.memory_space<hbm>>
    tpu.enqueue_dma source(%dma_start3A_596 : memref<1x10000xf32, #tpu.memory_space<hbm>>) target(%dma_start3A_594 : memref<1x10000xf32, #tpu.memory_space<vmem>>) target_semaphore(%dma_start3A_590 : memref<!tpu.dma_semaphore, #tpu.memory_space<semaphore_mem>>)
    %add3A_597 = arith.constant 1 : i32
    %add3A_598 = arith.addi %mul3A_2, %add3A_597 : i32
    %dma_start3A_599 = arith.constant 1 : i32
    %dma_start3A_600 = arith.constant 1 : i32
    %dma_start3A_601 = arith.constant 0 : i32
    %dma_start3A_602 = arith.constant 0 : i32
    %dma_start3A_603 = tpu.memref_slice %arg12[%dma_start3A_599, %dma_start3A_601, %dma_start3A_602] : memref<2x1x10000xf32, #tpu.memory_space<vmem>> -> memref<1x1x10000xf32, #tpu.memory_space<vmem>>
    %dma_start3A_604 = tpu.memref_squeeze %dma_start3A_603 : memref<1x1x10000xf32, #tpu.memory_space<vmem>> -> memref<1x10000xf32, #tpu.memory_space<vmem>>
    %dma_start3A_605 = arith.constant 0 : i32
    %dma_start3A_606 = tpu.memref_slice %arg3[%add3A_598, %dma_start3A_605] : memref<4096x10000xf32, #tpu.memory_space<hbm>> -> memref<1x10000xf32, #tpu.memory_space<hbm>>
    %dma_start3A_607 = tpu.memref_slice %arg16[%dma_start3A_600] : memref<2x!tpu.dma_semaphore, #tpu.memory_space<semaphore_mem>> -> memref<1x!tpu.dma_semaphore, #tpu.memory_space<semaphore_mem>>
    %dma_start3A_608 = tpu.memref_squeeze %dma_start3A_607 : memref<1x!tpu.dma_semaphore, #tpu.memory_space<semaphore_mem>> -> memref<!tpu.dma_semaphore, #tpu.memory_space<semaphore_mem>>
    %dma_start3A_609 = arith.constant 0 : i32
    %dma_start3A_610 = arith.constant 0 : i32
    %dma_start3A_611 = tpu.memref_slice %arg12[%dma_start3A_599, %dma_start3A_609, %dma_start3A_610] : memref<2x1x10000xf32, #tpu.memory_space<vmem>> -> memref<1x1x10000xf32, #tpu.memory_space<vmem>>
    %dma_start3A_612 = tpu.memref_squeeze %dma_start3A_611 : memref<1x1x10000xf32, #tpu.memory_space<vmem>> -> memref<1x10000xf32, #tpu.memory_space<vmem>>
    %dma_start3A_613 = arith.constant 0 : i32
    %dma_start3A_614 = tpu.memref_slice %arg3[%add3A_598, %dma_start3A_613] : memref<4096x10000xf32, #tpu.memory_space<hbm>> -> memref<1x10000xf32, #tpu.memory_space<hbm>>
    tpu.enqueue_dma source(%dma_start3A_614 : memref<1x10000xf32, #tpu.memory_space<hbm>>) target(%dma_start3A_612 : memref<1x10000xf32, #tpu.memory_space<vmem>>) target_semaphore(%dma_start3A_608 : memref<!tpu.dma_semaphore, #tpu.memory_space<semaphore_mem>>)
    %scan3A = arith.constant 0 : i32
    %scan3A_615 = arith.constant 0 : i32
    %scan3A_616 = arith.constant 64 : i32
    %scan3A_617 = arith.addi %scan3A_615, %scan3A_616 : i32
    %scan3A_618 = arith.constant 1 : i32
    scf.for %scan3A_655 = %scan3A_615 to %scan3A_617 step %scan3A_618  : i32 {
      %mul3A_656 = arith.constant 2 : i32
      %mul3A_657 = arith.muli %scan3A_655, %mul3A_656 : i32
      %add3A_658 = arith.constant 0 : i32
      %add3A_659 = arith.addi %mul3A_657, %add3A_658 : i32
      %dma_wait3A_660 = arith.constant 0 : i32
      %dma_wait3A_661 = arith.constant 0 : i32
      %dma_wait3A_662 = arith.constant 0 : i32
      %dma_wait3A_663 = arith.constant 0 : i32
      %dma_wait3A_664 = tpu.memref_slice %arg10[%dma_wait3A_660, %dma_wait3A_662, %dma_wait3A_663] : memref<2x1x10112xf32, #tpu.memory_space<vmem>> -> memref<1x1x10112xf32, #tpu.memory_space<vmem>>
      %dma_wait3A_665 = tpu.memref_squeeze %dma_wait3A_664 : memref<1x1x10112xf32, #tpu.memory_space<vmem>> -> memref<1x10112xf32, #tpu.memory_space<vmem>>
      %dma_wait3A_666 = arith.constant 0 : i32
      %dma_wait3A_667 = arith.constant 0 : i32
      %dma_wait3A_668 = tpu.memref_slice %arg6[%dma_wait3A_666, %dma_wait3A_667] : memref<256x10112xf32, #tpu.memory_space<hbm>> -> memref<1x10112xf32, #tpu.memory_space<hbm>>
      %dma_wait3A_669 = tpu.memref_slice %arg14[%dma_wait3A_661] : memref<2x!tpu.dma_semaphore, #tpu.memory_space<semaphore_mem>> -> memref<1x!tpu.dma_semaphore, #tpu.memory_space<semaphore_mem>>
      %dma_wait3A_670 = tpu.memref_squeeze %dma_wait3A_669 : memref<1x!tpu.dma_semaphore, #tpu.memory_space<semaphore_mem>> -> memref<!tpu.dma_semaphore, #tpu.memory_space<semaphore_mem>>
      %dma_wait3A_671 = arith.constant 0 : i32
      %dma_wait3A_672 = arith.constant 0 : i32
      %dma_wait3A_673 = tpu.memref_slice %arg10[%dma_wait3A_660, %dma_wait3A_671, %dma_wait3A_672] : memref<2x1x10112xf32, #tpu.memory_space<vmem>> -> memref<1x1x10112xf32, #tpu.memory_space<vmem>>
      %dma_wait3A_674 = tpu.memref_squeeze %dma_wait3A_673 : memref<1x1x10112xf32, #tpu.memory_space<vmem>> -> memref<1x10112xf32, #tpu.memory_space<vmem>>
      %dma_wait3A_675 = arith.constant 0 : i32
      %dma_wait3A_676 = arith.constant 0 : i32
      %dma_wait3A_677 = tpu.memref_slice %arg6[%dma_wait3A_675, %dma_wait3A_676] : memref<256x10112xf32, #tpu.memory_space<hbm>> -> memref<1x10112xf32, #tpu.memory_space<hbm>>
      tpu.wait_dma2 semaphore(%dma_wait3A_670 : memref<!tpu.dma_semaphore, #tpu.memory_space<semaphore_mem>>) src(%dma_wait3A_677 : memref<1x10112xf32, #tpu.memory_space<hbm>>) dst(%dma_wait3A_674 : memref<1x10112xf32, #tpu.memory_space<vmem>>)
      %dma_wait3A_678 = arith.constant 0 : i32
      %dma_wait3A_679 = arith.constant 0 : i32
      %dma_wait3A_680 = arith.constant 0 : i32
      %dma_wait3A_681 = arith.constant 0 : i32
      %dma_wait3A_682 = tpu.memref_slice %arg11[%dma_wait3A_678, %dma_wait3A_680, %dma_wait3A_681] : memref<2x1x10000xf32, #tpu.memory_space<vmem>> -> memref<1x1x10000xf32, #tpu.memory_space<vmem>>
      %dma_wait3A_683 = tpu.memref_squeeze %dma_wait3A_682 : memref<1x1x10000xf32, #tpu.memory_space<vmem>> -> memref<1x10000xf32, #tpu.memory_space<vmem>>
      %dma_wait3A_684 = arith.constant 0 : i32
      %dma_wait3A_685 = arith.constant 0 : i32
      %dma_wait3A_686 = tpu.memref_slice %arg2[%dma_wait3A_684, %dma_wait3A_685] : memref<4096x10000xf32, #tpu.memory_space<hbm>> -> memref<1x10000xf32, #tpu.memory_space<hbm>>
      %dma_wait3A_687 = tpu.memref_slice %arg15[%dma_wait3A_679] : memref<2x!tpu.dma_semaphore, #tpu.memory_space<semaphore_mem>> -> memref<1x!tpu.dma_semaphore, #tpu.memory_space<semaphore_mem>>
      %dma_wait3A_688 = tpu.memref_squeeze %dma_wait3A_687 : memref<1x!tpu.dma_semaphore, #tpu.memory_space<semaphore_mem>> -> memref<!tpu.dma_semaphore, #tpu.memory_space<semaphore_mem>>
      %dma_wait3A_689 = arith.constant 0 : i32
      %dma_wait3A_690 = arith.constant 0 : i32
      %dma_wait3A_691 = tpu.memref_slice %arg11[%dma_wait3A_678, %dma_wait3A_689, %dma_wait3A_690] : memref<2x1x10000xf32, #tpu.memory_space<vmem>> -> memref<1x1x10000xf32, #tpu.memory_space<vmem>>
      %dma_wait3A_692 = tpu.memref_squeeze %dma_wait3A_691 : memref<1x1x10000xf32, #tpu.memory_space<vmem>> -> memref<1x10000xf32, #tpu.memory_space<vmem>>
      %dma_wait3A_693 = arith.constant 0 : i32
      %dma_wait3A_694 = arith.constant 0 : i32
      %dma_wait3A_695 = tpu.memref_slice %arg2[%dma_wait3A_693, %dma_wait3A_694] : memref<4096x10000xf32, #tpu.memory_space<hbm>> -> memref<1x10000xf32, #tpu.memory_space<hbm>>
      tpu.wait_dma2 semaphore(%dma_wait3A_688 : memref<!tpu.dma_semaphore, #tpu.memory_space<semaphore_mem>>) src(%dma_wait3A_695 : memref<1x10000xf32, #tpu.memory_space<hbm>>) dst(%dma_wait3A_692 : memref<1x10000xf32, #tpu.memory_space<vmem>>)
      %dma_wait3A_696 = arith.constant 0 : i32
      %dma_wait3A_697 = arith.constant 0 : i32
      %dma_wait3A_698 = arith.constant 0 : i32
      %dma_wait3A_699 = arith.constant 0 : i32
      %dma_wait3A_700 = tpu.memref_slice %arg12[%dma_wait3A_696, %dma_wait3A_698, %dma_wait3A_699] : memref<2x1x10000xf32, #tpu.memory_space<vmem>> -> memref<1x1x10000xf32, #tpu.memory_space<vmem>>
      %dma_wait3A_701 = tpu.memref_squeeze %dma_wait3A_700 : memref<1x1x10000xf32, #tpu.memory_space<vmem>> -> memref<1x10000xf32, #tpu.memory_space<vmem>>
      %dma_wait3A_702 = arith.constant 0 : i32
      %dma_wait3A_703 = arith.constant 0 : i32
      %dma_wait3A_704 = tpu.memref_slice %arg3[%dma_wait3A_702, %dma_wait3A_703] : memref<4096x10000xf32, #tpu.memory_space<hbm>> -> memref<1x10000xf32, #tpu.memory_space<hbm>>
      %dma_wait3A_705 = tpu.memref_slice %arg16[%dma_wait3A_697] : memref<2x!tpu.dma_semaphore, #tpu.memory_space<semaphore_mem>> -> memref<1x!tpu.dma_semaphore, #tpu.memory_space<semaphore_mem>>
      %dma_wait3A_706 = tpu.memref_squeeze %dma_wait3A_705 : memref<1x!tpu.dma_semaphore, #tpu.memory_space<semaphore_mem>> -> memref<!tpu.dma_semaphore, #tpu.memory_space<semaphore_mem>>
      %dma_wait3A_707 = arith.constant 0 : i32
      %dma_wait3A_708 = arith.constant 0 : i32
      %dma_wait3A_709 = tpu.memref_slice %arg12[%dma_wait3A_696, %dma_wait3A_707, %dma_wait3A_708] : memref<2x1x10000xf32, #tpu.memory_space<vmem>> -> memref<1x1x10000xf32, #tpu.memory_space<vmem>>
      %dma_wait3A_710 = tpu.memref_squeeze %dma_wait3A_709 : memref<1x1x10000xf32, #tpu.memory_space<vmem>> -> memref<1x10000xf32, #tpu.memory_space<vmem>>
      %dma_wait3A_711 = arith.constant 0 : i32
      %dma_wait3A_712 = arith.constant 0 : i32
      %dma_wait3A_713 = tpu.memref_slice %arg3[%dma_wait3A_711, %dma_wait3A_712] : memref<4096x10000xf32, #tpu.memory_space<hbm>> -> memref<1x10000xf32, #tpu.memory_space<hbm>>
      tpu.wait_dma2 semaphore(%dma_wait3A_706 : memref<!tpu.dma_semaphore, #tpu.memory_space<semaphore_mem>>) src(%dma_wait3A_713 : memref<1x10000xf32, #tpu.memory_space<hbm>>) dst(%dma_wait3A_710 : memref<1x10000xf32, #tpu.memory_space<vmem>>)
      %gt3A = arith.constant 0 : i32
      %gt3A_714 = arith.cmpi sgt, %scan3A_655, %gt3A : i32
      %convert_element_type3A = arith.extui %gt3A_714 : i1 to i32
      %cond3A = arith.constant 0 : i32
      %cond3A_715 = arith.cmpi ne, %convert_element_type3A, %cond3A : i32
      scf.if %cond3A_715 {
        %dma_wait3A_855 = arith.constant 0 : i32
        %dma_wait3A_856 = arith.constant 0 : i32
        %dma_wait3A_857 = arith.constant 0 : i32
        %dma_wait3A_858 = arith.constant 0 : i32
        %dma_wait3A_859 = tpu.memref_slice %arg13[%dma_wait3A_855, %dma_wait3A_857, %dma_wait3A_858] : memref<2x1x10000xf32, #tpu.memory_space<vmem>> -> memref<1x1x10000xf32, #tpu.memory_space<vmem>>
        %dma_wait3A_860 = tpu.memref_squeeze %dma_wait3A_859 : memref<1x1x10000xf32, #tpu.memory_space<vmem>> -> memref<1x10000xf32, #tpu.memory_space<vmem>>
        %dma_wait3A_861 = arith.constant 0 : i32
        %dma_wait3A_862 = arith.constant 0 : i32
        %dma_wait3A_863 = tpu.memref_slice %arg7[%dma_wait3A_861, %dma_wait3A_862] : memref<4096x10000xf32, #tpu.memory_space<hbm>> -> memref<1x10000xf32, #tpu.memory_space<hbm>>
        %dma_wait3A_864 = tpu.memref_slice %arg17[%dma_wait3A_856] : memref<2x!tpu.dma_semaphore, #tpu.memory_space<semaphore_mem>> -> memref<1x!tpu.dma_semaphore, #tpu.memory_space<semaphore_mem>>
        %dma_wait3A_865 = tpu.memref_squeeze %dma_wait3A_864 : memref<1x!tpu.dma_semaphore, #tpu.memory_space<semaphore_mem>> -> memref<!tpu.dma_semaphore, #tpu.memory_space<semaphore_mem>>
        %dma_wait3A_866 = arith.constant 0 : i32
        %dma_wait3A_867 = arith.constant 0 : i32
        %dma_wait3A_868 = tpu.memref_slice %arg7[%dma_wait3A_866, %dma_wait3A_867] : memref<4096x10000xf32, #tpu.memory_space<hbm>> -> memref<1x10000xf32, #tpu.memory_space<hbm>>
        %dma_wait3A_869 = arith.constant 0 : i32
        %dma_wait3A_870 = arith.constant 0 : i32
        %dma_wait3A_871 = tpu.memref_slice %arg13[%dma_wait3A_855, %dma_wait3A_869, %dma_wait3A_870] : memref<2x1x10000xf32, #tpu.memory_space<vmem>> -> memref<1x1x10000xf32, #tpu.memory_space<vmem>>
        %dma_wait3A_872 = tpu.memref_squeeze %dma_wait3A_871 : memref<1x1x10000xf32, #tpu.memory_space<vmem>> -> memref<1x10000xf32, #tpu.memory_space<vmem>>
        tpu.wait_dma2 semaphore(%dma_wait3A_865 : memref<!tpu.dma_semaphore, #tpu.memory_space<semaphore_mem>>) src(%dma_wait3A_872 : memref<1x10000xf32, #tpu.memory_space<vmem>>) dst(%dma_wait3A_868 : memref<1x10000xf32, #tpu.memory_space<hbm>>)
      } else {
      }
      %mul3A_716 = arith.constant 16 : i32
      %mul3A_717 = arith.muli %add3A_659, %mul3A_716 : i32
      %multiple_of3A_718 = tpu.assume_multiple %mul3A_717, 16 : i32
      %get3A_719 = arith.index_cast %multiple_of3A_718 : i32 to index
      %get3A_720 = tpu.vector_load %arg9[%get3A_719] {strides = array<i32>} : memref<2048xf32, #tpu.memory_space<vmem>>, vector<16xf32>,
      %get3A_721 = vector.shape_cast %get3A_720 : vector<16xf32> to vector<16xf32>
      %sub3A = arith.constant 1.000000e+00 : f32
      %sub3A_722 = vector.broadcast %sub3A : f32 to vector<16xf32>
      %sub3A_723 = arith.subf %sub3A_722, %get3A_721 : vector<16xf32>
      %scan3A_724 = arith.constant 0 : i32
      %scan3A_725 = arith.constant 0 : i32
      %scan3A_726 = arith.constant 125 : i32
      %scan3A_727 = arith.addi %scan3A_725, %scan3A_726 : i32
      %scan3A_728 = arith.constant 1 : i32
      scf.for %scan3A_855 = %scan3A_725 to %scan3A_727 step %scan3A_728  : i32 {
        %mul3A_856 = arith.constant 80 : i32
        %mul3A_857 = arith.muli %scan3A_855, %mul3A_856 : i32
        %add3A_858 = arith.constant 0 : i32
        %add3A_859 = arith.addi %mul3A_857, %add3A_858 : i32
        %get3A_860 = arith.constant 0 : i32
        %get3A_861 = arith.constant 0 : i32
        %get3A_862 = arith.constant 0 : i32
        %get3A_863 = arith.constant 0 : i32
        %get3A_864 = tpu.memref_slice %arg11[%get3A_860, %get3A_862, %get3A_863] : memref<2x1x10000xf32, #tpu.memory_space<vmem>> -> memref<1x1x10000xf32, #tpu.memory_space<vmem>>
        %get3A_865 = tpu.memref_squeeze %get3A_864 : memref<1x1x10000xf32, #tpu.memory_space<vmem>> -> memref<1x10000xf32, #tpu.memory_space<vmem>>
        %get3A_866 = arith.index_cast %get3A_861 : i32 to index
        %get3A_867 = arith.index_cast %add3A_859 : i32 to index
        %get3A_868 = tpu.vector_load %get3A_865[%get3A_866, %get3A_867] {strides = array<i32>} : memref<1x10000xf32, #tpu.memory_space<vmem>>, vector<1x16xf32>,
        %get3A_869 = vector.shape_cast %get3A_868 : vector<1x16xf32> to vector<16xf32>
        %get3A_870 = arith.constant 0 : i32
        %get3A_871 = arith.constant 0 : i32
        %get3A_872 = arith.constant 0 : i32
        %get3A_873 = arith.constant 0 : i32
        %get3A_874 = tpu.memref_slice %arg12[%get3A_870, %get3A_872, %get3A_873] : memref<2x1x10000xf32, #tpu.memory_space<vmem>> -> memref<1x1x10000xf32, #tpu.memory_space<vmem>>
        %get3A_875 = tpu.memref_squeeze %get3A_874 : memref<1x1x10000xf32, #tpu.memory_space<vmem>> -> memref<1x10000xf32, #tpu.memory_space<vmem>>
        %get3A_876 = arith.index_cast %get3A_871 : i32 to index
        %get3A_877 = arith.index_cast %add3A_859 : i32 to index
        %get3A_878 = tpu.vector_load %get3A_875[%get3A_876, %get3A_877] {strides = array<i32>} : memref<1x10000xf32, #tpu.memory_space<vmem>>, vector<1x16xf32>,
        %get3A_879 = vector.shape_cast %get3A_878 : vector<1x16xf32> to vector<16xf32>
        %get3A_880 = arith.constant 0 : i32
        %get3A_881 = arith.constant 0 : i32
        %get3A_882 = arith.constant 0 : i32
        %get3A_883 = arith.constant 0 : i32
        %get3A_884 = tpu.memref_slice %arg10[%get3A_880, %get3A_882, %get3A_883] : memref<2x1x10112xf32, #tpu.memory_space<vmem>> -> memref<1x1x10112xf32, #tpu.memory_space<vmem>>
        %get3A_885 = tpu.memref_squeeze %get3A_884 : memref<1x1x10112xf32, #tpu.memory_space<vmem>> -> memref<1x10112xf32, #tpu.memory_space<vmem>>
        %get3A_886 = arith.index_cast %get3A_881 : i32 to index
        %get3A_887 = arith.index_cast %add3A_859 : i32 to index
        %get3A_888 = tpu.vector_load %get3A_885[%get3A_886, %get3A_887] {strides = array<i32>} : memref<1x10112xf32, #tpu.memory_space<vmem>>, vector<1x16xf32>,
        %get3A_889 = vector.shape_cast %get3A_888 : vector<1x16xf32> to vector<16xf32>
        %mul3A_890 = arith.constant 80 : i32
        %mul3A_891 = arith.muli %scan3A_855, %mul3A_890 : i32
        %add3A_892 = arith.constant 16 : i32
        %add3A_893 = arith.addi %mul3A_891, %add3A_892 : i32
        %get3A_894 = arith.constant 0 : i32
        %get3A_895 = arith.constant 0 : i32
        %get3A_896 = arith.constant 0 : i32
        %get3A_897 = arith.constant 0 : i32
        %get3A_898 = tpu.memref_slice %arg11[%get3A_894, %get3A_896, %get3A_897] : memref<2x1x10000xf32, #tpu.memory_space<vmem>> -> memref<1x1x10000xf32, #tpu.memory_space<vmem>>
        %get3A_899 = tpu.memref_squeeze %get3A_898 : memref<1x1x10000xf32, #tpu.memory_space<vmem>> -> memref<1x10000xf32, #tpu.memory_space<vmem>>
        %get3A_900 = arith.index_cast %get3A_895 : i32 to index
        %get3A_901 = arith.index_cast %add3A_893 : i32 to index
        %get3A_902 = tpu.vector_load %get3A_899[%get3A_900, %get3A_901] {strides = array<i32>} : memref<1x10000xf32, #tpu.memory_space<vmem>>, vector<1x16xf32>,
        %get3A_903 = vector.shape_cast %get3A_902 : vector<1x16xf32> to vector<16xf32>
        %get3A_904 = arith.constant 0 : i32
        %get3A_905 = arith.constant 0 : i32
        %get3A_906 = arith.constant 0 : i32
        %get3A_907 = arith.constant 0 : i32
        %get3A_908 = tpu.memref_slice %arg12[%get3A_904, %get3A_906, %get3A_907] : memref<2x1x10000xf32, #tpu.memory_space<vmem>> -> memref<1x1x10000xf32, #tpu.memory_space<vmem>>
        %get3A_909 = tpu.memref_squeeze %get3A_908 : memref<1x1x10000xf32, #tpu.memory_space<vmem>> -> memref<1x10000xf32, #tpu.memory_space<vmem>>
        %get3A_910 = arith.index_cast %get3A_905 : i32 to index
        %get3A_911 = arith.index_cast %add3A_893 : i32 to index
        %get3A_912 = tpu.vector_load %get3A_909[%get3A_910, %get3A_911] {strides = array<i32>} : memref<1x10000xf32, #tpu.memory_space<vmem>>, vector<1x16xf32>,
        %get3A_913 = vector.shape_cast %get3A_912 : vector<1x16xf32> to vector<16xf32>
        %get3A_914 = arith.constant 0 : i32
        %get3A_915 = arith.constant 0 : i32
        %get3A_916 = arith.constant 0 : i32
        %get3A_917 = arith.constant 0 : i32
        %get3A_918 = tpu.memref_slice %arg10[%get3A_914, %get3A_916, %get3A_917] : memref<2x1x10112xf32, #tpu.memory_space<vmem>> -> memref<1x1x10112xf32, #tpu.memory_space<vmem>>
        %get3A_919 = tpu.memref_squeeze %get3A_918 : memref<1x1x10112xf32, #tpu.memory_space<vmem>> -> memref<1x10112xf32, #tpu.memory_space<vmem>>
        %get3A_920 = arith.index_cast %get3A_915 : i32 to index
        %get3A_921 = arith.index_cast %add3A_893 : i32 to index
        %get3A_922 = tpu.vector_load %get3A_919[%get3A_920, %get3A_921] {strides = array<i32>} : memref<1x10112xf32, #tpu.memory_space<vmem>>, vector<1x16xf32>,
        %get3A_923 = vector.shape_cast %get3A_922 : vector<1x16xf32> to vector<16xf32>
        %mul3A_924 = arith.constant 80 : i32
        %mul3A_925 = arith.muli %scan3A_855, %mul3A_924 : i32
        %add3A_926 = arith.constant 32 : i32
        %add3A_927 = arith.addi %mul3A_925, %add3A_926 : i32
        %get3A_928 = arith.constant 0 : i32
        %get3A_929 = arith.constant 0 : i32
        %get3A_930 = arith.constant 0 : i32
        %get3A_931 = arith.constant 0 : i32
        %get3A_932 = tpu.memref_slice %arg11[%get3A_928, %get3A_930, %get3A_931] : memref<2x1x10000xf32, #tpu.memory_space<vmem>> -> memref<1x1x10000xf32, #tpu.memory_space<vmem>>
        %get3A_933 = tpu.memref_squeeze %get3A_932 : memref<1x1x10000xf32, #tpu.memory_space<vmem>> -> memref<1x10000xf32, #tpu.memory_space<vmem>>
        %get3A_934 = arith.index_cast %get3A_929 : i32 to index
        %get3A_935 = arith.index_cast %add3A_927 : i32 to index
        %get3A_936 = tpu.vector_load %get3A_933[%get3A_934, %get3A_935] {strides = array<i32>} : memref<1x10000xf32, #tpu.memory_space<vmem>>, vector<1x16xf32>,
        %get3A_937 = vector.shape_cast %get3A_936 : vector<1x16xf32> to vector<16xf32>
        %get3A_938 = arith.constant 0 : i32
        %get3A_939 = arith.constant 0 : i32
        %get3A_940 = arith.constant 0 : i32
        %get3A_941 = arith.constant 0 : i32
        %get3A_942 = tpu.memref_slice %arg12[%get3A_938, %get3A_940, %get3A_941] : memref<2x1x10000xf32, #tpu.memory_space<vmem>> -> memref<1x1x10000xf32, #tpu.memory_space<vmem>>
        %get3A_943 = tpu.memref_squeeze %get3A_942 : memref<1x1x10000xf32, #tpu.memory_space<vmem>> -> memref<1x10000xf32, #tpu.memory_space<vmem>>
        %get3A_944 = arith.index_cast %get3A_939 : i32 to index
        %get3A_945 = arith.index_cast %add3A_927 : i32 to index
        %get3A_946 = tpu.vector_load %get3A_943[%get3A_944, %get3A_945] {strides = array<i32>} : memref<1x10000xf32, #tpu.memory_space<vmem>>, vector<1x16xf32>,
        %get3A_947 = vector.shape_cast %get3A_946 : vector<1x16xf32> to vector<16xf32>
        %get3A_948 = arith.constant 0 : i32
        %get3A_949 = arith.constant 0 : i32
        %get3A_950 = arith.constant 0 : i32
        %get3A_951 = arith.constant 0 : i32
        %get3A_952 = tpu.memref_slice %arg10[%get3A_948, %get3A_950, %get3A_951] : memref<2x1x10112xf32, #tpu.memory_space<vmem>> -> memref<1x1x10112xf32, #tpu.memory_space<vmem>>
        %get3A_953 = tpu.memref_squeeze %get3A_952 : memref<1x1x10112xf32, #tpu.memory_space<vmem>> -> memref<1x10112xf32, #tpu.memory_space<vmem>>
        %get3A_954 = arith.index_cast %get3A_949 : i32 to index
        %get3A_955 = arith.index_cast %add3A_927 : i32 to index
        %get3A_956 = tpu.vector_load %get3A_953[%get3A_954, %get3A_955] {strides = array<i32>} : memref<1x10112xf32, #tpu.memory_space<vmem>>, vector<1x16xf32>,
        %get3A_957 = vector.shape_cast %get3A_956 : vector<1x16xf32> to vector<16xf32>
        %mul3A_958 = arith.constant 80 : i32
        %mul3A_959 = arith.muli %scan3A_855, %mul3A_958 : i32
        %add3A_960 = arith.constant 48 : i32
        %add3A_961 = arith.addi %mul3A_959, %add3A_960 : i32
        %get3A_962 = arith.constant 0 : i32
        %get3A_963 = arith.constant 0 : i32
        %get3A_964 = arith.constant 0 : i32
        %get3A_965 = arith.constant 0 : i32
        %get3A_966 = tpu.memref_slice %arg11[%get3A_962, %get3A_964, %get3A_965] : memref<2x1x10000xf32, #tpu.memory_space<vmem>> -> memref<1x1x10000xf32, #tpu.memory_space<vmem>>
        %get3A_967 = tpu.memref_squeeze %get3A_966 : memref<1x1x10000xf32, #tpu.memory_space<vmem>> -> memref<1x10000xf32, #tpu.memory_space<vmem>>
        %get3A_968 = arith.index_cast %get3A_963 : i32 to index
        %get3A_969 = arith.index_cast %add3A_961 : i32 to index
        %get3A_970 = tpu.vector_load %get3A_967[%get3A_968, %get3A_969] {strides = array<i32>} : memref<1x10000xf32, #tpu.memory_space<vmem>>, vector<1x16xf32>,
        %get3A_971 = vector.shape_cast %get3A_970 : vector<1x16xf32> to vector<16xf32>
        %get3A_972 = arith.constant 0 : i32
        %get3A_973 = arith.constant 0 : i32
        %get3A_974 = arith.constant 0 : i32
        %get3A_975 = arith.constant 0 : i32
        %get3A_976 = tpu.memref_slice %arg12[%get3A_972, %get3A_974, %get3A_975] : memref<2x1x10000xf32, #tpu.memory_space<vmem>> -> memref<1x1x10000xf32, #tpu.memory_space<vmem>>
        %get3A_977 = tpu.memref_squeeze %get3A_976 : memref<1x1x10000xf32, #tpu.memory_space<vmem>> -> memref<1x10000xf32, #tpu.memory_space<vmem>>
        %get3A_978 = arith.index_cast %get3A_973 : i32 to index
        %get3A_979 = arith.index_cast %add3A_961 : i32 to index
        %get3A_980 = tpu.vector_load %get3A_977[%get3A_978, %get3A_979] {strides = array<i32>} : memref<1x10000xf32, #tpu.memory_space<vmem>>, vector<1x16xf32>,
        %get3A_981 = vector.shape_cast %get3A_980 : vector<1x16xf32> to vector<16xf32>
        %get3A_982 = arith.constant 0 : i32
        %get3A_983 = arith.constant 0 : i32
        %get3A_984 = arith.constant 0 : i32
        %get3A_985 = arith.constant 0 : i32
        %get3A_986 = tpu.memref_slice %arg10[%get3A_982, %get3A_984, %get3A_985] : memref<2x1x10112xf32, #tpu.memory_space<vmem>> -> memref<1x1x10112xf32, #tpu.memory_space<vmem>>
        %get3A_987 = tpu.memref_squeeze %get3A_986 : memref<1x1x10112xf32, #tpu.memory_space<vmem>> -> memref<1x10112xf32, #tpu.memory_space<vmem>>
        %get3A_988 = arith.index_cast %get3A_983 : i32 to index
        %get3A_989 = arith.index_cast %add3A_961 : i32 to index
        %get3A_990 = tpu.vector_load %get3A_987[%get3A_988, %get3A_989] {strides = array<i32>} : memref<1x10112xf32, #tpu.memory_space<vmem>>, vector<1x16xf32>,
        %get3A_991 = vector.shape_cast %get3A_990 : vector<1x16xf32> to vector<16xf32>
        %mul3A_992 = arith.constant 80 : i32
        %mul3A_993 = arith.muli %scan3A_855, %mul3A_992 : i32
        %add3A_994 = arith.constant 64 : i32
        %add3A_995 = arith.addi %mul3A_993, %add3A_994 : i32
        %get3A_996 = arith.constant 0 : i32
        %get3A_997 = arith.constant 0 : i32
        %get3A_998 = arith.constant 0 : i32
        %get3A_999 = arith.constant 0 : i32
        %get3A_1000 = tpu.memref_slice %arg11[%get3A_996, %get3A_998, %get3A_999] : memref<2x1x10000xf32, #tpu.memory_space<vmem>> -> memref<1x1x10000xf32, #tpu.memory_space<vmem>>
        %get3A_1001 = tpu.memref_squeeze %get3A_1000 : memref<1x1x10000xf32, #tpu.memory_space<vmem>> -> memref<1x10000xf32, #tpu.memory_space<vmem>>
        %get3A_1002 = arith.index_cast %get3A_997 : i32 to index
        %get3A_1003 = arith.index_cast %add3A_995 : i32 to index
        %get3A_1004 = tpu.vector_load %get3A_1001[%get3A_1002, %get3A_1003] {strides = array<i32>} : memref<1x10000xf32, #tpu.memory_space<vmem>>, vector<1x16xf32>,
        %get3A_1005 = vector.shape_cast %get3A_1004 : vector<1x16xf32> to vector<16xf32>
        %get3A_1006 = arith.constant 0 : i32
        %get3A_1007 = arith.constant 0 : i32
        %get3A_1008 = arith.constant 0 : i32
        %get3A_1009 = arith.constant 0 : i32
        %get3A_1010 = tpu.memref_slice %arg12[%get3A_1006, %get3A_1008, %get3A_1009] : memref<2x1x10000xf32, #tpu.memory_space<vmem>> -> memref<1x1x10000xf32, #tpu.memory_space<vmem>>
        %get3A_1011 = tpu.memref_squeeze %get3A_1010 : memref<1x1x10000xf32, #tpu.memory_space<vmem>> -> memref<1x10000xf32, #tpu.memory_space<vmem>>
        %get3A_1012 = arith.index_cast %get3A_1007 : i32 to index
        %get3A_1013 = arith.index_cast %add3A_995 : i32 to index
        %get3A_1014 = tpu.vector_load %get3A_1011[%get3A_1012, %get3A_1013] {strides = array<i32>} : memref<1x10000xf32, #tpu.memory_space<vmem>>, vector<1x16xf32>,
        %get3A_1015 = vector.shape_cast %get3A_1014 : vector<1x16xf32> to vector<16xf32>
        %get3A_1016 = arith.constant 0 : i32
        %get3A_1017 = arith.constant 0 : i32
        %get3A_1018 = arith.constant 0 : i32
        %get3A_1019 = arith.constant 0 : i32
        %get3A_1020 = tpu.memref_slice %arg10[%get3A_1016, %get3A_1018, %get3A_1019] : memref<2x1x10112xf32, #tpu.memory_space<vmem>> -> memref<1x1x10112xf32, #tpu.memory_space<vmem>>
        %get3A_1021 = tpu.memref_squeeze %get3A_1020 : memref<1x1x10112xf32, #tpu.memory_space<vmem>> -> memref<1x10112xf32, #tpu.memory_space<vmem>>
        %get3A_1022 = arith.index_cast %get3A_1017 : i32 to index
        %get3A_1023 = arith.index_cast %add3A_995 : i32 to index
        %get3A_1024 = tpu.vector_load %get3A_1021[%get3A_1022, %get3A_1023] {strides = array<i32>} : memref<1x10112xf32, #tpu.memory_space<vmem>>, vector<1x16xf32>,
        %get3A_1025 = vector.shape_cast %get3A_1024 : vector<1x16xf32> to vector<16xf32>
        %mul3A_1026 = arith.constant 80 : i32
        %mul3A_1027 = arith.muli %scan3A_855, %mul3A_1026 : i32
        %add3A_1028 = arith.constant 0 : i32
        %add3A_1029 = arith.addi %mul3A_1027, %add3A_1028 : i32
        %mul3A_1030 = arith.mulf %get3A_721, %get3A_869 : vector<16xf32>
        %mul3A_1031 = arith.mulf %get3A_879, %get3A_889 : vector<16xf32>
        %mul3A_1032 = arith.mulf %sub3A_723, %mul3A_1031 : vector<16xf32>
        %add3A_1033 = arith.addf %mul3A_1030, %mul3A_1032 : vector<16xf32>
        %swap3A_1034 = arith.constant 0 : i32
        %swap3A_1035 = arith.constant 0 : i32
        %swap3A_1036 = arith.constant 0 : i32
        %swap3A_1037 = arith.constant 0 : i32
        %swap3A_1038 = tpu.memref_slice %arg13[%swap3A_1034, %swap3A_1036, %swap3A_1037] : memref<2x1x10000xf32, #tpu.memory_space<vmem>> -> memref<1x1x10000xf32, #tpu.memory_space<vmem>>
        %swap3A_1039 = tpu.memref_squeeze %swap3A_1038 : memref<1x1x10000xf32, #tpu.memory_space<vmem>> -> memref<1x10000xf32, #tpu.memory_space<vmem>>
        %swap3A_1040 = arith.index_cast %swap3A_1035 : i32 to index
        %swap3A_1041 = arith.index_cast %add3A_1029 : i32 to index
        %swap3A_1042 = tpu.vector_load %swap3A_1039[%swap3A_1040, %swap3A_1041] {strides = array<i32>} : memref<1x10000xf32, #tpu.memory_space<vmem>>, vector<1x16xf32>,
        %swap3A_1043 = vector.shape_cast %swap3A_1042 : vector<1x16xf32> to vector<16xf32>
        %swap3A_1044 = vector.shape_cast %add3A_1033 : vector<16xf32> to vector<1x16xf32>
        tpu.vector_store %swap3A_1039[%swap3A_1040, %swap3A_1041], %swap3A_1044 {strides = array<i32>} : memref<1x10000xf32, #tpu.memory_space<vmem>>, vector<1x16xf32>,
        %mul3A_1045 = arith.constant 80 : i32
        %mul3A_1046 = arith.muli %scan3A_855, %mul3A_1045 : i32
        %add3A_1047 = arith.constant 16 : i32
        %add3A_1048 = arith.addi %mul3A_1046, %add3A_1047 : i32
        %mul3A_1049 = arith.mulf %get3A_721, %get3A_903 : vector<16xf32>
        %mul3A_1050 = arith.mulf %get3A_913, %get3A_923 : vector<16xf32>
        %mul3A_1051 = arith.mulf %sub3A_723, %mul3A_1050 : vector<16xf32>
        %add3A_1052 = arith.addf %mul3A_1049, %mul3A_1051 : vector<16xf32>
        %swap3A_1053 = arith.constant 0 : i32
        %swap3A_1054 = arith.constant 0 : i32
        %swap3A_1055 = arith.constant 0 : i32
        %swap3A_1056 = arith.constant 0 : i32
        %swap3A_1057 = tpu.memref_slice %arg13[%swap3A_1053, %swap3A_1055, %swap3A_1056] : memref<2x1x10000xf32, #tpu.memory_space<vmem>> -> memref<1x1x10000xf32, #tpu.memory_space<vmem>>
        %swap3A_1058 = tpu.memref_squeeze %swap3A_1057 : memref<1x1x10000xf32, #tpu.memory_space<vmem>> -> memref<1x10000xf32, #tpu.memory_space<vmem>>
        %swap3A_1059 = arith.index_cast %swap3A_1054 : i32 to index
        %swap3A_1060 = arith.index_cast %add3A_1048 : i32 to index
        %swap3A_1061 = tpu.vector_load %swap3A_1058[%swap3A_1059, %swap3A_1060] {strides = array<i32>} : memref<1x10000xf32, #tpu.memory_space<vmem>>, vector<1x16xf32>,
        %swap3A_1062 = vector.shape_cast %swap3A_1061 : vector<1x16xf32> to vector<16xf32>
        %swap3A_1063 = vector.shape_cast %add3A_1052 : vector<16xf32> to vector<1x16xf32>
        tpu.vector_store %swap3A_1058[%swap3A_1059, %swap3A_1060], %swap3A_1063 {strides = array<i32>} : memref<1x10000xf32, #tpu.memory_space<vmem>>, vector<1x16xf32>,
        %mul3A_1064 = arith.constant 80 : i32
        %mul3A_1065 = arith.muli %scan3A_855, %mul3A_1064 : i32
        %add3A_1066 = arith.constant 32 : i32
        %add3A_1067 = arith.addi %mul3A_1065, %add3A_1066 : i32
        %mul3A_1068 = arith.mulf %get3A_721, %get3A_937 : vector<16xf32>
        %mul3A_1069 = arith.mulf %get3A_947, %get3A_957 : vector<16xf32>
        %mul3A_1070 = arith.mulf %sub3A_723, %mul3A_1069 : vector<16xf32>
        %add3A_1071 = arith.addf %mul3A_1068, %mul3A_1070 : vector<16xf32>
        %swap3A_1072 = arith.constant 0 : i32
        %swap3A_1073 = arith.constant 0 : i32
        %swap3A_1074 = arith.constant 0 : i32
        %swap3A_1075 = arith.constant 0 : i32
        %swap3A_1076 = tpu.memref_slice %arg13[%swap3A_1072, %swap3A_1074, %swap3A_1075] : memref<2x1x10000xf32, #tpu.memory_space<vmem>> -> memref<1x1x10000xf32, #tpu.memory_space<vmem>>
        %swap3A_1077 = tpu.memref_squeeze %swap3A_1076 : memref<1x1x10000xf32, #tpu.memory_space<vmem>> -> memref<1x10000xf32, #tpu.memory_space<vmem>>
        %swap3A_1078 = arith.index_cast %swap3A_1073 : i32 to index
        %swap3A_1079 = arith.index_cast %add3A_1067 : i32 to index
        %swap3A_1080 = tpu.vector_load %swap3A_1077[%swap3A_1078, %swap3A_1079] {strides = array<i32>} : memref<1x10000xf32, #tpu.memory_space<vmem>>, vector<1x16xf32>,
        %swap3A_1081 = vector.shape_cast %swap3A_1080 : vector<1x16xf32> to vector<16xf32>
        %swap3A_1082 = vector.shape_cast %add3A_1071 : vector<16xf32> to vector<1x16xf32>
        tpu.vector_store %swap3A_1077[%swap3A_1078, %swap3A_1079], %swap3A_1082 {strides = array<i32>} : memref<1x10000xf32, #tpu.memory_space<vmem>>, vector<1x16xf32>,
        %mul3A_1083 = arith.constant 80 : i32
        %mul3A_1084 = arith.muli %scan3A_855, %mul3A_1083 : i32
        %add3A_1085 = arith.constant 48 : i32
        %add3A_1086 = arith.addi %mul3A_1084, %add3A_1085 : i32
        %mul3A_1087 = arith.mulf %get3A_721, %get3A_971 : vector<16xf32>
        %mul3A_1088 = arith.mulf %get3A_981, %get3A_991 : vector<16xf32>
        %mul3A_1089 = arith.mulf %sub3A_723, %mul3A_1088 : vector<16xf32>
        %add3A_1090 = arith.addf %mul3A_1087, %mul3A_1089 : vector<16xf32>
        %swap3A_1091 = arith.constant 0 : i32
        %swap3A_1092 = arith.constant 0 : i32
        %swap3A_1093 = arith.constant 0 : i32
        %swap3A_1094 = arith.constant 0 : i32
        %swap3A_1095 = tpu.memref_slice %arg13[%swap3A_1091, %swap3A_1093, %swap3A_1094] : memref<2x1x10000xf32, #tpu.memory_space<vmem>> -> memref<1x1x10000xf32, #tpu.memory_space<vmem>>
        %swap3A_1096 = tpu.memref_squeeze %swap3A_1095 : memref<1x1x10000xf32, #tpu.memory_space<vmem>> -> memref<1x10000xf32, #tpu.memory_space<vmem>>
        %swap3A_1097 = arith.index_cast %swap3A_1092 : i32 to index
        %swap3A_1098 = arith.index_cast %add3A_1086 : i32 to index
        %swap3A_1099 = tpu.vector_load %swap3A_1096[%swap3A_1097, %swap3A_1098] {strides = array<i32>} : memref<1x10000xf32, #tpu.memory_space<vmem>>, vector<1x16xf32>,
        %swap3A_1100 = vector.shape_cast %swap3A_1099 : vector<1x16xf32> to vector<16xf32>
        %swap3A_1101 = vector.shape_cast %add3A_1090 : vector<16xf32> to vector<1x16xf32>
        tpu.vector_store %swap3A_1096[%swap3A_1097, %swap3A_1098], %swap3A_1101 {strides = array<i32>} : memref<1x10000xf32, #tpu.memory_space<vmem>>, vector<1x16xf32>,
        %mul3A_1102 = arith.constant 80 : i32
        %mul3A_1103 = arith.muli %scan3A_855, %mul3A_1102 : i32
        %add3A_1104 = arith.constant 64 : i32
        %add3A_1105 = arith.addi %mul3A_1103, %add3A_1104 : i32
        %mul3A_1106 = arith.mulf %get3A_721, %get3A_1005 : vector<16xf32>
        %mul3A_1107 = arith.mulf %get3A_1015, %get3A_1025 : vector<16xf32>
        %mul3A_1108 = arith.mulf %sub3A_723, %mul3A_1107 : vector<16xf32>
        %add3A_1109 = arith.addf %mul3A_1106, %mul3A_1108 : vector<16xf32>
        %swap3A_1110 = arith.constant 0 : i32
        %swap3A_1111 = arith.constant 0 : i32
        %swap3A_1112 = arith.constant 0 : i32
        %swap3A_1113 = arith.constant 0 : i32
        %swap3A_1114 = tpu.memref_slice %arg13[%swap3A_1110, %swap3A_1112, %swap3A_1113] : memref<2x1x10000xf32, #tpu.memory_space<vmem>> -> memref<1x1x10000xf32, #tpu.memory_space<vmem>>
        %swap3A_1115 = tpu.memref_squeeze %swap3A_1114 : memref<1x1x10000xf32, #tpu.memory_space<vmem>> -> memref<1x10000xf32, #tpu.memory_space<vmem>>
        %swap3A_1116 = arith.index_cast %swap3A_1111 : i32 to index
        %swap3A_1117 = arith.index_cast %add3A_1105 : i32 to index
        %swap3A_1118 = tpu.vector_load %swap3A_1115[%swap3A_1116, %swap3A_1117] {strides = array<i32>} : memref<1x10000xf32, #tpu.memory_space<vmem>>, vector<1x16xf32>,
        %swap3A_1119 = vector.shape_cast %swap3A_1118 : vector<1x16xf32> to vector<16xf32>
        %swap3A_1120 = vector.shape_cast %add3A_1109 : vector<16xf32> to vector<1x16xf32>
        tpu.vector_store %swap3A_1115[%swap3A_1116, %swap3A_1117], %swap3A_1120 {strides = array<i32>} : memref<1x10000xf32, #tpu.memory_space<vmem>>, vector<1x16xf32>,
      }
      %scan3A_729 = arith.constant 125 : i32
      %add3A_730 = arith.addi %mul3A_2, %add3A_659 : i32
      %dma_start3A_731 = arith.constant 0 : i32
      %dma_start3A_732 = arith.constant 0 : i32
      %dma_start3A_733 = arith.constant 0 : i32
      %dma_start3A_734 = arith.constant 0 : i32
      %dma_start3A_735 = tpu.memref_slice %arg13[%dma_start3A_731, %dma_start3A_733, %dma_start3A_734] : memref<2x1x10000xf32, #tpu.memory_space<vmem>> -> memref<1x1x10000xf32, #tpu.memory_space<vmem>>
      %dma_start3A_736 = tpu.memref_squeeze %dma_start3A_735 : memref<1x1x10000xf32, #tpu.memory_space<vmem>> -> memref<1x10000xf32, #tpu.memory_space<vmem>>
      %dma_start3A_737 = arith.constant 0 : i32
      %dma_start3A_738 = tpu.memref_slice %arg7[%add3A_730, %dma_start3A_737] : memref<4096x10000xf32, #tpu.memory_space<hbm>> -> memref<1x10000xf32, #tpu.memory_space<hbm>>
      %dma_start3A_739 = tpu.memref_slice %arg17[%dma_start3A_732] : memref<2x!tpu.dma_semaphore, #tpu.memory_space<semaphore_mem>> -> memref<1x!tpu.dma_semaphore, #tpu.memory_space<semaphore_mem>>
      %dma_start3A_740 = tpu.memref_squeeze %dma_start3A_739 : memref<1x!tpu.dma_semaphore, #tpu.memory_space<semaphore_mem>> -> memref<!tpu.dma_semaphore, #tpu.memory_space<semaphore_mem>>
      %dma_start3A_741 = arith.constant 0 : i32
      %dma_start3A_742 = tpu.memref_slice %arg7[%add3A_730, %dma_start3A_741] : memref<4096x10000xf32, #tpu.memory_space<hbm>> -> memref<1x10000xf32, #tpu.memory_space<hbm>>
      %dma_start3A_743 = arith.constant 0 : i32
      %dma_start3A_744 = arith.constant 0 : i32
      %dma_start3A_745 = tpu.memref_slice %arg13[%dma_start3A_731, %dma_start3A_743, %dma_start3A_744] : memref<2x1x10000xf32, #tpu.memory_space<vmem>> -> memref<1x1x10000xf32, #tpu.memory_space<vmem>>
      %dma_start3A_746 = tpu.memref_squeeze %dma_start3A_745 : memref<1x1x10000xf32, #tpu.memory_space<vmem>> -> memref<1x10000xf32, #tpu.memory_space<vmem>>
      tpu.enqueue_dma source(%dma_start3A_746 : memref<1x10000xf32, #tpu.memory_space<vmem>>) target(%dma_start3A_742 : memref<1x10000xf32, #tpu.memory_space<hbm>>) target_semaphore(%dma_start3A_740 : memref<!tpu.dma_semaphore, #tpu.memory_space<semaphore_mem>>)
      %add3A_747 = arith.constant 2 : i32
      %add3A_748 = arith.addi %add3A_659, %add3A_747 : i32
      %lt3A = arith.constant 128 : i32
      %lt3A_749 = arith.cmpi slt, %add3A_748, %lt3A : i32
      %convert_element_type3A_750 = arith.extui %lt3A_749 : i1 to i32
      %cond3A_751 = arith.constant 0 : i32
      %cond3A_752 = arith.cmpi ne, %convert_element_type3A_750, %cond3A_751 : i32
      scf.if %cond3A_752 {
        %add3A_855 = arith.constant 2 : i32
        %add3A_856 = arith.addi %add3A_659, %add3A_855 : i32
        %mul3A_857 = arith.constant 8 : i32
        %mul3A_858 = arith.muli %add3A_856, %mul3A_857 : i32
        %multiple_of3A_859 = tpu.assume_multiple %mul3A_858, 8 : i32
        %dma_start3A_860 = arith.constant 0 : i32
        %dma_start3A_861 = arith.constant 0 : i32
        %dma_start3A_862 = arith.constant 0 : i32
        %dma_start3A_863 = arith.constant 0 : i32
        %dma_start3A_864 = tpu.memref_slice %arg10[%dma_start3A_860, %dma_start3A_862, %dma_start3A_863] : memref<2x1x10112xf32, #tpu.memory_space<vmem>> -> memref<1x1x10112xf32, #tpu.memory_space<vmem>>
        %dma_start3A_865 = tpu.memref_squeeze %dma_start3A_864 : memref<1x1x10112xf32, #tpu.memory_space<vmem>> -> memref<1x10112xf32, #tpu.memory_space<vmem>>
        %dma_start3A_866 = tpu.memref_slice %arg8[%multiple_of3A_859] : memref<1024xi32, #tpu.memory_space<vmem>> -> memref<1xi32, #tpu.memory_space<vmem>>
        %dma_start3A_867 = arith.constant 0 : i32
        %dma_start3A_868 = arith.constant 0 : i32
        %dma_start3A_869 = tpu.memref_slice %arg6[%dma_start3A_867, %dma_start3A_868] : memref<256x10112xf32, #tpu.memory_space<hbm>> -> memref<256x10112xf32, #tpu.memory_space<hbm>>
        %dma_start3A_870 = tpu.memref_slice %arg14[%dma_start3A_861] : memref<2x!tpu.dma_semaphore, #tpu.memory_space<semaphore_mem>> -> memref<1x!tpu.dma_semaphore, #tpu.memory_space<semaphore_mem>>
        %dma_start3A_871 = tpu.memref_squeeze %dma_start3A_870 : memref<1x!tpu.dma_semaphore, #tpu.memory_space<semaphore_mem>> -> memref<!tpu.dma_semaphore, #tpu.memory_space<semaphore_mem>>
        tpu.enqueue_indirect_dma source(%dma_start3A_869 : memref<256x10112xf32, #tpu.memory_space<hbm>>) target(%dma_start3A_865 : memref<1x10112xf32, #tpu.memory_space<vmem>>) offsets(%dma_start3A_866 : memref<1xi32, #tpu.memory_space<vmem>>) semaphore(%dma_start3A_871 : memref<!tpu.dma_semaphore, #tpu.memory_space<semaphore_mem>>)
        %add3A_872 = arith.addi %mul3A_2, %add3A_856 : i32
        %dma_start3A_873 = arith.constant 0 : i32
        %dma_start3A_874 = arith.constant 0 : i32
        %dma_start3A_875 = arith.constant 0 : i32
        %dma_start3A_876 = arith.constant 0 : i32
        %dma_start3A_877 = tpu.memref_slice %arg11[%dma_start3A_873, %dma_start3A_875, %dma_start3A_876] : memref<2x1x10000xf32, #tpu.memory_space<vmem>> -> memref<1x1x10000xf32, #tpu.memory_space<vmem>>
        %dma_start3A_878 = tpu.memref_squeeze %dma_start3A_877 : memref<1x1x10000xf32, #tpu.memory_space<vmem>> -> memref<1x10000xf32, #tpu.memory_space<vmem>>
        %dma_start3A_879 = arith.constant 0 : i32
        %dma_start3A_880 = tpu.memref_slice %arg2[%add3A_872, %dma_start3A_879] : memref<4096x10000xf32, #tpu.memory_space<hbm>> -> memref<1x10000xf32, #tpu.memory_space<hbm>>
        %dma_start3A_881 = tpu.memref_slice %arg15[%dma_start3A_874] : memref<2x!tpu.dma_semaphore, #tpu.memory_space<semaphore_mem>> -> memref<1x!tpu.dma_semaphore, #tpu.memory_space<semaphore_mem>>
        %dma_start3A_882 = tpu.memref_squeeze %dma_start3A_881 : memref<1x!tpu.dma_semaphore, #tpu.memory_space<semaphore_mem>> -> memref<!tpu.dma_semaphore, #tpu.memory_space<semaphore_mem>>
        %dma_start3A_883 = arith.constant 0 : i32
        %dma_start3A_884 = arith.constant 0 : i32
        %dma_start3A_885 = tpu.memref_slice %arg11[%dma_start3A_873, %dma_start3A_883, %dma_start3A_884] : memref<2x1x10000xf32, #tpu.memory_space<vmem>> -> memref<1x1x10000xf32, #tpu.memory_space<vmem>>
        %dma_start3A_886 = tpu.memref_squeeze %dma_start3A_885 : memref<1x1x10000xf32, #tpu.memory_space<vmem>> -> memref<1x10000xf32, #tpu.memory_space<vmem>>
        %dma_start3A_887 = arith.constant 0 : i32
        %dma_start3A_888 = tpu.memref_slice %arg2[%add3A_872, %dma_start3A_887] : memref<4096x10000xf32, #tpu.memory_space<hbm>> -> memref<1x10000xf32, #tpu.memory_space<hbm>>
        tpu.enqueue_dma source(%dma_start3A_888 : memref<1x10000xf32, #tpu.memory_space<hbm>>) target(%dma_start3A_886 : memref<1x10000xf32, #tpu.memory_space<vmem>>) target_semaphore(%dma_start3A_882 : memref<!tpu.dma_semaphore, #tpu.memory_space<semaphore_mem>>)
        %add3A_889 = arith.addi %mul3A_2, %add3A_856 : i32
        %dma_start3A_890 = arith.constant 0 : i32
        %dma_start3A_891 = arith.constant 0 : i32
        %dma_start3A_892 = arith.constant 0 : i32
        %dma_start3A_893 = arith.constant 0 : i32
        %dma_start3A_894 = tpu.memref_slice %arg12[%dma_start3A_890, %dma_start3A_892, %dma_start3A_893] : memref<2x1x10000xf32, #tpu.memory_space<vmem>> -> memref<1x1x10000xf32, #tpu.memory_space<vmem>>
        %dma_start3A_895 = tpu.memref_squeeze %dma_start3A_894 : memref<1x1x10000xf32, #tpu.memory_space<vmem>> -> memref<1x10000xf32, #tpu.memory_space<vmem>>
        %dma_start3A_896 = arith.constant 0 : i32
        %dma_start3A_897 = tpu.memref_slice %arg3[%add3A_889, %dma_start3A_896] : memref<4096x10000xf32, #tpu.memory_space<hbm>> -> memref<1x10000xf32, #tpu.memory_space<hbm>>
        %dma_start3A_898 = tpu.memref_slice %arg16[%dma_start3A_891] : memref<2x!tpu.dma_semaphore, #tpu.memory_space<semaphore_mem>> -> memref<1x!tpu.dma_semaphore, #tpu.memory_space<semaphore_mem>>
        %dma_start3A_899 = tpu.memref_squeeze %dma_start3A_898 : memref<1x!tpu.dma_semaphore, #tpu.memory_space<semaphore_mem>> -> memref<!tpu.dma_semaphore, #tpu.memory_space<semaphore_mem>>
        %dma_start3A_900 = arith.constant 0 : i32
        %dma_start3A_901 = arith.constant 0 : i32
        %dma_start3A_902 = tpu.memref_slice %arg12[%dma_start3A_890, %dma_start3A_900, %dma_start3A_901] : memref<2x1x10000xf32, #tpu.memory_space<vmem>> -> memref<1x1x10000xf32, #tpu.memory_space<vmem>>
        %dma_start3A_903 = tpu.memref_squeeze %dma_start3A_902 : memref<1x1x10000xf32, #tpu.memory_space<vmem>> -> memref<1x10000xf32, #tpu.memory_space<vmem>>
        %dma_start3A_904 = arith.constant 0 : i32
        %dma_start3A_905 = tpu.memref_slice %arg3[%add3A_889, %dma_start3A_904] : memref<4096x10000xf32, #tpu.memory_space<hbm>> -> memref<1x10000xf32, #tpu.memory_space<hbm>>
        tpu.enqueue_dma source(%dma_start3A_905 : memref<1x10000xf32, #tpu.memory_space<hbm>>) target(%dma_start3A_903 : memref<1x10000xf32, #tpu.memory_space<vmem>>) target_semaphore(%dma_start3A_899 : memref<!tpu.dma_semaphore, #tpu.memory_space<semaphore_mem>>)
      } else {
      }
      %mul3A_753 = arith.constant 2 : i32
      %mul3A_754 = arith.muli %scan3A_655, %mul3A_753 : i32
      %add3A_755 = arith.constant 1 : i32
      %add3A_756 = arith.addi %mul3A_754, %add3A_755 : i32
      %dma_wait3A_757 = arith.constant 1 : i32
      %dma_wait3A_758 = arith.constant 1 : i32
      %dma_wait3A_759 = arith.constant 0 : i32
      %dma_wait3A_760 = arith.constant 0 : i32
      %dma_wait3A_761 = tpu.memref_slice %arg10[%dma_wait3A_757, %dma_wait3A_759, %dma_wait3A_760] : memref<2x1x10112xf32, #tpu.memory_space<vmem>> -> memref<1x1x10112xf32, #tpu.memory_space<vmem>>
      %dma_wait3A_762 = tpu.memref_squeeze %dma_wait3A_761 : memref<1x1x10112xf32, #tpu.memory_space<vmem>> -> memref<1x10112xf32, #tpu.memory_space<vmem>>
      %dma_wait3A_763 = arith.constant 0 : i32
      %dma_wait3A_764 = arith.constant 0 : i32
      %dma_wait3A_765 = tpu.memref_slice %arg6[%dma_wait3A_763, %dma_wait3A_764] : memref<256x10112xf32, #tpu.memory_space<hbm>> -> memref<1x10112xf32, #tpu.memory_space<hbm>>
      %dma_wait3A_766 = tpu.memref_slice %arg14[%dma_wait3A_758] : memref<2x!tpu.dma_semaphore, #tpu.memory_space<semaphore_mem>> -> memref<1x!tpu.dma_semaphore, #tpu.memory_space<semaphore_mem>>
      %dma_wait3A_767 = tpu.memref_squeeze %dma_wait3A_766 : memref<1x!tpu.dma_semaphore, #tpu.memory_space<semaphore_mem>> -> memref<!tpu.dma_semaphore, #tpu.memory_space<semaphore_mem>>
      %dma_wait3A_768 = arith.constant 0 : i32
      %dma_wait3A_769 = arith.constant 0 : i32
      %dma_wait3A_770 = tpu.memref_slice %arg10[%dma_wait3A_757, %dma_wait3A_768, %dma_wait3A_769] : memref<2x1x10112xf32, #tpu.memory_space<vmem>> -> memref<1x1x10112xf32, #tpu.memory_space<vmem>>
      %dma_wait3A_771 = tpu.memref_squeeze %dma_wait3A_770 : memref<1x1x10112xf32, #tpu.memory_space<vmem>> -> memref<1x10112xf32, #tpu.memory_space<vmem>>
      %dma_wait3A_772 = arith.constant 0 : i32
      %dma_wait3A_773 = arith.constant 0 : i32
      %dma_wait3A_774 = tpu.memref_slice %arg6[%dma_wait3A_772, %dma_wait3A_773] : memref<256x10112xf32, #tpu.memory_space<hbm>> -> memref<1x10112xf32, #tpu.memory_space<hbm>>
      tpu.wait_dma2 semaphore(%dma_wait3A_767 : memref<!tpu.dma_semaphore, #tpu.memory_space<semaphore_mem>>) src(%dma_wait3A_774 : memref<1x10112xf32, #tpu.memory_space<hbm>>) dst(%dma_wait3A_771 : memref<1x10112xf32, #tpu.memory_space<vmem>>)
      %dma_wait3A_775 = arith.constant 1 : i32
      %dma_wait3A_776 = arith.constant 1 : i32
      %dma_wait3A_777 = arith.constant 0 : i32
      %dma_wait3A_778 = arith.constant 0 : i32
      %dma_wait3A_779 = tpu.memref_slice %arg11[%dma_wait3A_775, %dma_wait3A_777, %dma_wait3A_778] : memref<2x1x10000xf32, #tpu.memory_space<vmem>> -> memref<1x1x10000xf32, #tpu.memory_space<vmem>>
      %dma_wait3A_780 = tpu.memref_squeeze %dma_wait3A_779 : memref<1x1x10000xf32, #tpu.memory_space<vmem>> -> memref<1x10000xf32, #tpu.memory_space<vmem>>
      %dma_wait3A_781 = arith.constant 0 : i32
      %dma_wait3A_782 = arith.constant 0 : i32
      %dma_wait3A_783 = tpu.memref_slice %arg2[%dma_wait3A_781, %dma_wait3A_782] : memref<4096x10000xf32, #tpu.memory_space<hbm>> -> memref<1x10000xf32, #tpu.memory_space<hbm>>
      %dma_wait3A_784 = tpu.memref_slice %arg15[%dma_wait3A_776] : memref<2x!tpu.dma_semaphore, #tpu.memory_space<semaphore_mem>> -> memref<1x!tpu.dma_semaphore, #tpu.memory_space<semaphore_mem>>
      %dma_wait3A_785 = tpu.memref_squeeze %dma_wait3A_784 : memref<1x!tpu.dma_semaphore, #tpu.memory_space<semaphore_mem>> -> memref<!tpu.dma_semaphore, #tpu.memory_space<semaphore_mem>>
      %dma_wait3A_786 = arith.constant 0 : i32
      %dma_wait3A_787 = arith.constant 0 : i32
      %dma_wait3A_788 = tpu.memref_slice %arg11[%dma_wait3A_775, %dma_wait3A_786, %dma_wait3A_787] : memref<2x1x10000xf32, #tpu.memory_space<vmem>> -> memref<1x1x10000xf32, #tpu.memory_space<vmem>>
      %dma_wait3A_789 = tpu.memref_squeeze %dma_wait3A_788 : memref<1x1x10000xf32, #tpu.memory_space<vmem>> -> memref<1x10000xf32, #tpu.memory_space<vmem>>
      %dma_wait3A_790 = arith.constant 0 : i32
      %dma_wait3A_791 = arith.constant 0 : i32
      %dma_wait3A_792 = tpu.memref_slice %arg2[%dma_wait3A_790, %dma_wait3A_791] : memref<4096x10000xf32, #tpu.memory_space<hbm>> -> memref<1x10000xf32, #tpu.memory_space<hbm>>
      tpu.wait_dma2 semaphore(%dma_wait3A_785 : memref<!tpu.dma_semaphore, #tpu.memory_space<semaphore_mem>>) src(%dma_wait3A_792 : memref<1x10000xf32, #tpu.memory_space<hbm>>) dst(%dma_wait3A_789 : memref<1x10000xf32, #tpu.memory_space<vmem>>)
      %dma_wait3A_793 = arith.constant 1 : i32
      %dma_wait3A_794 = arith.constant 1 : i32
      %dma_wait3A_795 = arith.constant 0 : i32
      %dma_wait3A_796 = arith.constant 0 : i32
      %dma_wait3A_797 = tpu.memref_slice %arg12[%dma_wait3A_793, %dma_wait3A_795, %dma_wait3A_796] : memref<2x1x10000xf32, #tpu.memory_space<vmem>> -> memref<1x1x10000xf32, #tpu.memory_space<vmem>>
      %dma_wait3A_798 = tpu.memref_squeeze %dma_wait3A_797 : memref<1x1x10000xf32, #tpu.memory_space<vmem>> -> memref<1x10000xf32, #tpu.memory_space<vmem>>
      %dma_wait3A_799 = arith.constant 0 : i32
      %dma_wait3A_800 = arith.constant 0 : i32
      %dma_wait3A_801 = tpu.memref_slice %arg3[%dma_wait3A_799, %dma_wait3A_800] : memref<4096x10000xf32, #tpu.memory_space<hbm>> -> memref<1x10000xf32, #tpu.memory_space<hbm>>
      %dma_wait3A_802 = tpu.memref_slice %arg16[%dma_wait3A_794] : memref<2x!tpu.dma_semaphore, #tpu.memory_space<semaphore_mem>> -> memref<1x!tpu.dma_semaphore, #tpu.memory_space<semaphore_mem>>
      %dma_wait3A_803 = tpu.memref_squeeze %dma_wait3A_802 : memref<1x!tpu.dma_semaphore, #tpu.memory_space<semaphore_mem>> -> memref<!tpu.dma_semaphore, #tpu.memory_space<semaphore_mem>>
      %dma_wait3A_804 = arith.constant 0 : i32
      %dma_wait3A_805 = arith.constant 0 : i32
      %dma_wait3A_806 = tpu.memref_slice %arg12[%dma_wait3A_793, %dma_wait3A_804, %dma_wait3A_805] : memref<2x1x10000xf32, #tpu.memory_space<vmem>> -> memref<1x1x10000xf32, #tpu.memory_space<vmem>>
      %dma_wait3A_807 = tpu.memref_squeeze %dma_wait3A_806 : memref<1x1x10000xf32, #tpu.memory_space<vmem>> -> memref<1x10000xf32, #tpu.memory_space<vmem>>
      %dma_wait3A_808 = arith.constant 0 : i32
      %dma_wait3A_809 = arith.constant 0 : i32
      %dma_wait3A_810 = tpu.memref_slice %arg3[%dma_wait3A_808, %dma_wait3A_809] : memref<4096x10000xf32, #tpu.memory_space<hbm>> -> memref<1x10000xf32, #tpu.memory_space<hbm>>
      tpu.wait_dma2 semaphore(%dma_wait3A_803 : memref<!tpu.dma_semaphore, #tpu.memory_space<semaphore_mem>>) src(%dma_wait3A_810 : memref<1x10000xf32, #tpu.memory_space<hbm>>) dst(%dma_wait3A_807 : memref<1x10000xf32, #tpu.memory_space<vmem>>)
      %gt3A_811 = arith.constant 0 : i32
      %gt3A_812 = arith.cmpi sgt, %scan3A_655, %gt3A_811 : i32
      %convert_element_type3A_813 = arith.extui %gt3A_812 : i1 to i32
      %cond3A_814 = arith.constant 0 : i32
      %cond3A_815 = arith.cmpi ne, %convert_element_type3A_813, %cond3A_814 : i32
      scf.if %cond3A_815 {
        %dma_wait3A_855 = arith.constant 1 : i32
        %dma_wait3A_856 = arith.constant 1 : i32
        %dma_wait3A_857 = arith.constant 0 : i32
        %dma_wait3A_858 = arith.constant 0 : i32
        %dma_wait3A_859 = tpu.memref_slice %arg13[%dma_wait3A_855, %dma_wait3A_857, %dma_wait3A_858] : memref<2x1x10000xf32, #tpu.memory_space<vmem>> -> memref<1x1x10000xf32, #tpu.memory_space<vmem>>
        %dma_wait3A_860 = tpu.memref_squeeze %dma_wait3A_859 : memref<1x1x10000xf32, #tpu.memory_space<vmem>> -> memref<1x10000xf32, #tpu.memory_space<vmem>>
        %dma_wait3A_861 = arith.constant 0 : i32
        %dma_wait3A_862 = arith.constant 0 : i32
        %dma_wait3A_863 = tpu.memref_slice %arg7[%dma_wait3A_861, %dma_wait3A_862] : memref<4096x10000xf32, #tpu.memory_space<hbm>> -> memref<1x10000xf32, #tpu.memory_space<hbm>>
        %dma_wait3A_864 = tpu.memref_slice %arg17[%dma_wait3A_856] : memref<2x!tpu.dma_semaphore, #tpu.memory_space<semaphore_mem>> -> memref<1x!tpu.dma_semaphore, #tpu.memory_space<semaphore_mem>>
        %dma_wait3A_865 = tpu.memref_squeeze %dma_wait3A_864 : memref<1x!tpu.dma_semaphore, #tpu.memory_space<semaphore_mem>> -> memref<!tpu.dma_semaphore, #tpu.memory_space<semaphore_mem>>
        %dma_wait3A_866 = arith.constant 0 : i32
        %dma_wait3A_867 = arith.constant 0 : i32
        %dma_wait3A_868 = tpu.memref_slice %arg7[%dma_wait3A_866, %dma_wait3A_867] : memref<4096x10000xf32, #tpu.memory_space<hbm>> -> memref<1x10000xf32, #tpu.memory_space<hbm>>
        %dma_wait3A_869 = arith.constant 0 : i32
        %dma_wait3A_870 = arith.constant 0 : i32
        %dma_wait3A_871 = tpu.memref_slice %arg13[%dma_wait3A_855, %dma_wait3A_869, %dma_wait3A_870] : memref<2x1x10000xf32, #tpu.memory_space<vmem>> -> memref<1x1x10000xf32, #tpu.memory_space<vmem>>
        %dma_wait3A_872 = tpu.memref_squeeze %dma_wait3A_871 : memref<1x1x10000xf32, #tpu.memory_space<vmem>> -> memref<1x10000xf32, #tpu.memory_space<vmem>>
        tpu.wait_dma2 semaphore(%dma_wait3A_865 : memref<!tpu.dma_semaphore, #tpu.memory_space<semaphore_mem>>) src(%dma_wait3A_872 : memref<1x10000xf32, #tpu.memory_space<vmem>>) dst(%dma_wait3A_868 : memref<1x10000xf32, #tpu.memory_space<hbm>>)
      } else {
      }
      %mul3A_816 = arith.constant 16 : i32
      %mul3A_817 = arith.muli %add3A_756, %mul3A_816 : i32
      %multiple_of3A_818 = tpu.assume_multiple %mul3A_817, 16 : i32
      %get3A_819 = arith.index_cast %multiple_of3A_818 : i32 to index
      %get3A_820 = tpu.vector_load %arg9[%get3A_819] {strides = array<i32>} : memref<2048xf32, #tpu.memory_space<vmem>>, vector<16xf32>,
      %get3A_821 = vector.shape_cast %get3A_820 : vector<16xf32> to vector<16xf32>
      %sub3A_822 = arith.constant 1.000000e+00 : f32
      %sub3A_823 = vector.broadcast %sub3A_822 : f32 to vector<16xf32>
      %sub3A_824 = arith.subf %sub3A_823, %get3A_821 : vector<16xf32>
      %scan3A_825 = arith.constant 0 : i32
      %scan3A_826 = arith.constant 0 : i32
      %scan3A_827 = arith.constant 125 : i32
      %scan3A_828 = arith.addi %scan3A_826, %scan3A_827 : i32
      %scan3A_829 = arith.constant 1 : i32
      scf.for %scan3A_855 = %scan3A_826 to %scan3A_828 step %scan3A_829  : i32 {
        %mul3A_856 = arith.constant 80 : i32
        %mul3A_857 = arith.muli %scan3A_855, %mul3A_856 : i32
        %add3A_858 = arith.constant 0 : i32
        %add3A_859 = arith.addi %mul3A_857, %add3A_858 : i32
        %get3A_860 = arith.constant 1 : i32
        %get3A_861 = arith.constant 0 : i32
        %get3A_862 = arith.constant 0 : i32
        %get3A_863 = arith.constant 0 : i32
        %get3A_864 = tpu.memref_slice %arg11[%get3A_860, %get3A_862, %get3A_863] : memref<2x1x10000xf32, #tpu.memory_space<vmem>> -> memref<1x1x10000xf32, #tpu.memory_space<vmem>>
        %get3A_865 = tpu.memref_squeeze %get3A_864 : memref<1x1x10000xf32, #tpu.memory_space<vmem>> -> memref<1x10000xf32, #tpu.memory_space<vmem>>
        %get3A_866 = arith.index_cast %get3A_861 : i32 to index
        %get3A_867 = arith.index_cast %add3A_859 : i32 to index
        %get3A_868 = tpu.vector_load %get3A_865[%get3A_866, %get3A_867] {strides = array<i32>} : memref<1x10000xf32, #tpu.memory_space<vmem>>, vector<1x16xf32>,
        %get3A_869 = vector.shape_cast %get3A_868 : vector<1x16xf32> to vector<16xf32>
        %get3A_870 = arith.constant 1 : i32
        %get3A_871 = arith.constant 0 : i32
        %get3A_872 = arith.constant 0 : i32
        %get3A_873 = arith.constant 0 : i32
        %get3A_874 = tpu.memref_slice %arg12[%get3A_870, %get3A_872, %get3A_873] : memref<2x1x10000xf32, #tpu.memory_space<vmem>> -> memref<1x1x10000xf32, #tpu.memory_space<vmem>>
        %get3A_875 = tpu.memref_squeeze %get3A_874 : memref<1x1x10000xf32, #tpu.memory_space<vmem>> -> memref<1x10000xf32, #tpu.memory_space<vmem>>
        %get3A_876 = arith.index_cast %get3A_871 : i32 to index
        %get3A_877 = arith.index_cast %add3A_859 : i32 to index
        %get3A_878 = tpu.vector_load %get3A_875[%get3A_876, %get3A_877] {strides = array<i32>} : memref<1x10000xf32, #tpu.memory_space<vmem>>, vector<1x16xf32>,
        %get3A_879 = vector.shape_cast %get3A_878 : vector<1x16xf32> to vector<16xf32>
        %get3A_880 = arith.constant 1 : i32
        %get3A_881 = arith.constant 0 : i32
        %get3A_882 = arith.constant 0 : i32
        %get3A_883 = arith.constant 0 : i32
        %get3A_884 = tpu.memref_slice %arg10[%get3A_880, %get3A_882, %get3A_883] : memref<2x1x10112xf32, #tpu.memory_space<vmem>> -> memref<1x1x10112xf32, #tpu.memory_space<vmem>>
        %get3A_885 = tpu.memref_squeeze %get3A_884 : memref<1x1x10112xf32, #tpu.memory_space<vmem>> -> memref<1x10112xf32, #tpu.memory_space<vmem>>
        %get3A_886 = arith.index_cast %get3A_881 : i32 to index
        %get3A_887 = arith.index_cast %add3A_859 : i32 to index
        %get3A_888 = tpu.vector_load %get3A_885[%get3A_886, %get3A_887] {strides = array<i32>} : memref<1x10112xf32, #tpu.memory_space<vmem>>, vector<1x16xf32>,
        %get3A_889 = vector.shape_cast %get3A_888 : vector<1x16xf32> to vector<16xf32>
        %mul3A_890 = arith.constant 80 : i32
        %mul3A_891 = arith.muli %scan3A_855, %mul3A_890 : i32
        %add3A_892 = arith.constant 16 : i32
        %add3A_893 = arith.addi %mul3A_891, %add3A_892 : i32
        %get3A_894 = arith.constant 1 : i32
        %get3A_895 = arith.constant 0 : i32
        %get3A_896 = arith.constant 0 : i32
        %get3A_897 = arith.constant 0 : i32
        %get3A_898 = tpu.memref_slice %arg11[%get3A_894, %get3A_896, %get3A_897] : memref<2x1x10000xf32, #tpu.memory_space<vmem>> -> memref<1x1x10000xf32, #tpu.memory_space<vmem>>
        %get3A_899 = tpu.memref_squeeze %get3A_898 : memref<1x1x10000xf32, #tpu.memory_space<vmem>> -> memref<1x10000xf32, #tpu.memory_space<vmem>>
        %get3A_900 = arith.index_cast %get3A_895 : i32 to index
        %get3A_901 = arith.index_cast %add3A_893 : i32 to index
        %get3A_902 = tpu.vector_load %get3A_899[%get3A_900, %get3A_901] {strides = array<i32>} : memref<1x10000xf32, #tpu.memory_space<vmem>>, vector<1x16xf32>,
        %get3A_903 = vector.shape_cast %get3A_902 : vector<1x16xf32> to vector<16xf32>
        %get3A_904 = arith.constant 1 : i32
        %get3A_905 = arith.constant 0 : i32
        %get3A_906 = arith.constant 0 : i32
        %get3A_907 = arith.constant 0 : i32
        %get3A_908 = tpu.memref_slice %arg12[%get3A_904, %get3A_906, %get3A_907] : memref<2x1x10000xf32, #tpu.memory_space<vmem>> -> memref<1x1x10000xf32, #tpu.memory_space<vmem>>
        %get3A_909 = tpu.memref_squeeze %get3A_908 : memref<1x1x10000xf32, #tpu.memory_space<vmem>> -> memref<1x10000xf32, #tpu.memory_space<vmem>>
        %get3A_910 = arith.index_cast %get3A_905 : i32 to index
        %get3A_911 = arith.index_cast %add3A_893 : i32 to index
        %get3A_912 = tpu.vector_load %get3A_909[%get3A_910, %get3A_911] {strides = array<i32>} : memref<1x10000xf32, #tpu.memory_space<vmem>>, vector<1x16xf32>,
        %get3A_913 = vector.shape_cast %get3A_912 : vector<1x16xf32> to vector<16xf32>
        %get3A_914 = arith.constant 1 : i32
        %get3A_915 = arith.constant 0 : i32
        %get3A_916 = arith.constant 0 : i32
        %get3A_917 = arith.constant 0 : i32
        %get3A_918 = tpu.memref_slice %arg10[%get3A_914, %get3A_916, %get3A_917] : memref<2x1x10112xf32, #tpu.memory_space<vmem>> -> memref<1x1x10112xf32, #tpu.memory_space<vmem>>
        %get3A_919 = tpu.memref_squeeze %get3A_918 : memref<1x1x10112xf32, #tpu.memory_space<vmem>> -> memref<1x10112xf32, #tpu.memory_space<vmem>>
        %get3A_920 = arith.index_cast %get3A_915 : i32 to index
        %get3A_921 = arith.index_cast %add3A_893 : i32 to index
        %get3A_922 = tpu.vector_load %get3A_919[%get3A_920, %get3A_921] {strides = array<i32>} : memref<1x10112xf32, #tpu.memory_space<vmem>>, vector<1x16xf32>,
        %get3A_923 = vector.shape_cast %get3A_922 : vector<1x16xf32> to vector<16xf32>
        %mul3A_924 = arith.constant 80 : i32
        %mul3A_925 = arith.muli %scan3A_855, %mul3A_924 : i32
        %add3A_926 = arith.constant 32 : i32
        %add3A_927 = arith.addi %mul3A_925, %add3A_926 : i32
        %get3A_928 = arith.constant 1 : i32
        %get3A_929 = arith.constant 0 : i32
        %get3A_930 = arith.constant 0 : i32
        %get3A_931 = arith.constant 0 : i32
        %get3A_932 = tpu.memref_slice %arg11[%get3A_928, %get3A_930, %get3A_931] : memref<2x1x10000xf32, #tpu.memory_space<vmem>> -> memref<1x1x10000xf32, #tpu.memory_space<vmem>>
        %get3A_933 = tpu.memref_squeeze %get3A_932 : memref<1x1x10000xf32, #tpu.memory_space<vmem>> -> memref<1x10000xf32, #tpu.memory_space<vmem>>
        %get3A_934 = arith.index_cast %get3A_929 : i32 to index
        %get3A_935 = arith.index_cast %add3A_927 : i32 to index
        %get3A_936 = tpu.vector_load %get3A_933[%get3A_934, %get3A_935] {strides = array<i32>} : memref<1x10000xf32, #tpu.memory_space<vmem>>, vector<1x16xf32>,
        %get3A_937 = vector.shape_cast %get3A_936 : vector<1x16xf32> to vector<16xf32>
        %get3A_938 = arith.constant 1 : i32
        %get3A_939 = arith.constant 0 : i32
        %get3A_940 = arith.constant 0 : i32
        %get3A_941 = arith.constant 0 : i32
        %get3A_942 = tpu.memref_slice %arg12[%get3A_938, %get3A_940, %get3A_941] : memref<2x1x10000xf32, #tpu.memory_space<vmem>> -> memref<1x1x10000xf32, #tpu.memory_space<vmem>>
        %get3A_943 = tpu.memref_squeeze %get3A_942 : memref<1x1x10000xf32, #tpu.memory_space<vmem>> -> memref<1x10000xf32, #tpu.memory_space<vmem>>
        %get3A_944 = arith.index_cast %get3A_939 : i32 to index
        %get3A_945 = arith.index_cast %add3A_927 : i32 to index
        %get3A_946 = tpu.vector_load %get3A_943[%get3A_944, %get3A_945] {strides = array<i32>} : memref<1x10000xf32, #tpu.memory_space<vmem>>, vector<1x16xf32>,
        %get3A_947 = vector.shape_cast %get3A_946 : vector<1x16xf32> to vector<16xf32>
        %get3A_948 = arith.constant 1 : i32
        %get3A_949 = arith.constant 0 : i32
        %get3A_950 = arith.constant 0 : i32
        %get3A_951 = arith.constant 0 : i32
        %get3A_952 = tpu.memref_slice %arg10[%get3A_948, %get3A_950, %get3A_951] : memref<2x1x10112xf32, #tpu.memory_space<vmem>> -> memref<1x1x10112xf32, #tpu.memory_space<vmem>>
        %get3A_953 = tpu.memref_squeeze %get3A_952 : memref<1x1x10112xf32, #tpu.memory_space<vmem>> -> memref<1x10112xf32, #tpu.memory_space<vmem>>
        %get3A_954 = arith.index_cast %get3A_949 : i32 to index
        %get3A_955 = arith.index_cast %add3A_927 : i32 to index
        %get3A_956 = tpu.vector_load %get3A_953[%get3A_954, %get3A_955] {strides = array<i32>} : memref<1x10112xf32, #tpu.memory_space<vmem>>, vector<1x16xf32>,
        %get3A_957 = vector.shape_cast %get3A_956 : vector<1x16xf32> to vector<16xf32>
        %mul3A_958 = arith.constant 80 : i32
        %mul3A_959 = arith.muli %scan3A_855, %mul3A_958 : i32
        %add3A_960 = arith.constant 48 : i32
        %add3A_961 = arith.addi %mul3A_959, %add3A_960 : i32
        %get3A_962 = arith.constant 1 : i32
        %get3A_963 = arith.constant 0 : i32
        %get3A_964 = arith.constant 0 : i32
        %get3A_965 = arith.constant 0 : i32
        %get3A_966 = tpu.memref_slice %arg11[%get3A_962, %get3A_964, %get3A_965] : memref<2x1x10000xf32, #tpu.memory_space<vmem>> -> memref<1x1x10000xf32, #tpu.memory_space<vmem>>
        %get3A_967 = tpu.memref_squeeze %get3A_966 : memref<1x1x10000xf32, #tpu.memory_space<vmem>> -> memref<1x10000xf32, #tpu.memory_space<vmem>>
        %get3A_968 = arith.index_cast %get3A_963 : i32 to index
        %get3A_969 = arith.index_cast %add3A_961 : i32 to index
        %get3A_970 = tpu.vector_load %get3A_967[%get3A_968, %get3A_969] {strides = array<i32>} : memref<1x10000xf32, #tpu.memory_space<vmem>>, vector<1x16xf32>,
        %get3A_971 = vector.shape_cast %get3A_970 : vector<1x16xf32> to vector<16xf32>
        %get3A_972 = arith.constant 1 : i32
        %get3A_973 = arith.constant 0 : i32
        %get3A_974 = arith.constant 0 : i32
        %get3A_975 = arith.constant 0 : i32
        %get3A_976 = tpu.memref_slice %arg12[%get3A_972, %get3A_974, %get3A_975] : memref<2x1x10000xf32, #tpu.memory_space<vmem>> -> memref<1x1x10000xf32, #tpu.memory_space<vmem>>
        %get3A_977 = tpu.memref_squeeze %get3A_976 : memref<1x1x10000xf32, #tpu.memory_space<vmem>> -> memref<1x10000xf32, #tpu.memory_space<vmem>>
        %get3A_978 = arith.index_cast %get3A_973 : i32 to index
        %get3A_979 = arith.index_cast %add3A_961 : i32 to index
        %get3A_980 = tpu.vector_load %get3A_977[%get3A_978, %get3A_979] {strides = array<i32>} : memref<1x10000xf32, #tpu.memory_space<vmem>>, vector<1x16xf32>,
        %get3A_981 = vector.shape_cast %get3A_980 : vector<1x16xf32> to vector<16xf32>
        %get3A_982 = arith.constant 1 : i32
        %get3A_983 = arith.constant 0 : i32
        %get3A_984 = arith.constant 0 : i32
        %get3A_985 = arith.constant 0 : i32
        %get3A_986 = tpu.memref_slice %arg10[%get3A_982, %get3A_984, %get3A_985] : memref<2x1x10112xf32, #tpu.memory_space<vmem>> -> memref<1x1x10112xf32, #tpu.memory_space<vmem>>
        %get3A_987 = tpu.memref_squeeze %get3A_986 : memref<1x1x10112xf32, #tpu.memory_space<vmem>> -> memref<1x10112xf32, #tpu.memory_space<vmem>>
        %get3A_988 = arith.index_cast %get3A_983 : i32 to index
        %get3A_989 = arith.index_cast %add3A_961 : i32 to index
        %get3A_990 = tpu.vector_load %get3A_987[%get3A_988, %get3A_989] {strides = array<i32>} : memref<1x10112xf32, #tpu.memory_space<vmem>>, vector<1x16xf32>,
        %get3A_991 = vector.shape_cast %get3A_990 : vector<1x16xf32> to vector<16xf32>
        %mul3A_992 = arith.constant 80 : i32
        %mul3A_993 = arith.muli %scan3A_855, %mul3A_992 : i32
        %add3A_994 = arith.constant 64 : i32
        %add3A_995 = arith.addi %mul3A_993, %add3A_994 : i32
        %get3A_996 = arith.constant 1 : i32
        %get3A_997 = arith.constant 0 : i32
        %get3A_998 = arith.constant 0 : i32
        %get3A_999 = arith.constant 0 : i32
        %get3A_1000 = tpu.memref_slice %arg11[%get3A_996, %get3A_998, %get3A_999] : memref<2x1x10000xf32, #tpu.memory_space<vmem>> -> memref<1x1x10000xf32, #tpu.memory_space<vmem>>
        %get3A_1001 = tpu.memref_squeeze %get3A_1000 : memref<1x1x10000xf32, #tpu.memory_space<vmem>> -> memref<1x10000xf32, #tpu.memory_space<vmem>>
        %get3A_1002 = arith.index_cast %get3A_997 : i32 to index
        %get3A_1003 = arith.index_cast %add3A_995 : i32 to index
        %get3A_1004 = tpu.vector_load %get3A_1001[%get3A_1002, %get3A_1003] {strides = array<i32>} : memref<1x10000xf32, #tpu.memory_space<vmem>>, vector<1x16xf32>,
        %get3A_1005 = vector.shape_cast %get3A_1004 : vector<1x16xf32> to vector<16xf32>
        %get3A_1006 = arith.constant 1 : i32
        %get3A_1007 = arith.constant 0 : i32
        %get3A_1008 = arith.constant 0 : i32
        %get3A_1009 = arith.constant 0 : i32
        %get3A_1010 = tpu.memref_slice %arg12[%get3A_1006, %get3A_1008, %get3A_1009] : memref<2x1x10000xf32, #tpu.memory_space<vmem>> -> memref<1x1x10000xf32, #tpu.memory_space<vmem>>
        %get3A_1011 = tpu.memref_squeeze %get3A_1010 : memref<1x1x10000xf32, #tpu.memory_space<vmem>> -> memref<1x10000xf32, #tpu.memory_space<vmem>>
        %get3A_1012 = arith.index_cast %get3A_1007 : i32 to index
        %get3A_1013 = arith.index_cast %add3A_995 : i32 to index
        %get3A_1014 = tpu.vector_load %get3A_1011[%get3A_1012, %get3A_1013] {strides = array<i32>} : memref<1x10000xf32, #tpu.memory_space<vmem>>, vector<1x16xf32>,
        %get3A_1015 = vector.shape_cast %get3A_1014 : vector<1x16xf32> to vector<16xf32>
        %get3A_1016 = arith.constant 1 : i32
        %get3A_1017 = arith.constant 0 : i32
        %get3A_1018 = arith.constant 0 : i32
        %get3A_1019 = arith.constant 0 : i32
        %get3A_1020 = tpu.memref_slice %arg10[%get3A_1016, %get3A_1018, %get3A_1019] : memref<2x1x10112xf32, #tpu.memory_space<vmem>> -> memref<1x1x10112xf32, #tpu.memory_space<vmem>>
        %get3A_1021 = tpu.memref_squeeze %get3A_1020 : memref<1x1x10112xf32, #tpu.memory_space<vmem>> -> memref<1x10112xf32, #tpu.memory_space<vmem>>
        %get3A_1022 = arith.index_cast %get3A_1017 : i32 to index
        %get3A_1023 = arith.index_cast %add3A_995 : i32 to index
        %get3A_1024 = tpu.vector_load %get3A_1021[%get3A_1022, %get3A_1023] {strides = array<i32>} : memref<1x10112xf32, #tpu.memory_space<vmem>>, vector<1x16xf32>,
        %get3A_1025 = vector.shape_cast %get3A_1024 : vector<1x16xf32> to vector<16xf32>
        %mul3A_1026 = arith.constant 80 : i32
        %mul3A_1027 = arith.muli %scan3A_855, %mul3A_1026 : i32
        %add3A_1028 = arith.constant 0 : i32
        %add3A_1029 = arith.addi %mul3A_1027, %add3A_1028 : i32
        %mul3A_1030 = arith.mulf %get3A_821, %get3A_869 : vector<16xf32>
        %mul3A_1031 = arith.mulf %get3A_879, %get3A_889 : vector<16xf32>
        %mul3A_1032 = arith.mulf %sub3A_824, %mul3A_1031 : vector<16xf32>
        %add3A_1033 = arith.addf %mul3A_1030, %mul3A_1032 : vector<16xf32>
        %swap3A_1034 = arith.constant 1 : i32
        %swap3A_1035 = arith.constant 0 : i32
        %swap3A_1036 = arith.constant 0 : i32
        %swap3A_1037 = arith.constant 0 : i32
        %swap3A_1038 = tpu.memref_slice %arg13[%swap3A_1034, %swap3A_1036, %swap3A_1037] : memref<2x1x10000xf32, #tpu.memory_space<vmem>> -> memref<1x1x10000xf32, #tpu.memory_space<vmem>>
        %swap3A_1039 = tpu.memref_squeeze %swap3A_1038 : memref<1x1x10000xf32, #tpu.memory_space<vmem>> -> memref<1x10000xf32, #tpu.memory_space<vmem>>
        %swap3A_1040 = arith.index_cast %swap3A_1035 : i32 to index
        %swap3A_1041 = arith.index_cast %add3A_1029 : i32 to index
        %swap3A_1042 = tpu.vector_load %swap3A_1039[%swap3A_1040, %swap3A_1041] {strides = array<i32>} : memref<1x10000xf32, #tpu.memory_space<vmem>>, vector<1x16xf32>,
        %swap3A_1043 = vector.shape_cast %swap3A_1042 : vector<1x16xf32> to vector<16xf32>
        %swap3A_1044 = vector.shape_cast %add3A_1033 : vector<16xf32> to vector<1x16xf32>
        tpu.vector_store %swap3A_1039[%swap3A_1040, %swap3A_1041], %swap3A_1044 {strides = array<i32>} : memref<1x10000xf32, #tpu.memory_space<vmem>>, vector<1x16xf32>,
        %mul3A_1045 = arith.constant 80 : i32
        %mul3A_1046 = arith.muli %scan3A_855, %mul3A_1045 : i32
        %add3A_1047 = arith.constant 16 : i32
        %add3A_1048 = arith.addi %mul3A_1046, %add3A_1047 : i32
        %mul3A_1049 = arith.mulf %get3A_821, %get3A_903 : vector<16xf32>
        %mul3A_1050 = arith.mulf %get3A_913, %get3A_923 : vector<16xf32>
        %mul3A_1051 = arith.mulf %sub3A_824, %mul3A_1050 : vector<16xf32>
        %add3A_1052 = arith.addf %mul3A_1049, %mul3A_1051 : vector<16xf32>
        %swap3A_1053 = arith.constant 1 : i32
        %swap3A_1054 = arith.constant 0 : i32
        %swap3A_1055 = arith.constant 0 : i32
        %swap3A_1056 = arith.constant 0 : i32
        %swap3A_1057 = tpu.memref_slice %arg13[%swap3A_1053, %swap3A_1055, %swap3A_1056] : memref<2x1x10000xf32, #tpu.memory_space<vmem>> -> memref<1x1x10000xf32, #tpu.memory_space<vmem>>
        %swap3A_1058 = tpu.memref_squeeze %swap3A_1057 : memref<1x1x10000xf32, #tpu.memory_space<vmem>> -> memref<1x10000xf32, #tpu.memory_space<vmem>>
        %swap3A_1059 = arith.index_cast %swap3A_1054 : i32 to index
        %swap3A_1060 = arith.index_cast %add3A_1048 : i32 to index
        %swap3A_1061 = tpu.vector_load %swap3A_1058[%swap3A_1059, %swap3A_1060] {strides = array<i32>} : memref<1x10000xf32, #tpu.memory_space<vmem>>, vector<1x16xf32>,
        %swap3A_1062 = vector.shape_cast %swap3A_1061 : vector<1x16xf32> to vector<16xf32>
        %swap3A_1063 = vector.shape_cast %add3A_1052 : vector<16xf32> to vector<1x16xf32>
        tpu.vector_store %swap3A_1058[%swap3A_1059, %swap3A_1060], %swap3A_1063 {strides = array<i32>} : memref<1x10000xf32, #tpu.memory_space<vmem>>, vector<1x16xf32>,
        %mul3A_1064 = arith.constant 80 : i32
        %mul3A_1065 = arith.muli %scan3A_855, %mul3A_1064 : i32
        %add3A_1066 = arith.constant 32 : i32
        %add3A_1067 = arith.addi %mul3A_1065, %add3A_1066 : i32
        %mul3A_1068 = arith.mulf %get3A_821, %get3A_937 : vector<16xf32>
        %mul3A_1069 = arith.mulf %get3A_947, %get3A_957 : vector<16xf32>
        %mul3A_1070 = arith.mulf %sub3A_824, %mul3A_1069 : vector<16xf32>
        %add3A_1071 = arith.addf %mul3A_1068, %mul3A_1070 : vector<16xf32>
        %swap3A_1072 = arith.constant 1 : i32
        %swap3A_1073 = arith.constant 0 : i32
        %swap3A_1074 = arith.constant 0 : i32
        %swap3A_1075 = arith.constant 0 : i32
        %swap3A_1076 = tpu.memref_slice %arg13[%swap3A_1072, %swap3A_1074, %swap3A_1075] : memref<2x1x10000xf32, #tpu.memory_space<vmem>> -> memref<1x1x10000xf32, #tpu.memory_space<vmem>>
        %swap3A_1077 = tpu.memref_squeeze %swap3A_1076 : memref<1x1x10000xf32, #tpu.memory_space<vmem>> -> memref<1x10000xf32, #tpu.memory_space<vmem>>
        %swap3A_1078 = arith.index_cast %swap3A_1073 : i32 to index
        %swap3A_1079 = arith.index_cast %add3A_1067 : i32 to index
        %swap3A_1080 = tpu.vector_load %swap3A_1077[%swap3A_1078, %swap3A_1079] {strides = array<i32>} : memref<1x10000xf32, #tpu.memory_space<vmem>>, vector<1x16xf32>,
        %swap3A_1081 = vector.shape_cast %swap3A_1080 : vector<1x16xf32> to vector<16xf32>
        %swap3A_1082 = vector.shape_cast %add3A_1071 : vector<16xf32> to vector<1x16xf32>
        tpu.vector_store %swap3A_1077[%swap3A_1078, %swap3A_1079], %swap3A_1082 {strides = array<i32>} : memref<1x10000xf32, #tpu.memory_space<vmem>>, vector<1x16xf32>,
        %mul3A_1083 = arith.constant 80 : i32
        %mul3A_1084 = arith.muli %scan3A_855, %mul3A_1083 : i32
        %add3A_1085 = arith.constant 48 : i32
        %add3A_1086 = arith.addi %mul3A_1084, %add3A_1085 : i32
        %mul3A_1087 = arith.mulf %get3A_821, %get3A_971 : vector<16xf32>
        %mul3A_1088 = arith.mulf %get3A_981, %get3A_991 : vector<16xf32>
        %mul3A_1089 = arith.mulf %sub3A_824, %mul3A_1088 : vector<16xf32>
        %add3A_1090 = arith.addf %mul3A_1087, %mul3A_1089 : vector<16xf32>
        %swap3A_1091 = arith.constant 1 : i32
        %swap3A_1092 = arith.constant 0 : i32
        %swap3A_1093 = arith.constant 0 : i32
        %swap3A_1094 = arith.constant 0 : i32
        %swap3A_1095 = tpu.memref_slice %arg13[%swap3A_1091, %swap3A_1093, %swap3A_1094] : memref<2x1x10000xf32, #tpu.memory_space<vmem>> -> memref<1x1x10000xf32, #tpu.memory_space<vmem>>
        %swap3A_1096 = tpu.memref_squeeze %swap3A_1095 : memref<1x1x10000xf32, #tpu.memory_space<vmem>> -> memref<1x10000xf32, #tpu.memory_space<vmem>>
        %swap3A_1097 = arith.index_cast %swap3A_1092 : i32 to index
        %swap3A_1098 = arith.index_cast %add3A_1086 : i32 to index
        %swap3A_1099 = tpu.vector_load %swap3A_1096[%swap3A_1097, %swap3A_1098] {strides = array<i32>} : memref<1x10000xf32, #tpu.memory_space<vmem>>, vector<1x16xf32>,
        %swap3A_1100 = vector.shape_cast %swap3A_1099 : vector<1x16xf32> to vector<16xf32>
        %swap3A_1101 = vector.shape_cast %add3A_1090 : vector<16xf32> to vector<1x16xf32>
        tpu.vector_store %swap3A_1096[%swap3A_1097, %swap3A_1098], %swap3A_1101 {strides = array<i32>} : memref<1x10000xf32, #tpu.memory_space<vmem>>, vector<1x16xf32>,
        %mul3A_1102 = arith.constant 80 : i32
        %mul3A_1103 = arith.muli %scan3A_855, %mul3A_1102 : i32
        %add3A_1104 = arith.constant 64 : i32
        %add3A_1105 = arith.addi %mul3A_1103, %add3A_1104 : i32
        %mul3A_1106 = arith.mulf %get3A_821, %get3A_1005 : vector<16xf32>
        %mul3A_1107 = arith.mulf %get3A_1015, %get3A_1025 : vector<16xf32>
        %mul3A_1108 = arith.mulf %sub3A_824, %mul3A_1107 : vector<16xf32>
        %add3A_1109 = arith.addf %mul3A_1106, %mul3A_1108 : vector<16xf32>
        %swap3A_1110 = arith.constant 1 : i32
        %swap3A_1111 = arith.constant 0 : i32
        %swap3A_1112 = arith.constant 0 : i32
        %swap3A_1113 = arith.constant 0 : i32
        %swap3A_1114 = tpu.memref_slice %arg13[%swap3A_1110, %swap3A_1112, %swap3A_1113] : memref<2x1x10000xf32, #tpu.memory_space<vmem>> -> memref<1x1x10000xf32, #tpu.memory_space<vmem>>
        %swap3A_1115 = tpu.memref_squeeze %swap3A_1114 : memref<1x1x10000xf32, #tpu.memory_space<vmem>> -> memref<1x10000xf32, #tpu.memory_space<vmem>>
        %swap3A_1116 = arith.index_cast %swap3A_1111 : i32 to index
        %swap3A_1117 = arith.index_cast %add3A_1105 : i32 to index
        %swap3A_1118 = tpu.vector_load %swap3A_1115[%swap3A_1116, %swap3A_1117] {strides = array<i32>} : memref<1x10000xf32, #tpu.memory_space<vmem>>, vector<1x16xf32>,
        %swap3A_1119 = vector.shape_cast %swap3A_1118 : vector<1x16xf32> to vector<16xf32>
        %swap3A_1120 = vector.shape_cast %add3A_1109 : vector<16xf32> to vector<1x16xf32>
        tpu.vector_store %swap3A_1115[%swap3A_1116, %swap3A_1117], %swap3A_1120 {strides = array<i32>} : memref<1x10000xf32, #tpu.memory_space<vmem>>, vector<1x16xf32>,
      }
      %scan3A_830 = arith.constant 125 : i32
      %add3A_831 = arith.addi %mul3A_2, %add3A_756 : i32
      %dma_start3A_832 = arith.constant 1 : i32
      %dma_start3A_833 = arith.constant 1 : i32
      %dma_start3A_834 = arith.constant 0 : i32
      %dma_start3A_835 = arith.constant 0 : i32
      %dma_start3A_836 = tpu.memref_slice %arg13[%dma_start3A_832, %dma_start3A_834, %dma_start3A_835] : memref<2x1x10000xf32, #tpu.memory_space<vmem>> -> memref<1x1x10000xf32, #tpu.memory_space<vmem>>
      %dma_start3A_837 = tpu.memref_squeeze %dma_start3A_836 : memref<1x1x10000xf32, #tpu.memory_space<vmem>> -> memref<1x10000xf32, #tpu.memory_space<vmem>>
      %dma_start3A_838 = arith.constant 0 : i32
      %dma_start3A_839 = tpu.memref_slice %arg7[%add3A_831, %dma_start3A_838] : memref<4096x10000xf32, #tpu.memory_space<hbm>> -> memref<1x10000xf32, #tpu.memory_space<hbm>>
      %dma_start3A_840 = tpu.memref_slice %arg17[%dma_start3A_833] : memref<2x!tpu.dma_semaphore, #tpu.memory_space<semaphore_mem>> -> memref<1x!tpu.dma_semaphore, #tpu.memory_space<semaphore_mem>>
      %dma_start3A_841 = tpu.memref_squeeze %dma_start3A_840 : memref<1x!tpu.dma_semaphore, #tpu.memory_space<semaphore_mem>> -> memref<!tpu.dma_semaphore, #tpu.memory_space<semaphore_mem>>
      %dma_start3A_842 = arith.constant 0 : i32
      %dma_start3A_843 = tpu.memref_slice %arg7[%add3A_831, %dma_start3A_842] : memref<4096x10000xf32, #tpu.memory_space<hbm>> -> memref<1x10000xf32, #tpu.memory_space<hbm>>
      %dma_start3A_844 = arith.constant 0 : i32
      %dma_start3A_845 = arith.constant 0 : i32
      %dma_start3A_846 = tpu.memref_slice %arg13[%dma_start3A_832, %dma_start3A_844, %dma_start3A_845] : memref<2x1x10000xf32, #tpu.memory_space<vmem>> -> memref<1x1x10000xf32, #tpu.memory_space<vmem>>
      %dma_start3A_847 = tpu.memref_squeeze %dma_start3A_846 : memref<1x1x10000xf32, #tpu.memory_space<vmem>> -> memref<1x10000xf32, #tpu.memory_space<vmem>>
      tpu.enqueue_dma source(%dma_start3A_847 : memref<1x10000xf32, #tpu.memory_space<vmem>>) target(%dma_start3A_843 : memref<1x10000xf32, #tpu.memory_space<hbm>>) target_semaphore(%dma_start3A_841 : memref<!tpu.dma_semaphore, #tpu.memory_space<semaphore_mem>>)
      %add3A_848 = arith.constant 2 : i32
      %add3A_849 = arith.addi %add3A_756, %add3A_848 : i32
      %lt3A_850 = arith.constant 128 : i32
      %lt3A_851 = arith.cmpi slt, %add3A_849, %lt3A_850 : i32
      %convert_element_type3A_852 = arith.extui %lt3A_851 : i1 to i32
      %cond3A_853 = arith.constant 0 : i32
      %cond3A_854 = arith.cmpi ne, %convert_element_type3A_852, %cond3A_853 : i32
      scf.if %cond3A_854 {
        %add3A_855 = arith.constant 2 : i32
        %add3A_856 = arith.addi %add3A_756, %add3A_855 : i32
        %mul3A_857 = arith.constant 8 : i32
        %mul3A_858 = arith.muli %add3A_856, %mul3A_857 : i32
        %multiple_of3A_859 = tpu.assume_multiple %mul3A_858, 8 : i32
        %dma_start3A_860 = arith.constant 1 : i32
        %dma_start3A_861 = arith.constant 1 : i32
        %dma_start3A_862 = arith.constant 0 : i32
        %dma_start3A_863 = arith.constant 0 : i32
        %dma_start3A_864 = tpu.memref_slice %arg10[%dma_start3A_860, %dma_start3A_862, %dma_start3A_863] : memref<2x1x10112xf32, #tpu.memory_space<vmem>> -> memref<1x1x10112xf32, #tpu.memory_space<vmem>>
        %dma_start3A_865 = tpu.memref_squeeze %dma_start3A_864 : memref<1x1x10112xf32, #tpu.memory_space<vmem>> -> memref<1x10112xf32, #tpu.memory_space<vmem>>
        %dma_start3A_866 = tpu.memref_slice %arg8[%multiple_of3A_859] : memref<1024xi32, #tpu.memory_space<vmem>> -> memref<1xi32, #tpu.memory_space<vmem>>
        %dma_start3A_867 = arith.constant 0 : i32
        %dma_start3A_868 = arith.constant 0 : i32
        %dma_start3A_869 = tpu.memref_slice %arg6[%dma_start3A_867, %dma_start3A_868] : memref<256x10112xf32, #tpu.memory_space<hbm>> -> memref<256x10112xf32, #tpu.memory_space<hbm>>
        %dma_start3A_870 = tpu.memref_slice %arg14[%dma_start3A_861] : memref<2x!tpu.dma_semaphore, #tpu.memory_space<semaphore_mem>> -> memref<1x!tpu.dma_semaphore, #tpu.memory_space<semaphore_mem>>
        %dma_start3A_871 = tpu.memref_squeeze %dma_start3A_870 : memref<1x!tpu.dma_semaphore, #tpu.memory_space<semaphore_mem>> -> memref<!tpu.dma_semaphore, #tpu.memory_space<semaphore_mem>>
        tpu.enqueue_indirect_dma source(%dma_start3A_869 : memref<256x10112xf32, #tpu.memory_space<hbm>>) target(%dma_start3A_865 : memref<1x10112xf32, #tpu.memory_space<vmem>>) offsets(%dma_start3A_866 : memref<1xi32, #tpu.memory_space<vmem>>) semaphore(%dma_start3A_871 : memref<!tpu.dma_semaphore, #tpu.memory_space<semaphore_mem>>)
        %add3A_872 = arith.addi %mul3A_2, %add3A_856 : i32
        %dma_start3A_873 = arith.constant 1 : i32
        %dma_start3A_874 = arith.constant 1 : i32
        %dma_start3A_875 = arith.constant 0 : i32
        %dma_start3A_876 = arith.constant 0 : i32
        %dma_start3A_877 = tpu.memref_slice %arg11[%dma_start3A_873, %dma_start3A_875, %dma_start3A_876] : memref<2x1x10000xf32, #tpu.memory_space<vmem>> -> memref<1x1x10000xf32, #tpu.memory_space<vmem>>
        %dma_start3A_878 = tpu.memref_squeeze %dma_start3A_877 : memref<1x1x10000xf32, #tpu.memory_space<vmem>> -> memref<1x10000xf32, #tpu.memory_space<vmem>>
        %dma_start3A_879 = arith.constant 0 : i32
        %dma_start3A_880 = tpu.memref_slice %arg2[%add3A_872, %dma_start3A_879] : memref<4096x10000xf32, #tpu.memory_space<hbm>> -> memref<1x10000xf32, #tpu.memory_space<hbm>>
        %dma_start3A_881 = tpu.memref_slice %arg15[%dma_start3A_874] : memref<2x!tpu.dma_semaphore, #tpu.memory_space<semaphore_mem>> -> memref<1x!tpu.dma_semaphore, #tpu.memory_space<semaphore_mem>>
        %dma_start3A_882 = tpu.memref_squeeze %dma_start3A_881 : memref<1x!tpu.dma_semaphore, #tpu.memory_space<semaphore_mem>> -> memref<!tpu.dma_semaphore, #tpu.memory_space<semaphore_mem>>
        %dma_start3A_883 = arith.constant 0 : i32
        %dma_start3A_884 = arith.constant 0 : i32
        %dma_start3A_885 = tpu.memref_slice %arg11[%dma_start3A_873, %dma_start3A_883, %dma_start3A_884] : memref<2x1x10000xf32, #tpu.memory_space<vmem>> -> memref<1x1x10000xf32, #tpu.memory_space<vmem>>
        %dma_start3A_886 = tpu.memref_squeeze %dma_start3A_885 : memref<1x1x10000xf32, #tpu.memory_space<vmem>> -> memref<1x10000xf32, #tpu.memory_space<vmem>>
        %dma_start3A_887 = arith.constant 0 : i32
        %dma_start3A_888 = tpu.memref_slice %arg2[%add3A_872, %dma_start3A_887] : memref<4096x10000xf32, #tpu.memory_space<hbm>> -> memref<1x10000xf32, #tpu.memory_space<hbm>>
        tpu.enqueue_dma source(%dma_start3A_888 : memref<1x10000xf32, #tpu.memory_space<hbm>>) target(%dma_start3A_886 : memref<1x10000xf32, #tpu.memory_space<vmem>>) target_semaphore(%dma_start3A_882 : memref<!tpu.dma_semaphore, #tpu.memory_space<semaphore_mem>>)
        %add3A_889 = arith.addi %mul3A_2, %add3A_856 : i32
        %dma_start3A_890 = arith.constant 1 : i32
        %dma_start3A_891 = arith.constant 1 : i32
        %dma_start3A_892 = arith.constant 0 : i32
        %dma_start3A_893 = arith.constant 0 : i32
        %dma_start3A_894 = tpu.memref_slice %arg12[%dma_start3A_890, %dma_start3A_892, %dma_start3A_893] : memref<2x1x10000xf32, #tpu.memory_space<vmem>> -> memref<1x1x10000xf32, #tpu.memory_space<vmem>>
        %dma_start3A_895 = tpu.memref_squeeze %dma_start3A_894 : memref<1x1x10000xf32, #tpu.memory_space<vmem>> -> memref<1x10000xf32, #tpu.memory_space<vmem>>
        %dma_start3A_896 = arith.constant 0 : i32
        %dma_start3A_897 = tpu.memref_slice %arg3[%add3A_889, %dma_start3A_896] : memref<4096x10000xf32, #tpu.memory_space<hbm>> -> memref<1x10000xf32, #tpu.memory_space<hbm>>
        %dma_start3A_898 = tpu.memref_slice %arg16[%dma_start3A_891] : memref<2x!tpu.dma_semaphore, #tpu.memory_space<semaphore_mem>> -> memref<1x!tpu.dma_semaphore, #tpu.memory_space<semaphore_mem>>
        %dma_start3A_899 = tpu.memref_squeeze %dma_start3A_898 : memref<1x!tpu.dma_semaphore, #tpu.memory_space<semaphore_mem>> -> memref<!tpu.dma_semaphore, #tpu.memory_space<semaphore_mem>>
        %dma_start3A_900 = arith.constant 0 : i32
        %dma_start3A_901 = arith.constant 0 : i32
        %dma_start3A_902 = tpu.memref_slice %arg12[%dma_start3A_890, %dma_start3A_900, %dma_start3A_901] : memref<2x1x10000xf32, #tpu.memory_space<vmem>> -> memref<1x1x10000xf32, #tpu.memory_space<vmem>>
        %dma_start3A_903 = tpu.memref_squeeze %dma_start3A_902 : memref<1x1x10000xf32, #tpu.memory_space<vmem>> -> memref<1x10000xf32, #tpu.memory_space<vmem>>
        %dma_start3A_904 = arith.constant 0 : i32
        %dma_start3A_905 = tpu.memref_slice %arg3[%add3A_889, %dma_start3A_904] : memref<4096x10000xf32, #tpu.memory_space<hbm>> -> memref<1x10000xf32, #tpu.memory_space<hbm>>
        tpu.enqueue_dma source(%dma_start3A_905 : memref<1x10000xf32, #tpu.memory_space<hbm>>) target(%dma_start3A_903 : memref<1x10000xf32, #tpu.memory_space<vmem>>) target_semaphore(%dma_start3A_899 : memref<!tpu.dma_semaphore, #tpu.memory_space<semaphore_mem>>)
      } else {
      }
    }
    %scan3A_619 = arith.constant 64 : i32
    %dma_wait3A = arith.constant 0 : i32
    %dma_wait3A_620 = arith.constant 0 : i32
    %dma_wait3A_621 = arith.constant 0 : i32
    %dma_wait3A_622 = arith.constant 0 : i32
    %dma_wait3A_623 = tpu.memref_slice %arg13[%dma_wait3A, %dma_wait3A_621, %dma_wait3A_622] : memref<2x1x10000xf32, #tpu.memory_space<vmem>> -> memref<1x1x10000xf32, #tpu.memory_space<vmem>>
    %dma_wait3A_624 = tpu.memref_squeeze %dma_wait3A_623 : memref<1x1x10000xf32, #tpu.memory_space<vmem>> -> memref<1x10000xf32, #tpu.memory_space<vmem>>
    %dma_wait3A_625 = arith.constant 0 : i32
    %dma_wait3A_626 = arith.constant 0 : i32
    %dma_wait3A_627 = tpu.memref_slice %arg7[%dma_wait3A_625, %dma_wait3A_626] : memref<4096x10000xf32, #tpu.memory_space<hbm>> -> memref<1x10000xf32, #tpu.memory_space<hbm>>
    %dma_wait3A_628 = tpu.memref_slice %arg17[%dma_wait3A_620] : memref<2x!tpu.dma_semaphore, #tpu.memory_space<semaphore_mem>> -> memref<1x!tpu.dma_semaphore, #tpu.memory_space<semaphore_mem>>
    %dma_wait3A_629 = tpu.memref_squeeze %dma_wait3A_628 : memref<1x!tpu.dma_semaphore, #tpu.memory_space<semaphore_mem>> -> memref<!tpu.dma_semaphore, #tpu.memory_space<semaphore_mem>>
    %dma_wait3A_630 = arith.constant 0 : i32
    %dma_wait3A_631 = arith.constant 0 : i32
    %dma_wait3A_632 = tpu.memref_slice %arg7[%dma_wait3A_630, %dma_wait3A_631] : memref<4096x10000xf32, #tpu.memory_space<hbm>> -> memref<1x10000xf32, #tpu.memory_space<hbm>>
    %dma_wait3A_633 = arith.constant 0 : i32
    %dma_wait3A_634 = arith.constant 0 : i32
    %dma_wait3A_635 = tpu.memref_slice %arg13[%dma_wait3A, %dma_wait3A_633, %dma_wait3A_634] : memref<2x1x10000xf32, #tpu.memory_space<vmem>> -> memref<1x1x10000xf32, #tpu.memory_space<vmem>>
    %dma_wait3A_636 = tpu.memref_squeeze %dma_wait3A_635 : memref<1x1x10000xf32, #tpu.memory_space<vmem>> -> memref<1x10000xf32, #tpu.memory_space<vmem>>
    tpu.wait_dma2 semaphore(%dma_wait3A_629 : memref<!tpu.dma_semaphore, #tpu.memory_space<semaphore_mem>>) src(%dma_wait3A_636 : memref<1x10000xf32, #tpu.memory_space<vmem>>) dst(%dma_wait3A_632 : memref<1x10000xf32, #tpu.memory_space<hbm>>)
    %dma_wait3A_637 = arith.constant 1 : i32
    %dma_wait3A_638 = arith.constant 1 : i32
    %dma_wait3A_639 = arith.constant 0 : i32
    %dma_wait3A_640 = arith.constant 0 : i32
    %dma_wait3A_641 = tpu.memref_slice %arg13[%dma_wait3A_637, %dma_wait3A_639, %dma_wait3A_640] : memref<2x1x10000xf32, #tpu.memory_space<vmem>> -> memref<1x1x10000xf32, #tpu.memory_space<vmem>>
    %dma_wait3A_642 = tpu.memref_squeeze %dma_wait3A_641 : memref<1x1x10000xf32, #tpu.memory_space<vmem>> -> memref<1x10000xf32, #tpu.memory_space<vmem>>
    %dma_wait3A_643 = arith.constant 0 : i32
    %dma_wait3A_644 = arith.constant 0 : i32
    %dma_wait3A_645 = tpu.memref_slice %arg7[%dma_wait3A_643, %dma_wait3A_644] : memref<4096x10000xf32, #tpu.memory_space<hbm>> -> memref<1x10000xf32, #tpu.memory_space<hbm>>
    %dma_wait3A_646 = tpu.memref_slice %arg17[%dma_wait3A_638] : memref<2x!tpu.dma_semaphore, #tpu.memory_space<semaphore_mem>> -> memref<1x!tpu.dma_semaphore, #tpu.memory_space<semaphore_mem>>
    %dma_wait3A_647 = tpu.memref_squeeze %dma_wait3A_646 : memref<1x!tpu.dma_semaphore, #tpu.memory_space<semaphore_mem>> -> memref<!tpu.dma_semaphore, #tpu.memory_space<semaphore_mem>>
    %dma_wait3A_648 = arith.constant 0 : i32
    %dma_wait3A_649 = arith.constant 0 : i32
    %dma_wait3A_650 = tpu.memref_slice %arg7[%dma_wait3A_648, %dma_wait3A_649] : memref<4096x10000xf32, #tpu.memory_space<hbm>> -> memref<1x10000xf32, #tpu.memory_space<hbm>>
    %dma_wait3A_651 = arith.constant 0 : i32
    %dma_wait3A_652 = arith.constant 0 : i32
    %dma_wait3A_653 = tpu.memref_slice %arg13[%dma_wait3A_637, %dma_wait3A_651, %dma_wait3A_652] : memref<2x1x10000xf32, #tpu.memory_space<vmem>> -> memref<1x1x10000xf32, #tpu.memory_space<vmem>>
    %dma_wait3A_654 = tpu.memref_squeeze %dma_wait3A_653 : memref<1x1x10000xf32, #tpu.memory_space<vmem>> -> memref<1x10000xf32, #tpu.memory_space<vmem>>
    tpu.wait_dma2 semaphore(%dma_wait3A_647 : memref<!tpu.dma_semaphore, #tpu.memory_space<semaphore_mem>>) src(%dma_wait3A_654 : memref<1x10000xf32, #tpu.memory_space<vmem>>) dst(%dma_wait3A_650 : memref<1x10000xf32, #tpu.memory_space<hbm>>)
    return
  }
}

</mosaic_0001>

<sc_bundles>
// kernel: kernel.3.cloned.1.call-start
scs
__scs_entry_jumppad:
0x0: {  	(pc) =	sbr.rel $0x88, $3  }
0x1: {  	(tag) =	ssettag $0x0;
	lr =	simm.s32 $0x1  }
0x2: {  	[smem:$0x3F9C] =	sst lr;
	_ =	strace $0xD0000000  }
0x3: {  	_ = 	snop  }
0x4: {  	_ = 	snop  }
0x5: {  	_ = 	snop  }
0x6: {  	_ = 	snop  }
0x7: {  	_ = 	snop  }
__scs_overlays_trampoline_lowered:
0x8: {  	[smem:$0x3FAB] =	sst s0  }
0x9: {  	[smem:$0x3FAC] =	sst s1  }
0xa: {  	[smem:$0x3FAD] =	sst s2  }
0xb: {  	[smem:$0x3FAE] =	sst s3  }
0xc: {  	[smem:$0x3FAF] =	sst s4  }
0xd: {  	[smem:$0x3FB0] =	sst s5  }
0xe: {  	[smem:$0x3FB1] =	sst s6  }
0xf: {  	[smem:$0x3FB2] =	sst s7  }
0x10: {  	[smem:$0x3FB3] =	sst s8  }
0x11: {  	[smem:$0x3FB4] =	sst s9;
	s0 =	simm.s32 @!p0 $0x0  }
0x12: {  	s1 =	sld [smem:$0x3F9A];
	s0 =	simm.s32 @p0 $0x1  }
0x13: {  	[smem:$0x3FB5] =	sst s0;
	s0 =	simm.s32 @!p1 $0x0  }
0x14: {  	s2 =	sld [smem:$0x3F99];
	s0 =	simm.s32 @p1 $0x1  }
0x15: {  	[smem:$0x3FB6] =	sst s0;
	s0 =	simm.s32 @!p2 $0x0  }
0x16: {  	s3 =	sld [smem:$0x3FDB];
	s0 =	simm.s32 @p2 $0x1  }
0x17: {  	s4 =	simm.s32 $0x1BF5;
	[smem:$0x3FB8] =	sst s0  }
0x18: {  	s0 =	sld [smem:$0x3F9B];
	_ =	swait.ge [sflag:s4], $0x0  }
0x19: {  	s7 =	sld [smem:$0x3F9C]  }
0x1a: {  	s8 =	sadd.s32 $0xFFFFE003, lr  }
0x1b: {  	s9 =	sadd.s32 $0xFFFFFEF7, lr;
	s5 =	simm.s32 $0xFFFFFFFF;
	p2 =	slt.u32 s8, $0xFFFFF086  }
0x1c: {  	p1 =	slt.u32 s9, $0xF7A;
	s5 =	simm.s32 @!p2 $0x0  }
0x1d: {  	s5 =	simm.s32 @p1 $0x1;
	p0 =	seq.s32 s7, s2  }
0x1e: {  	s7 =	smul.u32 @!p0 $0xF7A, s2;
	p2 =	seq.s32 @!p0 s5, $0x0  }
0x1f: {  	s9 =	smul.u32 $0xF7A, s1;
	s8 =	simm.s32 @!p0 $0x1BF5;
	p2 =	por !p2, p0  }
0x20: {  	[sflag:s8] =	ssyncset.s32 @!p0 $0xFFFFF086;
	s6 =	sadd.s32 @!p0 s3, s7;
	s7 =	simm.s32 @!p0 $0x108  }
0x21: {  	s3 =	sadd.s32 s3, s9;
	s6 =	sadd.s32 @!p0 $0x88, s6;
	s7 =	simm.s32 @p2 $0x1082  }
0x22: {  	[simem:s7], [sflag:s8] =	dma.local @!p0 [hbm:s6], $0xF7A  }
0x23: {  	s9 =	sor.u32 $0xD0000000, s2;
	s6 =	simm.s32 $0x108;
	_ =	swait.ge @!p0 [sflag:s8], $0x0  }
0x24: {  	s3 =	sadd.s32 $0x88, s3;
	s6 =	simm.s32 @!p1 $0x1082;
	[sflag:s4] =	ssyncset.s32 $0xFFFFF086  }
0x25: {  	[simem:s6], [sflag:s4] =	dma.local [hbm:s3], $0xF7A  }
0x26: {  	[smem:$0x3F9C] =	sst s1;
	(tag) =	ssettag s2;
	_ =	strace s9  }
0x27: {  	s1 =	sld [smem:$0x3FAC]  }
0x28: {  	s2 =	sld [smem:$0x3FAD]  }
0x29: {  	s4 =	sld [smem:$0x3FAF]  }
0x2a: {  	p0 =	seq.s32 s5, $0x0;
	s5 =	sld [smem:$0x3FB0]  }
0x2b: {  	s6 =	sld [smem:$0x3FB1]  }
0x2c: {  	s7 =	sld [smem:$0x3FB2]  }
0x2d: {  	s3 =	simm.s32 $0x108;
	s8 =	sld [smem:$0x3FB3]  }
0x2e: {  	s3 =	simm.s32 @!p0 $0x1082;
	s9 =	sld [smem:$0x3FB4]  }
0x2f: {  	lr =	sadd.s32 s0, s3;
	s0 =	sld [smem:$0x3FAB]  }
0x30: {  	s3 =	sld [smem:$0x3FAE]  }
0x31: {  	[smem:$0x3FB7] =	sst s10  }
0x32: {  	s10 =	sld [smem:$0x3FB5];
	_ =	sdelay $0x3  }
0x33: {  	p0 =	seq.s32 s10, $0x1;
	s10 =	sld [smem:$0x3FB7];
	_ =	sdelay $0x3  }
0x34: {  	[smem:$0x3FB7] =	sst s10  }
0x35: {  	s10 =	sld [smem:$0x3FB6];
	_ =	sdelay $0x3  }
0x36: {  	p1 =	seq.s32 s10, $0x1;
	s10 =	sld [smem:$0x3FB7];
	_ =	sdelay $0x3  }
0x37: {  	[smem:$0x3FB7] =	sst s10  }
0x38: {  	s10 =	sld [smem:$0x3FB8]  }
0x39: {  	_ = 	snop;
	(pc) =	sbr.ind lr, $3  }
0x3a: {  	_ = 	snop  }
0x3b: {  	_ = 	snop  }
0x3c: {  	p2 =	seq.s32 s10, $0x1;
	s10 =	sld [smem:$0x3FB7]  }
0x3d: {  	_ =	shalt  }
0x3e: {  	_ =	shalt  }
0x3f: {  	_ =	shalt  }
0x40: {  	_ =	shalt  }
0x41: {  	_ =	shalt  }
0x42: {  	_ =	shalt  }
0x43: {  	_ =	shalt  }
0x44: {  	_ =	shalt  }
0x45: {  	_ =	shalt  }
0x46: {  	_ =	shalt  }
0x47: {  	_ =	shalt  }
0x48: {  	_ =	shalt  }
0x49: {  	_ =	shalt  }
0x4a: {  	_ =	shalt  }
0x4b: {  	_ =	shalt  }
0x4c: {  	_ =	shalt  }
0x4d: {  	_ =	shalt  }
0x4e: {  	_ =	shalt  }
0x4f: {  	_ =	shalt  }
0x50: {  	_ =	shalt  }
0x51: {  	_ =	shalt  }
0x52: {  	_ =	shalt  }
0x53: {  	_ =	shalt  }
0x54: {  	_ =	shalt  }
0x55: {  	_ =	shalt  }
0x56: {  	_ =	shalt  }
0x57: {  	_ =	shalt  }
0x58: {  	_ =	shalt  }
0x59: {  	_ =	shalt  }
0x5a: {  	_ =	shalt  }
0x5b: {  	_ =	shalt  }
0x5c: {  	_ =	shalt  }
0x5d: {  	_ =	shalt  }
0x5e: {  	_ =	shalt  }
0x5f: {  	_ =	shalt  }
0x60: {  	_ =	shalt  }
0x61: {  	_ =	shalt  }
0x62: {  	_ =	shalt  }
0x63: {  	_ =	shalt  }
0x64: {  	_ =	shalt  }
0x65: {  	_ =	shalt  }
0x66: {  	_ =	shalt  }
0x67: {  	_ =	shalt  }
0x68: {  	_ =	shalt  }
0x69: {  	_ =	shalt  }
0x6a: {  	_ =	shalt  }
0x6b: {  	_ =	shalt  }
0x6c: {  	_ =	shalt  }
0x6d: {  	_ =	shalt  }
0x6e: {  	_ =	shalt  }
0x6f: {  	_ =	shalt  }
0x70: {  	_ =	shalt  }
0x71: {  	_ =	shalt  }
0x72: {  	_ =	shalt  }
0x73: {  	_ =	shalt  }
0x74: {  	_ =	shalt  }
0x75: {  	_ =	shalt  }
0x76: {  	_ =	shalt  }
0x77: {  	_ =	shalt  }
0x78: {  	_ =	shalt  }
0x79: {  	_ =	shalt  }
0x7a: {  	_ =	shalt  }
0x7b: {  	_ =	shalt  }
0x7c: {  	_ =	shalt  }
0x7d: {  	_ =	shalt  }
0x7e: {  	_ =	shalt  }
0x7f: {  	_ =	shalt  }
0x80: {  	_ =	shalt  }
0x81: {  	_ =	shalt  }
0x82: {  	_ =	shalt  }
0x83: {  	_ =	shalt  }
0x84: {  	_ =	shalt  }
0x85: {  	_ =	shalt  }
0x86: {  	_ =	shalt  }
0x87: {  	_ =	shalt  }
.Lfunc_end0:
.L_simem_size_0:
called_computation_lowered:
.L_overlay_start_0:
0x88: {  	s2 =	sld [smem:$0x3FD9]  }
0x89: {  	s3 =	sld [smem:$0x3FFE];
	_ =	sdelay $0x1  }
0x8a: {  	s1 =	srdreg.scid  }
0x8b: {  	s0 =	sand.u32 $0x1, s1  }
0x8c: {  	s17 =	sshll.u32 s0, $0xA;
	s2 =	sadd.s32 s3, s2  }
0x8d: {  	s2 =	sadd.s32 s2, s17  }
0x8e: {  	[smem:$0x3FC3] =	sst s2  }
0x8f: {  	_ = 	snop  }
0x90: {  	s2 =	sld [smem:$0x3FD0];
	(tm) =	ssettm $0x1  }
0x91: {  	s18 =	sld [smem:$0x3FFB];
	_ =	sdelay $0x3  }
0x92: {  	_ =	strace s18  }
0x93: {  	s3 =	sld [smem:$0x3FFC];
	_ =	sdelay $0x3  }
0x94: {  	_ =	strace s3  }
0x95: {  	s3 =	sld [smem:$0x3FFD];
	_ =	sdelay $0x3  }
0x96: {  	_ =	strace s3  }
0x97: {  	_ =	strace $0x8FFFFFFF  }
0x98: {  	s19 =	sld [smem:$0x3FDB];
	_ =	sdelay $0x1  }
0x99: {  	s4 =	simm.s32 $_scs_section_size  }
0x9a: {  	s5 =	simm.s32 $_size__tile_overlayer_lowered;
	s6 =	simm.s32 $_tile_overlayer_lowered  }
0x9b: {  	s22 =	simm.s32 $0x1BFF;
	s21 =	sshll.u32 s6, $0x1;
	s3 =	sadd.s32 s4, s19  }
0x9c: {  	s7 =	simm.s32 $0x0;
	s20 =	sshll.u32 s5, $0x1;
	s5 =	sadd.s32 s21, s3  }
0x9d: {  	[timem:s7], [sflag:s22] =	dma.local [hbm:s5], s20  }
0x9e: {  	_ =	swait.ge [sflag:s22], s20  }
0x9f: {  	s4 =	ssub.s32 $0x0, s20;
	[sflag:s22] =	ssyncset.done $0x0  }
0xa0: {  	[sflag:s22] =	ssyncadd.s32 s4;
	_ =	sdelay $0x1  }
0xa1: {  	s23 =	simm.s32 $0x1B8B  }
0xa2: {  	_ =	swait.ge [sflag:s23], $0x1  }
0xa3: {  	[sflag:s23] =	ssyncset.done $0x0  }
0xa4: {  	s25 =	simm.s32 $0x1B8E;
	s24 =	sld [smem:$0x3FFE];
	[sflag:s23] =	ssyncadd.s32 $0xFFFFFFFF  }
0xa5: {  	s26 =	simm.s32 $execute0_lowered;
	[smem:$0x3FD2] =	sst s25  }
0xa6: {  	s5 =	sshll.u32 s26, $0x1;
	_ =	strace $0x80000046;
	[dreg:$0x1] =	wrdreg $0xFFFFFFFF  }
0xa7: {  	s28 =	simm.s32 $_size_execute0_lowered;
	s3 =	sadd.s32 s3, s5;
	[dreg:$0x0] =	wrdreg $0x0  }
0xa8: {  	s5 =	sshll.u32 s28, $0x1;
	[dreg:$0x2] =	wrdreg s3  }
0xa9: {  	[dreg:$0x3] =	wrdreg s5  }
0xaa: {  	[dreg:$0x4] =	wrdreg $0xC0  }
0xab: {  	_ =	task [dreg:s7], $0x5FFFF  }
0xac: {  	[dreg:$0x1] =	wrdreg $0xFFFFFFFF  }
0xad: {  	[dreg:$0x0] =	wrdreg $0x60  }
0xae: {  	[dreg:$0x2] =	wrdreg s24  }
0xaf: {  	[dreg:$0x3] =	wrdreg s2  }
0xb0: {  	[dreg:$0x4] =	wrdreg $0x9  }
0xb1: {  	_ =	task.clear_ibuf [dreg:s7], $0x5FFFF;
	_ =	strace $0x90000046  }
0xb2: {  	s29 =	simm.s32 $0x9;
	_ =	strace $0x80000048  }
0xb3: {  	_ =	swait.ge [sflag:s29], $0x1  }
0xb4: {  	[sflag:s29] =	ssyncadd.s32 $0xFFFFFFFF  }
0xb5: {  	_ =	strace $0x90000048  }
0xb6: {  	_ =	sfence  }
0xb7: {  	s30 =	sld [smem:$0x0];
	_ =	sdelay $0x2  }
0xb8: {  	s31 =	sshll.u32 s1, $0xD;
	s1 =	sshrl.u32 s1, $0x2  }
0xb9: {  	s3 =	sand.u32 $0x4000, s31;
	s1 =	sadd.s32 s1, s30  }
0xba: {  	s0 =	sor.u32 s3, s0;
	s1 =	sshll.u32 s1, $0x11  }
0xbb: {  	s0 =	sor.u32 s1, s0  }
0xbc: {  	s0 =	sadd.s32 $0x8F2B, s0  }
0xbd: {  	[sflag:s0] =	ssyncadd.remote.s32 $0x1  }
0xbe: {  	_ =	sfence.sel $0xFFFF  }
0xbf: {  	[dreg:$0x0] =	wrdreg $0xFFFFFFFF;
	(pc) =	sbr.abs _section_cstart, $3  }
0xc0: {  	[dreg:$0x1] =	wrdreg $0xFFFFFFFF  }
0xc1: {  	_ =	task.clear_ibuf [dreg:s7], $0x2FFFF;
	_ =	strace $0x9FFFFFFF  }
0xc2: {  	(tm) =	ssettm $0x7FFFFFFF  }
0xc3: {  	_ =	shalt  }
tec
execute0_lowered:
.L_overlay_start_1:
0x0: {  	(tag) =	ssettag $0x1  }
0x1: {  	s0 =	rddreg [dreg:$0x0]  }
0x2: {  	s2 =	rddreg [dreg:$0x1];
	s3 =	simm.s32 $0x0;
	s1 =	srdreg.scid  }
0x3: {  	s4 =	stileid.u32;
	s20 =	simm.s32 $0x400;
	s28 =	simm.s32 $0x5  }
0x4: {  	s29 =	simm.s32 $0xF900;
	s14 =	simm.s32 $0x6;
	s15 =	simm.s32 $0x12080  }
0x5: {  	s16 =	simm.s32 $0x0;
	[smem:$0x7FF] =	sst s3;
	s1 =	sand.u32 $0x1, s1  }
0x6: {  	s4 =	sshll.u32 s4, $0x1;
	s5 =	sadd.s32 $0x4F3600, s0;
	s11 =	sadd.s32 $0x1000, s2  }
0x7: {  	s12 =	sadd.s32 $0x1800, s2;
	s13 =	sadd.s32 $0x2000, s2;
	_ =	strace $0x80000047  }
0x8: {  	s8 =	sor.u32 s1, s4;
	s4 =	sadd.s32 $0x3600, s0;
	s1 =	ssub.s32 $0x2, s1  }
0x9: {  	s6 =	sshll.u32 s8, $0x7;
	s7 =	sshll.u32 s8, $0x8;
	s21 =	sshrl.u32 s1, $0x1  }
0xa: {  	s23 =	smul.u32 $0x27800, s8;
	s8 =	simm.s32 $0x2;
	s9 =	sadd.s32 s6, s0  }
0xb: {  	s10 =	sadd.s32 s7, s0;
	s7 =	sadd.s32 $0x9E3600, s0;
	s0 =	ssub.s32 s1, s21  }
0xc: {  	s21 =	simm.s32 $0x5380;
	s22 =	sadd.s32 $0x600, s9;
	s24 =	sadd.s32 $0x1600, s10  }
0xd: {  	s10 =	sadd.s32 $0x800, s2;
	s25 =	sor.u32 $0x10, s23;
	[dreg:$0x3] =	wrdreg s22  }
0xe: {  	s26 =	sadd.s32 s4, s23;
	s1 =	sadd.s32 s5, s23;
	[dreg:$0x4] =	wrdreg s24  }
.Ltmp0:
0xf: {  	s0 =	smax.u32 s0, $0x1;
	[dreg:$0x5] =	wrdreg s26;
	(pc) =	sbr.rel .LBB2_1-.Ltmp0, $4  }
0x10: {  	s23 =	simm.s32 $0xD180;
	s9 =	simm.s32 $0x4;
	[dreg:$0x6] =	wrdreg s1  }
0x11: {  	s30 =	sadd.s32 s4, s25;
	s31 =	sadd.s32 s5, s25;
	[dreg:$0x9] =	wrdreg s0  }
0x12: {  	v0 =	vimm.s32 $0x0;
	v1 =	vlaneseq.u32;
	s26 =	simm.s32 $0x80;
	s22 =	simm.s32 $0x8280;
	[dreg:$0x7] =	wrdreg s30  }
0x13: {  	vm0 =	vmmov $0xffff;
	vm1 =	vmmov $0x7fff;
	v1 =	vmul.u32 $0x8, v1;
	s24 =	simm.s32 $0x1;
	s25 =	simm.s32 $0x3;
	[dreg:$0x8] =	wrdreg s31  }
.LBB2_8:
0x14: {  	s0 =	simm.s32 $0x7  }
0x15: {  	_ =	swait.ge [sflag:s0], $0x2780  }
0x16: {  	[sflag:s0] =	ssyncset.done $0x0  }
0x17: {  	s1 =	simm.s32 $0x8;
	[sflag:s0] =	ssyncadd.s32 $0xFFFFD880  }
0x18: {  	_ =	swait.ge [sflag:s1], $0x2780  }
0x19: {  	s16 =	rddreg [dreg:$0xa]  }
0x1a: {  	s31 =	rddreg [dreg:$0x9];
	s16 =	sadd.s32 $0x1, s16  }
0x1b: {  	p0 =	sne.s32 s16, s31  }
.Ltmp1:
0x1c: {  	_ = 	snop;
	(pc) =	sbr.rel @!p0 .LBB2_9-.Ltmp1, $3  }
0x1d: {  	_ =	sdelay $0x1  }
0x1e: {  	[sflag:s1] =	ssyncset.done $0x0  }
0x1f: {  	[sflag:s1] =	ssyncadd.s32 $0xFFFFD880  }
.LBB2_1:
0x20: {  	[dreg:$0xa] =	wrdreg s16  }
0x21: {  	s0 =	rddreg [dreg:$0x3];
	s1 =	simm.s32 $0x9  }
0x22: {  	[tilespmem:s3], [sflag:$0x9] =	stream.linear.gather [hbm4b:s0+s3], $0x400, $0x38;
	[tilespmem:$0x14800] =	vst v63  }
0x23: {  	_ =	swait.ge [sflag:s1], $0x400  }
0x24: {  	[sflag:s1] =	ssyncset.done $0x0  }
0x25: {  	s19 =	rddreg [dreg:$0x4];
	[sflag:s1] =	ssyncadd.s32 $0xFFFFFC00  }
0x26: {  	[tilespmem:s20], [sflag:$0x9] =	stream.linear.gather [hbm4b:s19+s3], $0x800, $0x38;
	[tilespmem:$0x14800] =	vst v63  }
0x27: {  	_ =	swait.ge [sflag:s1], $0x800  }
0x28: {  	[sflag:s1] =	ssyncset.done $0x0  }
0x29: {  	[sflag:s1] =	ssyncadd.s32 $0xFFFFF800  }
0x2a: {  	v2 =	vld [tilespmem:$0x0]  }
0x2b: {  	v4 =	vld [tilespmem:$0x10]  }
0x2c: {  	v5 =	vld [tilespmem:$0x20]  }
0x2d: {  	v6 =	vld [tilespmem:$0x30]  }
0x2e: {  	v8 =	vld [tilespmem:$0x40]  }
0x2f: {  	v10 =	vld [tilespmem:$0x50]  }
0x30: {  	v63 =	vld [tilespmem:$0x60]  }
0x31: {  	v12 =	vld [tilespmem:$0x70]  }
0x32: {  	v13 =	vld [tilespmem:$0x80]  }
0x33: {  	v21 =	vld [tilespmem:$0x90]  }
0x34: {  	v27 =	vld [tilespmem:$0xC0]  }
0x35: {  	v33 =	vld [tilespmem:$0xF0]  }
0x36: {  	v39 =	vld [tilespmem:$0x120]  }
0x37: {  	v45 =	vld [tilespmem:$0x150]  }
0x38: {  	v51 =	vld [tilespmem:$0x180];
	v3 =	vshra.s32 v2, $0x1F;
	v7 =	vshra.s32 v4, $0x1F  }
0x39: {  	v9 =	vshra.s32 v5, $0x1F;
	v62 =	vshra.s32 v6, $0x1F;
	v11 =	vshra.s32 v8, $0x1F  }
0x3a: {  	v17 =	vshra.s32 v10, $0x1F;
	v20 =	vshra.s32 v63, $0x1F;
	v14 =	vshra.s32 v12, $0x1F  }
0x3b: {  	v23 =	vshra.s32 v13, $0x1F;
	v26 =	vshra.s32 v21, $0x1F;
	v32 =	vshra.s32 v27, $0x1F  }
0x3c: {  	v38 =	vshra.s32 v33, $0x1F;
	v44 =	vshra.s32 v39, $0x1F;
	v50 =	vshra.s32 v45, $0x1F  }
0x3d: {  	v56 =	vshra.s32 v51, $0x1F;
	v3 =	vshrl.u32 v3, $0x18;
	v7 =	vshrl.u32 v7, $0x18  }
0x3e: {  	v60 =	vshrl.u32 v9, $0x18;
	v16 =	vshrl.u32 v11, $0x18;
	v19 =	vshrl.u32 v17, $0x18  }
0x3f: {  	v22 =	vshrl.u32 v14, $0x18;
	v25 =	vshrl.u32 v23, $0x18;
	v3 =	vadd.s32 v3, v2  }
0x40: {  	v7 =	vadd.s32 v7, v4;
	v61 =	vadd.s32 v60, v5;
	v3 =	vand.u32 $0xFFFFFF00, v3  }
0x41: {  	v3 =	vsub.s32 v2, v3;
	v2 =	vand.u32 $0xFFFFFF00, v7;
	v7 =	vshrl.u32 v62, $0x18  }
0x42: {  	v57 =	vld [tilespmem:$0x1B0];
	v2 =	vsub.s32 v4, v2;
	v4 =	vand.u32 $0xFFFFFF00, v61;
	v15 =	vadd.s32 v7, v6  }
0x43: {  	v7 =	vadd.s32 v16, v8;
	v4 =	vsub.s32 v5, v4;
	v5 =	vand.u32 $0xFFFFFF00, v15  }
0x44: {  	v16 =	vld [tilespmem:$0xB0];
	v18 =	vand.u32 $0xFFFFFF00, v7;
	v7 =	vadd.s32 v19, v10;
	v6 =	vsub.s32 v6, v5  }
0x45: {  	v15 =	vld [tilespmem:$0xA0];
	v5 =	vsub.s32 v8, v18;
	v7 =	vand.u32 $0xFFFFFF00, v7;
	v8 =	vshrl.u32 v20, $0x18  }
0x46: {  	v19 =	vld [tilespmem:$0xE0];
	v7 =	vsub.s32 v10, v7;
	v8 =	vadd.s32 v8, v63;
	v10 =	vadd.s32 v22, v12  }
0x47: {  	v62 =	vshra.s32 v57, $0x1F;
	v18 =	vld [tilespmem:$0xD0];
	v8 =	vand.u32 $0xFFFFFF00, v8;
	v24 =	vand.u32 $0xFFFFFF00, v10  }
0x48: {  	v10 =	vadd.s32 v25, v13;
	v9 =	vsub.s32 v63, v8;
	v8 =	vsub.s32 v12, v24  }
0x49: {  	v22 =	vld [tilespmem:$0x110];
	v10 =	vand.u32 $0xFFFFFF00, v10;
	v12 =	vshrl.u32 v26, $0x18;
	v29 =	vshra.s32 v16, $0x1F  }
0x4a: {  	v25 =	vld [tilespmem:$0x140];
	v17 =	vshra.s32 v15, $0x1F;
	v10 =	vsub.s32 v13, v10;
	v12 =	vadd.s32 v12, v21  }
0x4b: {  	v24 =	vld [tilespmem:$0x130];
	v31 =	vshrl.u32 v29, $0x18;
	v35 =	vshra.s32 v19, $0x1F;
	v28 =	vshrl.u32 v17, $0x18  }
0x4c: {  	v12 =	vand.u32 $0xFFFFFF00, v12;
	v20 =	vshra.s32 v18, $0x1F;
	v37 =	vshrl.u32 v35, $0x18  }
0x4d: {  	v13 =	vadd.s32 v28, v15;
	v12 =	vsub.s32 v21, v12;
	v34 =	vshrl.u32 v20, $0x18  }
0x4e: {  	v41 =	vshra.s32 v22, $0x1F;
	v30 =	vand.u32 $0xFFFFFF00, v13;
	v13 =	vadd.s32 v31, v16  }
0x4f: {  	v21 =	vld [tilespmem:$0x100];
	v43 =	vshrl.u32 v41, $0x18;
	v47 =	vshra.s32 v25, $0x1F;
	v11 =	vsub.s32 v15, v30  }
0x50: {  	v28 =	vld [tilespmem:$0x170];
	v13 =	vand.u32 $0xFFFFFF00, v13;
	v15 =	vshrl.u32 v32, $0x18;
	v26 =	vshra.s32 v24, $0x1F  }
0x51: {  	v49 =	vshrl.u32 v47, $0x18;
	v13 =	vsub.s32 v16, v13;
	v15 =	vadd.s32 v15, v27  }
0x52: {  	v31 =	vld [tilespmem:$0x1A0];
	v16 =	vadd.s32 v34, v18;
	v46 =	vshrl.u32 v26, $0x18;
	v15 =	vand.u32 $0xFFFFFF00, v15  }
0x53: {  	v30 =	vld [tilespmem:$0x190];
	v36 =	vand.u32 $0xFFFFFF00, v16;
	v16 =	vadd.s32 v37, v19;
	v15 =	vsub.s32 v27, v15  }
0x54: {  	v14 =	vsub.s32 v18, v36;
	v16 =	vand.u32 $0xFFFFFF00, v16;
	v18 =	vshrl.u32 v38, $0x18  }
0x55: {  	v34 =	vld [tilespmem:$0x1D0];
	v23 =	vshra.s32 v21, $0x1F;
	v53 =	vshra.s32 v28, $0x1F;
	v16 =	vsub.s32 v19, v16  }
0x56: {  	v63 =	vld [tilespmem:$0x1E0];
	v18 =	vadd.s32 v18, v33;
	v40 =	vshrl.u32 v23, $0x18;
	v55 =	vshrl.u32 v53, $0x18  }
0x57: {  	v59 =	vshra.s32 v31, $0x1F;
	v18 =	vand.u32 $0xFFFFFF00, v18;
	v19 =	vadd.s32 v40, v21  }
0x58: {  	v27 =	vld [tilespmem:$0x160];
	v32 =	vshra.s32 v30, $0x1F;
	v61 =	vshrl.u32 v59, $0x18;
	v18 =	vsub.s32 v33, v18  }
0x59: {  	v42 =	vand.u32 $0xFFFFFF00, v19;
	v19 =	vadd.s32 v43, v22;
	v58 =	vshrl.u32 v32, $0x18  }
0x5a: {  	v38 =	vshra.s32 v34, $0x1F;
	v17 =	vsub.s32 v21, v42;
	v19 =	vand.u32 $0xFFFFFF00, v19  }
0x5b: {  	v21 =	vshrl.u32 v44, $0x18;
	v40 =	vshrl.u32 v38, $0x18;
	v42 =	vshra.s32 v63, $0x1F  }
0x5c: {  	v19 =	vsub.s32 v22, v19;
	v21 =	vadd.s32 v21, v39;
	v22 =	vadd.s32 v46, v24  }
0x5d: {  	v29 =	vshra.s32 v27, $0x1F;
	v41 =	vadd.s32 v40, v34;
	v44 =	vshrl.u32 v42, $0x18  }
0x5e: {  	v33 =	vld [tilespmem:$0x1C0];
	v21 =	vand.u32 $0xFFFFFF00, v21;
	v48 =	vand.u32 $0xFFFFFF00, v22;
	v22 =	vadd.s32 v49, v25  }
0x5f: {  	[tilespmem:$0x20] =	vst v4;
	v52 =	vshrl.u32 v29, $0x18;
	v4 =	vand.u32 $0xFFFFFF00, v41;
	v47 =	vadd.s32 v44, v63  }
0x60: {  	v21 =	vsub.s32 v39, v21;
	v20 =	vsub.s32 v24, v48;
	v22 =	vand.u32 $0xFFFFFF00, v22  }
0x61: {  	[tilespmem:$0x40] =	vst v5;
	v36 =	vld [tilespmem:$0x1F0];
	v24 =	vshrl.u32 v50, $0x18;
	v4 =	vsub.s32 v34, v4;
	v5 =	vand.u32 $0xFFFFFF00, v47  }
0x62: {  	v46 =	vld [tilespmem:$0x220];
	v22 =	vsub.s32 v25, v22;
	v24 =	vadd.s32 v24, v45;
	v25 =	vadd.s32 v52, v27  }
0x63: {  	v35 =	vshra.s32 v33, $0x1F;
	v5 =	vsub.s32 v63, v5;
	v24 =	vand.u32 $0xFFFFFF00, v24  }
0x64: {  	v54 =	vand.u32 $0xFFFFFF00, v25;
	v25 =	vadd.s32 v55, v28;
	v35 =	vshrl.u32 v35, $0x18  }
0x65: {  	v39 =	vld [tilespmem:$0x200];
	v24 =	vsub.s32 v45, v24;
	v23 =	vsub.s32 v27, v54;
	v25 =	vand.u32 $0xFFFFFF00, v25  }
0x66: {  	v50 =	vld [tilespmem:$0x230];
	v27 =	vshrl.u32 v56, $0x18;
	v37 =	vadd.s32 v35, v33;
	v45 =	vshra.s32 v36, $0x1F  }
0x67: {  	v53 =	vshra.s32 v46, $0x1F;
	v25 =	vsub.s32 v28, v25;
	v27 =	vadd.s32 v27, v51  }
0x68: {  	[tilespmem:$0x80] =	vst v10;
	v43 =	vld [tilespmem:$0x210];
	v28 =	vadd.s32 v58, v30;
	v48 =	vshrl.u32 v45, $0x18;
	v10 =	vshrl.u32 v53, $0x18  }
0x69: {  	v27 =	vand.u32 $0xFFFFFF00, v27;
	v60 =	vand.u32 $0xFFFFFF00, v28;
	v28 =	vadd.s32 v61, v31  }
0x6a: {  	[tilespmem:$0x30] =	vst v6;
	v6 =	vadd.s32 v48, v36;
	v49 =	vshra.s32 v39, $0x1F;
	v10 =	vadd.s32 v10, v46  }
0x6b: {  	[tilespmem:$0x0] =	vst v3;
	v41 =	vld [tilespmem:$0x2D0];
	v55 =	vshra.s32 v50, $0x1F;
	v26 =	vsub.s32 v51, v27;
	v27 =	vsub.s32 v30, v60  }
0x6c: {  	[tilespmem:$0x10] =	vst v2;
	v54 =	vld [tilespmem:$0x250];
	v28 =	vand.u32 $0xFFFFFF00, v28;
	v30 =	vshrl.u32 v62, $0x18;
	v6 =	vand.u32 $0xFFFFFF00, v6  }
0x6d: {  	[tilespmem:$0x50] =	vst v7;
	v56 =	vld [tilespmem:$0x260];
	v7 =	vshrl.u32 v49, $0x18;
	v51 =	vshra.s32 v43, $0x1F;
	v10 =	vand.u32 $0xFFFFFF00, v10  }
0x6e: {  	[tilespmem:$0xA0] =	vst v11;
	v11 =	vshrl.u32 v55, $0x18;
	v28 =	vsub.s32 v31, v28;
	v30 =	vadd.s32 v30, v57  }
0x6f: {  	[tilespmem:$0x70] =	vst v8;
	v52 =	vld [tilespmem:$0x240];
	v6 =	vsub.s32 v36, v6;
	v7 =	vadd.s32 v7, v39;
	v8 =	vshrl.u32 v51, $0x18  }
0x70: {  	[tilespmem:$0x60] =	vst v9;
	v47 =	vld [tilespmem:$0x2F0];
	v10 =	vsub.s32 v46, v10;
	v11 =	vadd.s32 v11, v50;
	v51 =	vshra.s32 v41, $0x1F  }
0x71: {  	[tilespmem:$0x90] =	vst v12;
	v58 =	vld [tilespmem:$0x270];
	v3 =	vand.u32 $0xFFFFFF00, v30;
	v7 =	vand.u32 $0xFFFFFF00, v7;
	v8 =	vadd.s32 v8, v43  }
0x72: {  	[tilespmem:$0xB0] =	vst v13;
	v11 =	vand.u32 $0xFFFFFF00, v11;
	v59 =	vshra.s32 v54, $0x1F;
	v61 =	vshra.s32 v56, $0x1F  }
0x73: {  	[tilespmem:$0xC0] =	vst v15;
	v53 =	vshrl.u32 v51, $0x18;
	v2 =	vsub.s32 v57, v3;
	v3 =	vand.u32 $0xFFFFFF00, v37  }
0x74: {  	[tilespmem:$0xD0] =	vst v14;
	v60 =	vld [tilespmem:$0x280];
	v7 =	vsub.s32 v39, v7;
	v8 =	vand.u32 $0xFFFFFF00, v8;
	v57 =	vshra.s32 v52, $0x1F  }
0x75: {  	[tilespmem:$0x100] =	vst v17;
	v62 =	vld [tilespmem:$0x290];
	v11 =	vsub.s32 v50, v11;
	v14 =	vshrl.u32 v59, $0x18;
	v17 =	vshrl.u32 v61, $0x18  }
0x76: {  	[tilespmem:$0xE0] =	vst v16;
	v55 =	vld [tilespmem:$0x310];
	v29 =	vshra.s32 v58, $0x1F;
	v59 =	vshra.s32 v47, $0x1F;
	v3 =	vsub.s32 v33, v3  }
0x77: {  	[tilespmem:$0xF0] =	vst v18;
	v31 =	vld [tilespmem:$0x2A0];
	v8 =	vsub.s32 v43, v8;
	v13 =	vshrl.u32 v57, $0x18;
	v14 =	vadd.s32 v14, v54  }
0x78: {  	[tilespmem:$0x180] =	vst v26;
	v26 =	vld [tilespmem:$0x340];
	v16 =	vshrl.u32 v29, $0x18;
	v61 =	vshrl.u32 v59, $0x18;
	v13 =	vadd.s32 v13, v52  }
0x79: {  	[tilespmem:$0x110] =	vst v19;
	v63 =	vand.u32 $0xFFFFFF00, v14;
	v14 =	vadd.s32 v17, v56;
	v32 =	vshra.s32 v60, $0x1F  }
0x7a: {  	[tilespmem:$0x1F0] =	vst v6;
	v34 =	vadd.s32 v16, v58;
	v36 =	vshra.s32 v62, $0x1F;
	v6 =	vadd.s32 v61, v47  }
0x7b: {  	[tilespmem:$0x150] =	vst v24;
	v24 =	vshra.s32 v55, $0x1F;
	v13 =	vand.u32 $0xFFFFFF00, v13;
	v14 =	vand.u32 $0xFFFFFF00, v14  }
0x7c: {  	[tilespmem:$0x1A0] =	vst v28;
	v28 =	vld [tilespmem:$0x350];
	v35 =	vshrl.u32 v32, $0x18;
	v39 =	vshrl.u32 v36, $0x18;
	v40 =	vshra.s32 v31, $0x1F  }
0x7d: {  	v37 =	vld [tilespmem:$0x2C0];
	[tilespmem:$0x210] =	vst v8;
	v6 =	vand.u32 $0xFFFFFF00, v6;
	v8 =	vshrl.u32 v24, $0x18;
	v32 =	vshra.s32 v26, $0x1F  }
0x7e: {  	[tilespmem:$0x120] =	vst v21;
	v9 =	vsub.s32 v52, v13;
	v13 =	vsub.s32 v54, v63;
	v12 =	vsub.s32 v56, v14  }
0x7f: {  	[tilespmem:$0x130] =	vst v20;
	v33 =	vld [tilespmem:$0x2B0];
	v14 =	vand.u32 $0xFFFFFF00, v34;
	v16 =	vadd.s32 v35, v60;
	v19 =	vshrl.u32 v40, $0x18  }
0x80: {  	[tilespmem:$0x1D0] =	vst v4;
	v43 =	vld [tilespmem:$0x2E0];
	v56 =	vadd.s32 v53, v41;
	v6 =	vsub.s32 v47, v6;
	v8 =	vadd.s32 v8, v55  }
0x81: {  	[tilespmem:$0x140] =	vst v22;
	v34 =	vshra.s32 v28, $0x1F;
	v14 =	vsub.s32 v58, v14;
	v38 =	vand.u32 $0xFFFFFF00, v16  }
0x82: {  	[tilespmem:$0x1E0] =	vst v5;
	v16 =	vadd.s32 v39, v62;
	v44 =	vadd.s32 v19, v31;
	v46 =	vshra.s32 v37, $0x1F  }
0x83: {  	v4 =	vand.u32 $0xFFFFFF00, v56;
	v8 =	vand.u32 $0xFFFFFF00, v8;
	[tilespmem:$0x260] =	vst v12;
	v12 =	vshrl.u32 v32, $0x18  }
0x84: {  	[tilespmem:$0x160] =	vst v23;
	v15 =	vsub.s32 v60, v38;
	v16 =	vand.u32 $0xFFFFFF00, v16;
	v42 =	vshra.s32 v33, $0x1F  }
0x85: {  	[tilespmem:$0x170] =	vst v25;
	v51 =	vld [tilespmem:$0x3D0];
	v18 =	vand.u32 $0xFFFFFF00, v44;
	v49 =	vshrl.u32 v46, $0x18;
	v54 =	vshra.s32 v43, $0x1F  }
0x86: {  	[tilespmem:$0x190] =	vst v27;
	v52 =	vld [tilespmem:$0x300];
	v4 =	vsub.s32 v41, v4;
	v8 =	vsub.s32 v55, v8;
	v12 =	vadd.s32 v12, v26  }
0x87: {  	v63 =	vld [tilespmem:$0x330];
	[tilespmem:$0x270] =	vst v14;
	v14 =	vshrl.u32 v34, $0x18;
	v16 =	vsub.s32 v62, v16;
	v45 =	vshrl.u32 v42, $0x18  }
0x88: {  	[tilespmem:$0x220] =	vst v10;
	v35 =	vld [tilespmem:$0x380];
	v17 =	vsub.s32 v31, v18;
	v50 =	vadd.s32 v49, v37;
	v57 =	vshrl.u32 v54, $0x18  }
0x89: {  	[tilespmem:$0x1B0] =	vst v2;
	v40 =	vld [tilespmem:$0x3A0];
	v12 =	vand.u32 $0xFFFFFF00, v12;
	v14 =	vadd.s32 v14, v28;
	v19 =	vadd.s32 v45, v33  }
0x8a: {  	[tilespmem:$0x1C0] =	vst v3;
	v60 =	vld [tilespmem:$0x320];
	v3 =	vand.u32 $0xFFFFFF00, v50;
	v58 =	vadd.s32 v57, v43;
	v12 =	vsub.s32 v26, v12  }
0x8b: {  	[tilespmem:$0x200] =	vst v7;
	v44 =	vld [tilespmem:$0x3B0];
	v48 =	vand.u32 $0xFFFFFF00, v19;
	v3 =	vsub.s32 v37, v3;
	v5 =	vand.u32 $0xFFFFFF00, v58  }
0x8c: {  	[tilespmem:$0x230] =	vst v11;
	v55 =	vld [tilespmem:$0x3F0];
	v62 =	vshra.s32 v52, $0x1F;
	v30 =	vshra.s32 v63, $0x1F;
	v58 =	vshra.s32 v51, $0x1F  }
0x8d: {  	[tilespmem:$0x240] =	vst v9;
	v31 =	vld [tilespmem:$0x360];
	v2 =	vsub.s32 v33, v48;
	v5 =	vsub.s32 v43, v5;
	v7 =	vshrl.u32 v62, $0x18  }
0x8e: {  	[tilespmem:$0x250] =	vst v13;
	v49 =	vld.msk [tilespmem:$0x0], $0x1;
	v10 =	vshrl.u32 v30, $0x18;
	v43 =	vshra.s32 v35, $0x1F;
	v48 =	vshra.s32 v40, $0x1F  }
0x8f: {  	[tilespmem:$0x2F0] =	vst v6;
	v7 =	vadd.s32 v7, v52;
	v27 =	vshra.s32 v60, $0x1F;
	v10 =	vadd.s32 v10, v63  }
0x90: {  	[tilespmem:$0x2B0] =	vst v2;
	v2 =	vand.u32 $0xFFFFFF00, v14;
	v45 =	vshrl.u32 v43, $0x18;
	v50 =	vshra.s32 v44, $0x1F  }
0x91: {  	v47 =	vld [tilespmem:$0x3C0];
	[tilespmem:$0x280] =	vst v15;
	v61 =	vshra.s32 v55, $0x1F;
	v7 =	vand.u32 $0xFFFFFF00, v7;
	v29 =	vshrl.u32 v27, $0x18  }
0x92: {  	[tilespmem:$0x310] =	vst v8;
	v10 =	vand.u32 $0xFFFFFF00, v10;
	v36 =	vshra.s32 v31, $0x1F;
	v2 =	vsub.s32 v28, v2  }
0x93: {  	v37 =	vld [tilespmem:$0x390];
	[tilespmem:$0x2E0] =	vst v5;
	v5 =	vadd.s32 v45, v35;
	v8 =	vshrl.u32 v50, $0x18;
	v56 =	vshrl.u32 v49, $0x3  }
0x94: {  	[tilespmem:$0x2D0] =	vst v4;
	v13 =	vand.u32 $0x7, v49;
	v62 =	vshrl.u32 v61, $0x18;
	v7 =	vsub.s32 v52, v7  }
0x95: {  	[tilespmem:$0x290] =	vst v16;
	v33 =	vld [tilespmem:$0x370];
	v9 =	vadd.s32 v29, v60;
	v10 =	vsub.s32 v63, v10;
	v38 =	vshrl.u32 v36, $0x18  }
0x96: {  	[tilespmem:$0x2A0] =	vst v17;
	v5 =	vand.u32 $0xFFFFFF00, v5;
	v8 =	vadd.s32 v8, v44;
	v52 =	vshra.s32 v47, $0x1F  }
0x97: {  	v53 =	vld [tilespmem:$0x3E0];
	[tilespmem:$0x2C0] =	vst v3;
	v57 =	vmul.u32 $0x278, v56;
	v9 =	vand.u32 $0xFFFFFF00, v9;
	v3 =	vadd.s32 v38, v31  }
0x98: {  	v46 =	vshra.s32 v37, $0x1F;
	[tilespmem:$0x300] =	vst v7;
	v5 =	vsub.s32 v35, v5;
	v7 =	vshrl.u32 v48, $0x18  }
0x99: {  	[tilespmem:$0x350] =	vst v2;
	v2 =	vand.u32 $0xFFFFFF00, v8;
	v54 =	vshrl.u32 v52, $0x18;
	v9 =	vsub.s32 v60, v9  }
0x9a: {  	[tilespmem:$0x340] =	vst v12;
	v39 =	vshra.s32 v33, $0x1F;
	v3 =	vand.u32 $0xFFFFFF00, v3;
	v6 =	vshrl.u32 v46, $0x18  }
0x9b: {  	[tilespmem:$0x330] =	vst v10;
	v7 =	vadd.s32 v7, v40;
	v2 =	vsub.s32 v44, v2;
	v59 =	vor.u32 v13, v57  }
0x9c: {  	[tilespmem:$0x380] =	vst v5;
	v60 =	vshra.s32 v53, $0x1F;
	v41 =	vshrl.u32 v39, $0x18;
	v3 =	vsub.s32 v31, v3  }
0x9d: {  	v6 =	vadd.s32 v6, v37;
	[tilespmem:$0x320] =	vst v9;
	v7 =	vand.u32 $0xFFFFFF00, v7;
	v42 =	vadd.s32 v41, v33  }
0x9e: {  	v5 =	vperm.xlane v59, v0;
	[tilespmem:$0x3B0] =	vst v2;
	v6 =	vand.u32 $0xFFFFFF00, v6;
	v4 =	vand.u32 $0xFFFFFF00, v42  }
0x9f: {  	v7 =	vsub.s32 v40, v7;
	[tilespmem:$0x360] =	vst v3;
	v3 =	vadd.s32 v54, v47;
	v4 =	vsub.s32 v33, v4  }
0xa0: {  	v6 =	vsub.s32 v37, v6;
	v3 =	vand.u32 $0xFFFFFF00, v3;
	[tilespmem:$0x370] =	vst v4;
	v4 =	vshrl.u32 v58, $0x18  }
0xa1: {  	v5 =	vadd.s32 v1, v5;
	[tilespmem:$0x390] =	vst v6;
	v6 =	vshrl.u32 v60, $0x18;
	v4 =	vadd.s32 v4, v51  }
0xa2: {  	[tilespmem:$0x3A0] =	vst v7;
	v3 =	vsub.s32 v47, v3;
	v2 =	vadd.s32 v6, v53;
	v4 =	vand.u32 $0xFFFFFF00, v4  }
0xa3: {  	v63 =	vadd.s32 v62, v55;
	[tilespmem:$0x3C0] =	vst v3;
	v2 =	vand.u32 $0xFFFFFF00, v2;
	v3 =	vsub.s32 v51, v4  }
0xa4: {  	v2 =	vsub.s32 v53, v2;
	[tilespmem:$0x3D0] =	vst v3;
	v3 =	vand.u32 $0xFFFFFF00, v63  }
0xa5: {  	[tilespmem:$0x3E0] =	vst v2;
	v2 =	vsub.s32 v55, v3  }
0xa6: {  	s30 =	simm.s32 $0xC00;
	[tilespmem:$0x3F0] =	vst v2  }
0xa7: {  	[tilespmem:s30], [sflag:$0x1] =	stream.indirect_vreg.gather [hbm4b:s2+s3], $0x80, v5, vm0, $0xb8;
	[tilespmem:$0x14800] =	vst v63  }
0xa8: {  	s31 =	simm.s32 $0x1400  }
0xa9: {  	[tilespmem:s31], [sflag:$0x1] =	stream.indirect_vreg.gather [hbm4b:s10+s3], $0x80, v5, vm0, $0xb8;
	[tilespmem:$0x14800] =	vst v63  }
0xaa: {  	s1 =	simm.s32 $0x1C00  }
0xab: {  	[tilespmem:s1], [sflag:$0x1] =	stream.indirect_vreg.gather [hbm4b:s11+s3], $0x80, v5, vm0, $0xb8;
	[tilespmem:$0x14800] =	vst v63  }
0xac: {  	s16 =	simm.s32 $0x2400  }
0xad: {  	[tilespmem:s16], [sflag:$0x1] =	stream.indirect_vreg.gather [hbm4b:s12+s3], $0x80, v5, vm0, $0xb8;
	[tilespmem:$0x14800] =	vst v63  }
0xae: {  	s17 =	simm.s32 $0x2C00  }
0xaf: {  	[tilespmem:s17], [sflag:$0x1] =	stream.indirect_vreg.gather [hbm4b:s13+s3], $0x80, v5, vm1, $0xb8;
	[tilespmem:$0x14800] =	vst v63  }
0xb0: {  	s19 =	simm.s32 $0x5B00;
	s18 =	rddreg [dreg:$0x5]  }
0xb1: {  	[tilespmem:s19], [sflag:$0x3] =	stream.strided.gather [hbm4b:s18+s26], $0x2780, s20, s26, $0x38;
	[tilespmem:$0x14800] =	vst v63  }
0xb2: {  	s30 =	rddreg [dreg:$0x6];
	s31 =	simm.s32 $0xAA00  }
0xb3: {  	[tilespmem:s31], [sflag:$0x5] =	stream.strided.gather [hbm4b:s30+s26], $0x2780, s20, s26, $0x38;
	[tilespmem:$0x14800] =	vst v63  }
0xb4: {  	v2 =	vld.msk [tilespmem:$0x8], $0x1;
	_ =	sdelay $0x4  }
0xb5: {  	v3 =	vshrl.u32 v2, $0x3  }
0xb6: {  	v3 =	vmul.u32 $0x278, v3  }
0xb7: {  	v2 =	vand.u32 $0x7, v2  }
0xb8: {  	v2 =	vor.u32 v2, v3  }
0xb9: {  	v2 =	vperm.xlane v2, v0;
	_ =	sdelay $0x1  }
0xba: {  	v2 =	vadd.s32 v1, v2;
	_ =	sdelay $0x3  }
0xbb: {  	s16 =	simm.s32 $0x3380  }
0xbc: {  	[tilespmem:s16], [sflag:$0x2] =	stream.indirect_vreg.gather [hbm4b:s2+s3], $0x80, v2, vm0, $0xb8;
	[tilespmem:$0x14800] =	vst v63  }
0xbd: {  	s17 =	simm.s32 $0x3B80  }
0xbe: {  	[tilespmem:s17], [sflag:$0x2] =	stream.indirect_vreg.gather [hbm4b:s10+s3], $0x80, v2, vm0, $0xb8;
	[tilespmem:$0x14800] =	vst v63  }
0xbf: {  	s18 =	simm.s32 $0x4380  }
0xc0: {  	[tilespmem:s18], [sflag:$0x2] =	stream.indirect_vreg.gather [hbm4b:s11+s3], $0x80, v2, vm0, $0xb8;
	[tilespmem:$0x14800] =	vst v63  }
0xc1: {  	s19 =	simm.s32 $0x4B80  }
0xc2: {  	[tilespmem:s19], [sflag:$0x2] =	stream.indirect_vreg.gather [hbm4b:s12+s3], $0x80, v2, vm0, $0xb8;
	[tilespmem:$0x14800] =	vst v63  }
0xc3: {  	_ = 	snop  }
0xc4: {  	[tilespmem:s21], [sflag:$0x2] =	stream.indirect_vreg.gather [hbm4b:s13+s3], $0x80, v2, vm1, $0xb8;
	[tilespmem:$0x14800] =	vst v63  }
0xc5: {  	s30 =	rddreg [dreg:$0x7]  }
0xc6: {  	[tilespmem:s22], [sflag:$0x4] =	stream.strided.gather [hbm4b:s30+s26], $0x2780, s20, s26, $0x38;
	[tilespmem:$0x14800] =	vst v63  }
0xc7: {  	s31 =	rddreg [dreg:$0x8];
	s16 =	simm.s32 $0x0  }
0xc8: {  	[tilespmem:s23], [sflag:$0x6] =	stream.strided.gather [hbm4b:s31+s26], $0x2780, s20, s26, $0x38;
	[tilespmem:$0x14800] =	vst v63  }
.LBB2_2:
0xc9: {  	_ =	swait.ge [sflag:s24], $0x2780  }
0xca: {  	[sflag:s24] =	ssyncset.done $0x0  }
0xcb: {  	[sflag:s24] =	ssyncadd.s32 $0xFFFFD880  }
0xcc: {  	_ =	swait.ge [sflag:s25], $0x2780  }
0xcd: {  	[sflag:s25] =	ssyncset.done $0x0  }
0xce: {  	[sflag:s25] =	ssyncadd.s32 $0xFFFFD880  }
0xcf: {  	_ =	swait.ge [sflag:s28], $0x2780  }
0xd0: {  	p0 =	seq.s32 s16, $0x0;
	[sflag:s28] =	ssyncset.done $0x0  }
0xd1: {  	s0 =	simm.s32 @!p0 $0x7;
	[sflag:s28] =	ssyncadd.s32 $0xFFFFD880  }
0xd2: {  	_ =	swait.ge @!p0 [sflag:s0], $0x2780  }
0xd3: {  	s17 =	sshll.u32 s16, $0x5;
	[sflag:s0] =	ssyncset.done @!p0 $0x0  }
0xd4: {  	s31 =	sand.u32 $0x3FFFFFE0, s17;
	[sflag:s0] =	ssyncadd.s32 @!p0 $0xFFFFD880  }
0xd5: {  	s18 =	simm.s32 $0x0;
	v2 =	vld [tilespmem:s31+$0x400]  }
0xd6: {  	v4 =	vld [tilespmem:s18+$0xAA40]  }
0xd7: {  	v5 =	vld [tilespmem:s18+$0xC40]  }
0xd8: {  	v6 =	vld [tilespmem:s18+$0xAA00]  }
0xd9: {  	v7 =	vld [tilespmem:s18+$0x5B40]  }
0xda: {  	v8 =	vld [tilespmem:s18+$0xC00]  }
0xdb: {  	v11 =	vld [tilespmem:s18+$0xAA10]  }
0xdc: {  	v12 =	vld [tilespmem:s18+$0xC10]  }
0xdd: {  	v13 =	vld [tilespmem:s18+$0xAA20]  }
0xde: {  	v14 =	vld [tilespmem:s18+$0xC20]  }
0xdf: {  	v15 =	vld [tilespmem:s18+$0xAA30];
	v3 =	vsub.f32 $1.000000000e+00, v2;
	v4 =	vmul.f32 v5, v4  }
0xe0: {  	v16 =	vld [tilespmem:s18+$0xC30]  }
0xe1: {  	v5 =	vmul.f32 v7, v2;
	v4 =	vmul.f32 v4, v3  }
0xe2: {  	v10 =	vld [tilespmem:s18+$0x5B00]  }
0xe3: {  	v9 =	vld [tilespmem:s18+$0x5B10];
	v6 =	vmul.f32 v8, v6;
	v4 =	vadd.f32 v4, v5  }
0xe4: {  	v7 =	vmul.f32 v12, v11;
	v11 =	vmul.f32 v14, v13;
	v5 =	vld [tilespmem:s18+$0x5B20]  }
0xe5: {  	s30 =	simm.s32 $0x50;
	v8 =	vld [tilespmem:s18+$0x5B30];
	v12 =	vmul.f32 v16, v15;
	v6 =	vmul.f32 v6, v3;
	[tilespmem:s18+$0xF940] =	vst v4  }
0xe6: {  	s19 =	simm.s32 $0x280;
	s17 =	sshll.u32 s16, $0x1;
	v7 =	vmul.f32 v7, v3;
	v11 =	vmul.f32 v11, v3;
	v4 =	vld [tilespmem:s30+$0xAA40]  }
.LBB2_3:
0xe7: {  	p1 =	sne.s32 s19, $0x9B00;
	v13 =	vld [tilespmem:s30+$0xC40];
	v10 =	vmul.f32 v10, v2  }
0xe8: {  	v14 =	vld [tilespmem:s30+$0xAA00];
	v9 =	vmul.f32 v9, v2;
	v12 =	vmul.f32 v12, v3  }
0xe9: {  	v15 =	vld [tilespmem:s30+$0x5B40];
	v6 =	vadd.f32 v6, v10;
	v5 =	vmul.f32 v5, v2  }
0xea: {  	v10 =	vld [tilespmem:s30+$0xC00];
	v7 =	vadd.f32 v7, v9;
	v8 =	vmul.f32 v8, v2  }
0xeb: {  	v9 =	vld [tilespmem:s30+$0xAA10];
	[tilespmem:s18+$0xF900] =	vst v6;
	v5 =	vadd.f32 v11, v5  }
0xec: {  	v11 =	vld [tilespmem:s30+$0xC10];
	v4 =	vmul.f32 v13, v4;
	[tilespmem:s18+$0xF910] =	vst v7;
	v6 =	vadd.f32 v12, v8  }
0xed: {  	v8 =	vld [tilespmem:s30+$0xAA20];
	[tilespmem:s18+$0xF920] =	vst v5  }
0xee: {  	v12 =	vld [tilespmem:s30+$0xC20];
	v5 =	vmul.f32 v15, v2;
	v4 =	vmul.f32 v4, v3;
	[tilespmem:s18+$0xF930] =	vst v6;
	s18 =	smov.u32 s30  }
0xef: {  	v13 =	vld [tilespmem:s18+$0xAA30];
	v6 =	vmul.f32 v10, v14  }
0xf0: {  	v14 =	vld [tilespmem:s18+$0xC30];
	v4 =	vadd.f32 v4, v5  }
.Ltmp2:
0xf1: {  	v10 =	vld [tilespmem:s18+$0x5B00];
	v6 =	vmul.f32 v6, v3;
	v7 =	vmul.f32 v11, v9;
	(pc) =	sbr.rel @p1 .LBB2_3-.Ltmp2, $4  }
0xf2: {  	v9 =	vld [tilespmem:s18+$0x5B10];
	[tilespmem:s18+$0xF940] =	vst v4  }
0xf3: {  	v5 =	vld [tilespmem:s18+$0x5B20];
	v7 =	vmul.f32 v7, v3;
	v11 =	vmul.f32 v12, v8  }
0xf4: {  	s30 =	sshra.s32 s19, $0x2;
	v8 =	vld [tilespmem:s18+$0x5B30]  }
0xf5: {  	s19 =	sadd.s32 $0x140, s19;
	v4 =	vld [tilespmem:s30+$0xAA40];
	v11 =	vmul.f32 v11, v3;
	v12 =	vmul.f32 v14, v13  }
0xf6: {  	v13 =	vld [tilespmem:s30+$0xC40];
	v10 =	vmul.f32 v10, v2  }
0xf7: {  	v14 =	vld [tilespmem:s30+$0xAA00];
	v9 =	vmul.f32 v9, v2  }
0xf8: {  	v15 =	vld [tilespmem:s30+$0x5B40];
	v6 =	vadd.f32 v6, v10;
	v5 =	vmul.f32 v5, v2  }
0xf9: {  	v16 =	vld [tilespmem:s30+$0xAA10];
	v7 =	vadd.f32 v7, v9;
	v9 =	vmul.f32 v12, v3;
	v8 =	vmul.f32 v8, v2  }
0xfa: {  	v10 =	vld [tilespmem:s30+$0xC00];
	[tilespmem:s18+$0xF900] =	vst v6;
	v5 =	vadd.f32 v11, v5  }
0xfb: {  	v6 =	vld [tilespmem:s30+$0xC10];
	[tilespmem:s18+$0xF910] =	vst v7;
	v8 =	vadd.f32 v9, v8  }
0xfc: {  	v4 =	vmul.f32 v13, v4;
	v7 =	vld [tilespmem:s30+$0xAA20];
	[tilespmem:s18+$0xF920] =	vst v5  }
0xfd: {  	v5 =	vld [tilespmem:s30+$0xC20];
	[tilespmem:s18+$0xF930] =	vst v8  }
0xfe: {  	v8 =	vmul.f32 v15, v2;
	v4 =	vmul.f32 v4, v3;
	v9 =	vld [tilespmem:s30+$0xAA30]  }
0xff: {  	v11 =	vld [tilespmem:s30+$0xC30]  }
0x100: {  	v4 =	vadd.f32 v4, v8;
	v8 =	vld [tilespmem:s30+$0x5B00]  }
0x101: {  	v12 =	vld [tilespmem:s30+$0x5B10]  }
0x102: {  	v6 =	vmul.f32 v6, v16;
	[tilespmem:s30+$0xF940] =	vst v4;
	v4 =	vmul.f32 v10, v14;
	v10 =	vld [tilespmem:s30+$0x5B20]  }
0x103: {  	v13 =	vld [tilespmem:s30+$0x5B30]  }
0x104: {  	v6 =	vmul.f32 v6, v3;
	v5 =	vmul.f32 v5, v7  }
0x105: {  	v4 =	vmul.f32 v4, v3;
	v7 =	vmul.f32 v8, v2  }
0x106: {  	s0 =	sor.u32 s6, s17;
	v8 =	vmul.f32 v11, v9;
	v9 =	vmul.f32 v12, v2  }
0x107: {  	s0 =	sshrl.u32 s0, $0x3;
	v5 =	vmul.f32 v5, v3;
	v4 =	vadd.f32 v4, v7;
	v7 =	vmul.f32 v10, v2  }
0x108: {  	s19 =	smul.u32 $0x13C00, s0;
	s18 =	sshll.u32 s16, $0x8;
	v3 =	vmul.f32 v8, v3;
	v6 =	vadd.f32 v6, v9;
	v2 =	vmul.f32 v13, v2  }
0x109: {  	s0 =	sand.u32 $0x300, s18;
	[tilespmem:s30+$0xF900] =	vst v4;
	v4 =	vadd.f32 v5, v7  }
0x10a: {  	s0 =	sor.u32 s0, s19;
	[tilespmem:s30+$0xF910] =	vst v6;
	v2 =	vadd.f32 v3, v2  }
0x10b: {  	s0 =	sshrl.u32 s0, $0x3;
	[tilespmem:s30+$0xF920] =	vst v4  }
0x10c: {  	p1 =	seq.s32 s16, $0x3F;
	s0 =	sadd.s32 s7, s0;
	[tilespmem:s30+$0xF930] =	vst v2  }
0x10d: {  	[hbm4b:s0+s26] =	stream.strided.scatter [tilespmem:s29], [sflag:$0x7], $0x2780, s20, s26, $0x38;
	[tilespmem:$0x14800] =	vst v63  }
0x10e: {  	s0 =	sadd.s32 @!p1 $0x2, s17  }
0x10f: {  	s18 =	sshll.u32 @!p1 s0, $0x3  }
0x110: {  	s18 =	sand.u32 @!p1 $0x3FFFFFF8, s18  }
0x111: {  	v2 =	vld.msk @!p1 [tilespmem:s18+$0x0], $0x1;
	_ =	sdelay $0x4  }
0x112: {  	v3 =	vshrl.u32 @!p1 v2, $0x3  }
0x113: {  	v3 =	vmul.u32 @!p1 $0x278, v3  }
0x114: {  	v2 =	vand.u32 @!p1 $0x7, v2  }
0x115: {  	v4 =	vlaneseq.u32 @!p1;
	v2 =	vor.u32 @!p1 v2, v3;
	v3 =	vimm.s32 @!p1 $0x0  }
0x116: {  	v2 =	vperm.xlane @!p1 v2, v3;
	v3 =	vmul.u32 @!p1 $0x8, v4;
	_ =	sdelay $0x1  }
0x117: {  	v2 =	vadd.s32 @!p1 v3, v2;
	_ =	sdelay $0x3  }
0x118: {  	vm2 =	vmmov @!p1 $0xffff;
	s30 =	simm.s32 @!p1 $0xC00;
	s18 =	simm.s32 @!p1 $0x0  }
0x119: {  	[tilespmem:s30], [sflag:$0x1] =	stream.indirect_vreg.gather @!p1 [hbm4b:s2+s18], $0x80, v2, vm2, $0xb8;
	[tilespmem:$0x14800] =	vst v63  }
0x11a: {  	s30 =	simm.s32 @!p1 $0x1400  }
0x11b: {  	[tilespmem:s30], [sflag:$0x1] =	stream.indirect_vreg.gather @!p1 [hbm4b:s10+s18], $0x80, v2, vm2, $0xb8;
	[tilespmem:$0x14800] =	vst v63  }
0x11c: {  	s30 =	simm.s32 @!p1 $0x1C00  }
0x11d: {  	[tilespmem:s30], [sflag:$0x1] =	stream.indirect_vreg.gather @!p1 [hbm4b:s11+s18], $0x80, v2, vm2, $0xb8;
	[tilespmem:$0x14800] =	vst v63  }
0x11e: {  	s30 =	simm.s32 @!p1 $0x2400  }
0x11f: {  	[tilespmem:s30], [sflag:$0x1] =	stream.indirect_vreg.gather @!p1 [hbm4b:s12+s18], $0x80, v2, vm2, $0xb8;
	[tilespmem:$0x14800] =	vst v63  }
0x120: {  	vm2 =	vmmov @!p1 $0x7fff;
	s30 =	simm.s32 @!p1 $0x2C00  }
0x121: {  	[tilespmem:s30], [sflag:$0x1] =	stream.indirect_vreg.gather @!p1 [hbm4b:s13+s18], $0x80, v2, vm2, $0xb8;
	[tilespmem:$0x14800] =	vst v63  }
0x122: {  	s18 =	sadd.s32 @!p1 s6, s0  }
0x123: {  	s18 =	sshrl.u32 @!p1 s18, $0x3  }
0x124: {  	s0 =	sshll.u32 @!p1 s0, $0x7;
	s18 =	smul.u32 @!p1 $0x13C00, s18  }
0x125: {  	s0 =	sand.u32 @!p1 $0x300, s0  }
0x126: {  	s0 =	sor.u32 @!p1 s0, s18  }
0x127: {  	s31 =	simm.s32 @!p1 $0x400;
	s0 =	sshrl.u32 @!p1 s0, $0x3  }
0x128: {  	s1 =	simm.s32 @!p1 $0x5B00;
	s30 =	simm.s32 @!p1 $0x80;
	s18 =	sadd.s32 @!p1 s4, s0  }
0x129: {  	[tilespmem:s1], [sflag:$0x3] =	stream.strided.gather @!p1 [hbm4b:s18+s30], $0x2780, s31, s30, $0x38;
	[tilespmem:$0x14800] =	vst v63  }
0x12a: {  	s0 =	sadd.s32 @!p1 s5, s0;
	s1 =	simm.s32 @!p1 $0xAA00  }
0x12b: {  	[tilespmem:s1], [sflag:$0x5] =	stream.strided.gather @!p1 [hbm4b:s0+s30], $0x2780, s31, s30, $0x38;
	[tilespmem:$0x14800] =	vst v63  }
0x12c: {  	_ =	swait.ge [sflag:s8], $0x2780  }
0x12d: {  	[sflag:s8] =	ssyncset.done $0x0  }
0x12e: {  	[sflag:s8] =	ssyncadd.s32 $0xFFFFD880  }
0x12f: {  	_ =	swait.ge [sflag:s9], $0x2780  }
0x130: {  	[sflag:s9] =	ssyncset.done $0x0  }
0x131: {  	[sflag:s9] =	ssyncadd.s32 $0xFFFFD880  }
0x132: {  	_ =	swait.ge [sflag:s14], $0x2780  }
0x133: {  	[sflag:s14] =	ssyncset.done $0x0  }
0x134: {  	s0 =	simm.s32 @!p0 $0x8;
	[sflag:s14] =	ssyncadd.s32 $0xFFFFD880  }
0x135: {  	s18 =	sor.u32 $0x1, s17;
	_ =	swait.ge @!p0 [sflag:s0], $0x2780  }
0x136: {  	s1 =	sshll.u32 s18, $0x4;
	[sflag:s0] =	ssyncset.done @!p0 $0x0  }
0x137: {  	s1 =	sand.u32 $0x3FFFFFF0, s1;
	[sflag:s0] =	ssyncadd.s32 @!p0 $0xFFFFD880  }
0x138: {  	s30 =	simm.s32 $0x0;
	v2 =	vld [tilespmem:s1+$0x400]  }
0x139: {  	v4 =	vld [tilespmem:s30+$0xD1C0]  }
0x13a: {  	v5 =	vld [tilespmem:s30+$0x33C0]  }
0x13b: {  	v6 =	vld [tilespmem:s30+$0xD180]  }
0x13c: {  	v7 =	vld [tilespmem:s30+$0x82C0]  }
0x13d: {  	v8 =	vld [tilespmem:s30+$0x3380]  }
0x13e: {  	v11 =	vld [tilespmem:s30+$0xD190]  }
0x13f: {  	v12 =	vld [tilespmem:s30+$0x3390]  }
0x140: {  	v13 =	vld [tilespmem:s30+$0xD1A0]  }
0x141: {  	v14 =	vld [tilespmem:s30+$0x33A0]  }
0x142: {  	v15 =	vld [tilespmem:s30+$0xD1B0];
	v3 =	vsub.f32 $1.000000000e+00, v2;
	v4 =	vmul.f32 v5, v4  }
0x143: {  	v63 =	vld [tilespmem:s30+$0x33B0]  }
0x144: {  	v5 =	vmul.f32 v7, v2;
	v4 =	vmul.f32 v4, v3  }
0x145: {  	v10 =	vld [tilespmem:s30+$0x8280]  }
0x146: {  	v9 =	vld [tilespmem:s30+$0x8290];
	v6 =	vmul.f32 v8, v6;
	v4 =	vadd.f32 v4, v5  }
0x147: {  	v7 =	vmul.f32 v12, v11;
	v11 =	vmul.f32 v14, v13;
	v5 =	vld [tilespmem:s30+$0x82A0]  }
0x148: {  	s31 =	simm.s32 $0x50;
	v8 =	vld [tilespmem:s30+$0x82B0];
	v12 =	vmul.f32 v63, v15;
	v6 =	vmul.f32 v6, v3;
	[tilespmem:s30+$0x120C0] =	vst v4  }
0x149: {  	s0 =	simm.s32 $0x280;
	v7 =	vmul.f32 v7, v3;
	v11 =	vmul.f32 v11, v3;
	v4 =	vld [tilespmem:s31+$0xD1C0]  }
.LBB2_5:
0x14a: {  	p0 =	sne.s32 s0, $0x9B00;
	v13 =	vld [tilespmem:s31+$0x33C0];
	v10 =	vmul.f32 v10, v2  }
0x14b: {  	v14 =	vld [tilespmem:s31+$0xD180];
	v9 =	vmul.f32 v9, v2;
	v12 =	vmul.f32 v12, v3  }
0x14c: {  	v15 =	vld [tilespmem:s31+$0x82C0];
	v6 =	vadd.f32 v6, v10;
	v5 =	vmul.f32 v5, v2  }
0x14d: {  	v10 =	vld [tilespmem:s31+$0x3380];
	v7 =	vadd.f32 v7, v9;
	v8 =	vmul.f32 v8, v2  }
0x14e: {  	v9 =	vld [tilespmem:s31+$0xD190];
	[tilespmem:s30+$0x12080] =	vst v6;
	v5 =	vadd.f32 v11, v5  }
0x14f: {  	v11 =	vld [tilespmem:s31+$0x3390];
	v4 =	vmul.f32 v13, v4;
	[tilespmem:s30+$0x12090] =	vst v7;
	v6 =	vadd.f32 v12, v8  }
0x150: {  	v8 =	vld [tilespmem:s31+$0xD1A0];
	[tilespmem:s30+$0x120A0] =	vst v5  }
0x151: {  	v12 =	vld [tilespmem:s31+$0x33A0];
	v5 =	vmul.f32 v15, v2;
	v4 =	vmul.f32 v4, v3;
	[tilespmem:s30+$0x120B0] =	vst v6;
	s30 =	smov.u32 s31  }
0x152: {  	v13 =	vld [tilespmem:s30+$0xD1B0];
	v6 =	vmul.f32 v10, v14  }
0x153: {  	v14 =	vld [tilespmem:s30+$0x33B0];
	v4 =	vadd.f32 v4, v5  }
.Ltmp3:
0x154: {  	v10 =	vld [tilespmem:s30+$0x8280];
	v6 =	vmul.f32 v6, v3;
	v7 =	vmul.f32 v11, v9;
	(pc) =	sbr.rel @p0 .LBB2_5-.Ltmp3, $4  }
0x155: {  	v9 =	vld [tilespmem:s30+$0x8290];
	[tilespmem:s30+$0x120C0] =	vst v4  }
0x156: {  	v5 =	vld [tilespmem:s30+$0x82A0];
	v7 =	vmul.f32 v7, v3;
	v11 =	vmul.f32 v12, v8  }
0x157: {  	s31 =	sshra.s32 s0, $0x2;
	v8 =	vld [tilespmem:s30+$0x82B0]  }
0x158: {  	s0 =	sadd.s32 $0x140, s0;
	v4 =	vld [tilespmem:s31+$0xD1C0];
	v11 =	vmul.f32 v11, v3;
	v12 =	vmul.f32 v14, v13  }
0x159: {  	v13 =	vld [tilespmem:s31+$0x33C0];
	v10 =	vmul.f32 v10, v2  }
0x15a: {  	v14 =	vld [tilespmem:s31+$0xD180];
	v9 =	vmul.f32 v9, v2  }
0x15b: {  	v15 =	vld [tilespmem:s31+$0x82C0];
	v6 =	vadd.f32 v6, v10;
	v5 =	vmul.f32 v5, v2  }
0x15c: {  	v49 =	vld [tilespmem:s31+$0x3380];
	v50 =	vmul.f32 v12, v3;
	v7 =	vadd.f32 v7, v9;
	v8 =	vmul.f32 v8, v2  }
0x15d: {  	v16 =	vld [tilespmem:s31+$0xD190];
	[tilespmem:s30+$0x12080] =	vst v6;
	v5 =	vadd.f32 v11, v5  }
0x15e: {  	v6 =	vld [tilespmem:s31+$0x3390];
	[tilespmem:s30+$0x12090] =	vst v7;
	v8 =	vadd.f32 v50, v8  }
0x15f: {  	v7 =	vld [tilespmem:s31+$0xD1A0];
	[tilespmem:s30+$0x120A0] =	vst v5  }
0x160: {  	v5 =	vld [tilespmem:s31+$0x33A0];
	[tilespmem:s30+$0x120B0] =	vst v8  }
0x161: {  	v4 =	vmul.f32 v13, v4;
	v52 =	vld [tilespmem:s31+$0xD1B0]  }
0x162: {  	v53 =	vld [tilespmem:s31+$0x33B0]  }
0x163: {  	v51 =	vmul.f32 v15, v2;
	v4 =	vmul.f32 v4, v3;
	v54 =	vld [tilespmem:s31+$0x8280]  }
0x164: {  	v55 =	vld [tilespmem:s31+$0x8290]  }
0x165: {  	v56 =	vmul.f32 v49, v14;
	v57 =	vld [tilespmem:s31+$0x82A0];
	v4 =	vadd.f32 v4, v51;
	v6 =	vmul.f32 v6, v16  }
0x166: {  	v58 =	vld [tilespmem:s31+$0x82B0]  }
0x167: {  	[tilespmem:s31+$0x120C0] =	vst v4;
	v4 =	vmul.f32 v56, v3;
	v6 =	vmul.f32 v6, v3  }
0x168: {  	v5 =	vmul.f32 v5, v7;
	v59 =	vmul.f32 v54, v2  }
0x169: {  	v60 =	vmul.f32 v53, v52;
	v61 =	vmul.f32 v55, v2  }
0x16a: {  	v62 =	vmul.f32 v57, v2;
	v5 =	vmul.f32 v5, v3;
	v4 =	vadd.f32 v4, v59  }
0x16b: {  	s0 =	sshll.u32 s18, $0x7;
	v2 =	vmul.f32 v58, v2;
	v3 =	vmul.f32 v60, v3;
	v6 =	vadd.f32 v6, v61  }
.Ltmp4:
0x16c: {  	s0 =	sand.u32 $0x380, s0;
	v63 =	vadd.f32 v5, v62;
	[tilespmem:s31+$0x12080] =	vst v4;
	(pc) =	sbr.rel @p1 .LBB2_8-.Ltmp4, $4  }
0x16d: {  	s0 =	sor.u32 s0, s19;
	[tilespmem:s31+$0x12090] =	vst v6;
	v2 =	vadd.f32 v3, v2  }
0x16e: {  	s0 =	sshrl.u32 s0, $0x3;
	[tilespmem:s31+$0x120A0] =	vst v63  }
0x16f: {  	s0 =	sadd.s32 s7, s0;
	[tilespmem:s31+$0x120B0] =	vst v2  }
0x170: {  	[hbm4b:s0+s26] =	stream.strided.scatter [tilespmem:s15], [sflag:$0x8], $0x2780, s20, s26, $0x38;
	[tilespmem:$0x14800] =	vst v63  }
0x171: {  	s0 =	sadd.s32 $0x3, s17  }
0x172: {  	s1 =	sshll.u32 s0, $0x3  }
0x173: {  	s1 =	sand.u32 $0x3FFFFFF8, s1  }
0x174: {  	v2 =	vld.msk [tilespmem:s1+$0x0], $0x1;
	_ =	sdelay $0x4  }
0x175: {  	v3 =	vshrl.u32 v2, $0x3  }
0x176: {  	v3 =	vmul.u32 $0x278, v3  }
0x177: {  	v2 =	vand.u32 $0x7, v2  }
0x178: {  	v2 =	vor.u32 v2, v3  }
0x179: {  	v2 =	vperm.xlane v2, v0;
	_ =	sdelay $0x1  }
0x17a: {  	v2 =	vadd.s32 v1, v2;
	_ =	sdelay $0x3  }
0x17b: {  	s31 =	simm.s32 $0x3380  }
0x17c: {  	[tilespmem:s31], [sflag:$0x2] =	stream.indirect_vreg.gather [hbm4b:s2+s3], $0x80, v2, vm0, $0xb8;
	[tilespmem:$0x14800] =	vst v63  }
0x17d: {  	s17 =	simm.s32 $0x3B80;
	s30 =	sadd.s32 s6, s0  }
0x17e: {  	[tilespmem:s17], [sflag:$0x2] =	stream.indirect_vreg.gather [hbm4b:s10+s3], $0x80, v2, vm0, $0xb8;
	[tilespmem:$0x14800] =	vst v63  }
0x17f: {  	s18 =	simm.s32 $0x4380;
	s0 =	sshll.u32 s0, $0x7;
	s1 =	sshrl.u32 s30, $0x3  }
0x180: {  	[tilespmem:s18], [sflag:$0x2] =	stream.indirect_vreg.gather [hbm4b:s11+s3], $0x80, v2, vm0, $0xb8;
	[tilespmem:$0x14800] =	vst v63  }
0x181: {  	s19 =	simm.s32 $0x4B80;
	s0 =	sand.u32 $0x380, s0;
	s1 =	smul.u32 $0x13C00, s1  }
0x182: {  	[tilespmem:s19], [sflag:$0x2] =	stream.indirect_vreg.gather [hbm4b:s12+s3], $0x80, v2, vm0, $0xb8;
	[tilespmem:$0x14800] =	vst v63  }
0x183: {  	s0 =	sor.u32 s0, s1  }
0x184: {  	[tilespmem:s21], [sflag:$0x2] =	stream.indirect_vreg.gather [hbm4b:s13+s3], $0x80, v2, vm1, $0xb8;
	[tilespmem:$0x14800] =	vst v63  }
.Ltmp5:
0x185: {  	s0 =	sshrl.u32 s0, $0x3;
	(pc) =	sbr.rel .LBB2_2-.Ltmp5, $4  }
0x186: {  	s31 =	sadd.s32 s4, s0  }
0x187: {  	[tilespmem:s22], [sflag:$0x4] =	stream.strided.gather [hbm4b:s31+s26], $0x2780, s20, s26, $0x38;
	[tilespmem:$0x14800] =	vst v63  }
0x188: {  	s16 =	sadd.s32 $0x1, s16;
	s0 =	sadd.s32 s5, s0  }
0x189: {  	[tilespmem:s23], [sflag:$0x6] =	stream.strided.gather [hbm4b:s0+s26], $0x2780, s20, s26, $0x38;
	[tilespmem:$0x14800] =	vst v63  }
.LBB2_9:
0x18a: {  	_ =	sfence.sel $0x180000  }
0x18b: {  	[bflag:$0x0] =	sbarrier.arrive $0xFFFF  }
0x18c: {  	_ =	strace $0x90000047  }
0x18d: {  	s0 =	stileid.u32;
	[bflag:$0x2] =	sbarrier.arrive $0xFFFF  }
0x18e: {  	p0 =	sne.s32 s0, $0x0;
	s0 =	rddreg [dreg:$0x2]  }
0x18f: {  	s0 =	sadd.s32 @!p0 $0x100000, s0  }
0x190: {  	[sflag:s0] =	ssyncadd.tile.s32 @!p0 $0x1;
	_ =	shalt  }
.Lfunc_end2:
_tile_overlayer_lowered:
.L_overlay_start_2:
0x191: {  	(tag) =	ssettag $0x2  }
0x192: {  	s0 =	rddreg [dreg:$0x0];
	s2 =	stileid.u32  }
0x193: {  	s1 =	rddreg [dreg:$0x1];
	p0 =	sne.s32 s2, $0x0  }
0x194: {  	s3 =	rddreg [dreg:$0x2];
	[bflag:$0x3] =	sbarrier.arrive $0xFFFF;
	s2 =	simm.s32 @!p0 $0x1C09  }
0x195: {  	[timem:s3], [sflag:s2] =	dma.local @!p0 [hbm:s0], s1  }
0x196: {  	s0 =	simm.s32 @!p0 $0x9  }
0x197: {  	_ =	swait.ge @!p0 [sflag:s0], s1  }
0x198: {  	s1 =	ssub.s32 @!p0 $0x0, s1;
	[sflag:s0] =	ssyncset.done @!p0 $0x0  }
0x199: {  	[sflag:s0] =	ssyncadd.s32 @!p0 s1  }
0x19a: {  	[bflag:$0x3] =	sbarrier.arrive $0xFFFF  }
0x19b: {  	_ =	shalt  }

</sc_bundles>
